<compile_context>
chip_gen: v7x
topology: tpu7x:2x2x1
jax: 0.10.2.dev20260603
libtpu: 0.0.44.dev20260713+nightly
codegen_flags: <defaults>
</compile_context>

<pallas_src>
import functools

import jax
import jax.numpy as jnp
from jax import lax
from jax.experimental import pallas as pl
from jax.experimental.pallas import tpu as pltpu
from jax.experimental.pallas import tpu_sc as plsc

N = 10000
E = 320000
ED = 16
H = 8
FH = 16
D = H * FH

NC = 2
NS = 16
NW = NC * NS
NP8 = 10240
NPT = NP8 // NW
NSP = 2
NPP = NPT // NSP
SB = 6400
NG = SB // FH
NB = E // SB
KQ = 64
QCAP = 96

_MESH = dict(core_axis_name="c", subcore_axis_name="s", num_cores=NC,
             num_subcores=NS)
_PARAMS = dict(
    mesh=plsc.VectorSubcoreMesh(**_MESH),
    compiler_params=pltpu.CompilerParams(needs_layout_passes=False),
)


def _tc_xlxr(x, Wl, bl, Wr, br):
    B = 1000

    def body(x_ref, wl_ref, bl_ref, wr_ref, br_ref, xl_ref, xr_ref):
        xv = x_ref[...]
        xl_ref[...] = jnp.dot(xv, wl_ref[...],
                              preferred_element_type=jnp.float32) + bl_ref[...]
        xr_ref[...] = jnp.dot(xv, wr_ref[...],
                              preferred_element_type=jnp.float32) + br_ref[...]

    return pl.pallas_call(
        body,
        grid=(N // B,),
        in_specs=[
            pl.BlockSpec((B, D), lambda i: (i, 0)),
            pl.BlockSpec((D, D), lambda i: (0, 0)),
            pl.BlockSpec((D,), lambda i: (0,)),
            pl.BlockSpec((D, D), lambda i: (0, 0)),
            pl.BlockSpec((D,), lambda i: (0,)),
        ],
        out_specs=[pl.BlockSpec((B, D), lambda i: (i, 0)),
                   pl.BlockSpec((B, D), lambda i: (i, 0))],
        out_shape=[jax.ShapeDtypeStruct((N, D), jnp.float32),
                   jax.ShapeDtypeStruct((N, D), jnp.float32)],
    )(x, Wl, bl, Wr, br)


def _tc_ee(edge_attr, We):
    B = 4000

    def body(ea_ref, we_ref, ee_ref):
        ee_ref[...] = jnp.dot(ea_ref[...], we_ref[...],
                              preferred_element_type=jnp.float32)

    return pl.pallas_call(
        body,
        grid=(E // B,),
        in_specs=[pl.BlockSpec((B, ED), lambda i: (i, 0)),
                  pl.BlockSpec((ED, D), lambda i: (0, 0))],
        out_specs=pl.BlockSpec((B, D), lambda i: (i, 0)),
        out_shape=jax.ShapeDtypeStruct((E, D), jnp.float32),
    )(edge_attr, We)


def _sc_edge_pass(src, dst, xl, xr, ee, att):

    @functools.partial(
        pl.kernel,
        out_type=[jax.ShapeDtypeStruct((NP8, D), jnp.float32),
                  jax.ShapeDtypeStruct((NP8, ED), jnp.float32),
                  jax.ShapeDtypeStruct((NP8, D), jnp.float32)],
        scratch_types=[
            pltpu.VMEM((SB,), jnp.int32),
            pltpu.VMEM((SB,), jnp.int32),
            pltpu.VMEM((QCAP,), jnp.int32),
            pltpu.VMEM((QCAP,), jnp.int32),
            pltpu.VMEM((QCAP,), jnp.int32),
            pltpu.VMEM((KQ, D), jnp.float32),
            pltpu.VMEM((KQ, D), jnp.float32),
            pltpu.VMEM((KQ, D), jnp.float32),
            pltpu.VMEM((NPP, D), jnp.float32),
            pltpu.VMEM((NPP, ED), jnp.float32),
            pltpu.VMEM((NPP, D), jnp.float32),
            pltpu.VMEM((H, FH), jnp.float32),
            pltpu.SemaphoreType.DMA,
        ],
        **_PARAMS,
    )
    def k(src_h, dst_h, xl_h, xr_h, ee_h, att_h,
          num_out, dencnt_out, eesum_out,
          dstb, srcb, qdst, qsrc, qeid, xlg, xrg, eeg,
          num_t, dc_t, ees_t, att_v, sem):
        c = lax.axis_index("c")
        s = lax.axis_index("s")
        wid = s * NC + c
        lo = wid * NPT

        zf = jnp.zeros((FH,), jnp.float32)
        zi = jnp.zeros((FH,), jnp.int32)
        lanes = lax.iota(jnp.int32, FH)

        for q in range(QCAP // FH):
            qdst[pl.ds(q * FH, FH)] = zi
            qsrc[pl.ds(q * FH, FH)] = zi
            qeid[pl.ds(q * FH, FH)] = zi
        pltpu.sync_copy(att_h, att_v)

        den_cnt_one = jnp.where(lanes >= H, 1.0, 0.0)
        qdst_idx = qdst.at[pl.ds(0, KQ)]
        qsrc_idx = qsrc.at[pl.ds(0, KQ)]
        qeid_idx = qeid.at[pl.ds(0, KQ)]

        for p in range(NSP):
            lo = wid * NPT + p * NPP

            def zero_rows(i, carry):
                for hh in range(H):
                    num_t[i, pl.ds(hh * FH, FH)] = zf
                    ees_t[i, pl.ds(hh * FH, FH)] = zf
                dc_t[i, :] = zf
                return carry

            lax.fori_loop(0, NPP, zero_rows, 0)

            def process(kcnt):
                g1 = pltpu.async_copy(xl_h.at[qsrc_idx], xlg, sem)
                g2 = pltpu.async_copy(xr_h.at[qdst_idx], xrg, sem)
                g3 = pltpu.async_copy(ee_h.at[qeid_idx], eeg, sem)
                g1.wait()
                g2.wait()
                g3.wait()

                def edge(e, carry2):
                    @pl.when(e < kcnt)
                    def _():
                        r = qdst[pl.ds(e, FH)][0] - lo
                        den = den_cnt_one
                        for h in range(H):
                            sl = pl.ds(h * FH, FH)
                            xlv = xlg[e, sl]
                            eev = eeg[e, sl]
                            m = xlv + xrg[e, sl] + eev
                            m = jnp.maximum(m, 0.2 * m)
                            a = jnp.sum(m * att_v[h, :])
                            exv = jnp.exp(jnp.full((FH,), a, jnp.float32))
                            num_t[r, sl] = num_t[r, sl] + xlv * exv
                            ees_t[r, sl] = ees_t[r, sl] + eev
                            den = jnp.where(lanes == h, exv, den)
                        dc_t[r, :] = dc_t[r, :] + den
                    return carry2

                lax.fori_loop(0, KQ, edge, 0)

            def scan_block(b, mcnt):
                off = b * SB
                pltpu.sync_copy(dst_h.at[pl.ds(off, SB)], dstb)
                pltpu.sync_copy(src_h.at[pl.ds(off, SB)], srcb)

                def group(j, mc):
                    dv = dstb[pl.ds(j * FH, FH)]
                    mask = jnp.logical_and(dv >= lo, dv < lo + NPP)
                    nm = plsc.all_reduce_population_count(mask)[0]

                    @pl.when(nm > 0)
                    def _():
                        plsc.store_compressed(qdst.at[pl.ds(mc, FH)], dv,
                                              mask=mask)
                        plsc.store_compressed(qsrc.at[pl.ds(mc, FH)],
                                              srcb[pl.ds(j * FH, FH)],
                                              mask=mask)
                        plsc.store_compressed(qeid.at[pl.ds(mc, FH)],
                                              lanes + (off + j * FH),
                                              mask=mask)

                    mc = mc + nm
                    do_flush = mc >= KQ

                    @pl.when(do_flush)
                    def _():
                        process(jnp.int32(KQ))
                        qdst[pl.ds(0, FH)] = qdst[pl.ds(KQ, FH)]
                        qsrc[pl.ds(0, FH)] = qsrc[pl.ds(KQ, FH)]
                        qeid[pl.ds(0, FH)] = qeid[pl.ds(KQ, FH)]

                    return jnp.where(do_flush, mc - KQ, mc)

                return lax.fori_loop(0, NG, group, mcnt)

            mcnt = lax.fori_loop(0, NB, scan_block, jnp.int32(0))

            @pl.when(mcnt > 0)
            def _():
                process(mcnt)

            pltpu.sync_copy(num_t, num_out.at[pl.ds(lo, NPP)])
            pltpu.sync_copy(dc_t, dencnt_out.at[pl.ds(lo, NPP)])
            pltpu.sync_copy(ees_t, eesum_out.at[pl.ds(lo, NPP)])

    return k(src, dst, xl, xr, ee, att)


def _tc_final(num, dencnt, eesum, xl, xr, A, Expand, P2, M2,
              bias, gamma, beta):
    B = 1000

    def body(num_ref, dc_ref, ees_ref, xl_ref, xr_ref,
             a_ref, ex_ref, p2_ref, m2_ref, bias_ref, gamma_ref, beta_ref,
             y_ref):
        num = num_ref[...]
        dcv = dc_ref[...]
        den8 = jnp.dot(dcv, p2_ref[...],
                       preferred_element_type=jnp.float32)
        cnt128 = jnp.dot(dcv, m2_ref[...],
                         preferred_element_type=jnp.float32)
        eel = ees_ref[...] / jnp.maximum(cnt128, 1.0)
        xlv = xl_ref[...]
        ml = xlv + xr_ref[...] + eel
        ml = jnp.maximum(ml, 0.2 * ml)
        al8 = jnp.dot(ml, a_ref[...], preferred_element_type=jnp.float32)
        exl = jnp.exp(al8)
        den8 = den8 + exl
        exl128 = jnp.dot(exl, ex_ref[...], preferred_element_type=jnp.float32)
        den128 = jnp.dot(den8, ex_ref[...], preferred_element_type=jnp.float32)
        out = (num + xlv * exl128) / den128 + bias_ref[...]
        mu = jnp.mean(out, axis=-1, keepdims=True)
        var = jnp.mean((out - mu) ** 2, axis=-1, keepdims=True)
        y = (out - mu) / jnp.sqrt(var + 1e-5) * gamma_ref[...] + beta_ref[...]
        y_ref[...] = jnp.where(y > 0, y, jnp.exp(jnp.minimum(y, 0.0)) - 1.0)

    return pl.pallas_call(
        body,
        grid=(N // B,),
        in_specs=[
            pl.BlockSpec((B, D), lambda i: (i, 0)),
            pl.BlockSpec((B, ED), lambda i: (i, 0)),
            pl.BlockSpec((B, D), lambda i: (i, 0)),
            pl.BlockSpec((B, D), lambda i: (i, 0)),
            pl.BlockSpec((B, D), lambda i: (i, 0)),
            pl.BlockSpec((D, H), lambda i: (0, 0)),
            pl.BlockSpec((H, D), lambda i: (0, 0)),
            pl.BlockSpec((ED, H), lambda i: (0, 0)),
            pl.BlockSpec((ED, D), lambda i: (0, 0)),
            pl.BlockSpec((D,), lambda i: (0,)),
            pl.BlockSpec((D,), lambda i: (0,)),
            pl.BlockSpec((D,), lambda i: (0,)),
        ],
        out_specs=pl.BlockSpec((B, D), lambda i: (i, 0)),
        out_shape=jax.ShapeDtypeStruct((N, D), jnp.float32),
    )(num, dencnt, eesum, xl, xr, A, Expand, P2, M2, bias, gamma, beta)


def kernel(x, edge_index, edge_attr, Wl, bl, Wr, br, We, att, bias, gamma, beta):
    src = edge_index[0]
    dst = edge_index[1]

    eye8 = jnp.eye(H, dtype=jnp.float32)
    A = (att.reshape(H, FH, 1) * eye8[:, None, :]).reshape(D, H)
    Expand = jnp.kron(eye8, jnp.ones((1, FH), jnp.float32))
    P2 = jnp.eye(ED, dtype=jnp.float32)[:, :H]
    M2 = jnp.zeros((ED, D), jnp.float32).at[H:, :].set(1.0 / H)

    xl, xr = _tc_xlxr(x, Wl, bl, Wr, br)
    ee = _tc_ee(edge_attr, We)
    num, dencnt, eesum = _sc_edge_pass(src, dst, xl, xr, ee, att)
    return _tc_final(num[:N], dencnt[:N], eesum[:N], xl, xr,
                     A, Expand, P2, M2, bias, gamma, beta)

# --- scband reference (transcript-rebuilt; emitter-appended) ---
"""Pipeline reference for scband-typed-gatlayer-4303557230663 (READ-ONLY COPY).

The authoritative reference and input builder live on the scoring server;
editing this copy changes nothing except your own understanding.
"""

import jax, jax.numpy as jnp
import numpy as np

N = 10000
E = 320000
IN = 128
OUT = 128
H = 8
FH = 16
ED = 16

def setup_inputs(seed: int = 0):
    key = jax.random.key(seed)
    ks = jax.random.split(key, 12)
    s = 0.05
    x = jax.random.normal(ks[0], (N, IN), dtype=jnp.float32)
    edge_index = jax.random.randint(ks[1], (2, E), 0, N, dtype=jnp.int32)
    edge_attr = jax.random.uniform(ks[2], (E, ED), dtype=jnp.float32)
    Wl = jax.random.normal(ks[3], (IN, H * FH), dtype=jnp.float32) * s
    bl = jnp.zeros((H * FH,), jnp.float32)
    Wr = jax.random.normal(ks[4], (IN, H * FH), dtype=jnp.float32) * s
    br = jnp.zeros((H * FH,), jnp.float32)
    We = jax.random.normal(ks[5], (ED, H * FH), dtype=jnp.float32) * s
    att = jax.random.normal(ks[6], (H, FH), dtype=jnp.float32) * s
    bias = jnp.zeros((OUT,), jnp.float32)
    gamma = jnp.ones((OUT,), jnp.float32)
    beta = jnp.zeros((OUT,), jnp.float32)
    return {"x": x, "edge_index": edge_index, "edge_attr": edge_attr, "Wl": Wl, "bl": bl, "Wr": Wr, "br": br, "We": We, "att": att, "bias": bias, "gamma": gamma, "beta": beta}

def reference(x, edge_index, edge_attr, Wl, bl, Wr, br, We, att, bias, gamma, beta):
    n = x.shape[0]
    src = edge_index[0]
    dst = edge_index[1]
    # add_self_loops with fill_value='mean': self-loop edge_attr = mean of incoming edge_attr per node
    ea_sum = jax.ops.segment_sum(edge_attr, dst, num_segments=n)
    cnt = jax.ops.segment_sum(jnp.ones((edge_attr.shape[0],), jnp.float32), dst, num_segments=n)
    loop_attr = ea_sum / jnp.maximum(cnt, 1.0)[:, None]
    loop = jnp.arange(n, dtype=src.dtype)
    src_f = jnp.concatenate([src, loop])
    dst_f = jnp.concatenate([dst, loop])
    ea_f = jnp.concatenate([edge_attr, loop_attr], axis=0)
    # GATv2: separate linear transforms for source (lin_l -> x_j) and target (lin_r -> x_i)
    xl = (x @ Wl + bl).reshape(n, H, FH)
    xr = (x @ Wr + br).reshape(n, H, FH)
    ee = (ea_f @ We).reshape(-1, H, FH)  # lin_edge, bias=False
    m = xl[src_f] + xr[dst_f] + ee
    m = jax.nn.leaky_relu(m, negative_slope=0.2)
    alpha = (m * att[None]).sum(-1)  # [E+N, H]
    # segment softmax over incoming edges per dst node
    amax = jax.ops.segment_max(alpha, dst_f, num_segments=n)
    ex = jnp.exp(alpha - amax[dst_f])
    den = jax.ops.segment_sum(ex, dst_f, num_segments=n)
    a = ex / den[dst_f]
    out = jax.ops.segment_sum(xl[src_f] * a[..., None], dst_f, num_segments=n).reshape(n, H * FH) + bias
    # LayerNorm
    mu = out.mean(axis=-1, keepdims=True)
    var = ((out - mu) ** 2).mean(axis=-1, keepdims=True)
    y = (out - mu) / jnp.sqrt(var + 1e-5) * gamma + beta
    return jax.nn.elu(y)

if __name__ == "__main__":
    import jax
    _d = setup_inputs()
    print(jax.jit(kernel)(*tuple(_d.values())))

</pallas_src>

<mosaic_0001>
#map = affine_map<(d0, d1) -> (0)>
#map1 = affine_map<(d0, d1) -> (0, 0)>
module attributes {stable_mosaic.version = 14 : i64} {
  func.func @k(%arg0: i32, %arg1: i32, %arg2: memref<320000xi32, #tpu.memory_space<hbm>>, %arg3: memref<320000xi32, #tpu.memory_space<hbm>>, %arg4: memref<10000x128xf32, #tpu.memory_space<hbm>>, %arg5: memref<10000x128xf32, #tpu.memory_space<hbm>>, %arg6: memref<320000x128xf32, #tpu.memory_space<hbm>>, %arg7: memref<8x16xf32, #tpu.memory_space<hbm>>, %arg8: memref<10240x128xf32, #tpu.memory_space<hbm>>, %arg9: memref<10240x16xf32, #tpu.memory_space<hbm>>, %arg10: memref<10240x128xf32, #tpu.memory_space<hbm>>, %arg11: memref<6400xi32, #tpu.memory_space<vmem>>, %arg12: memref<6400xi32, #tpu.memory_space<vmem>>, %arg13: memref<96xi32, #tpu.memory_space<vmem>>, %arg14: memref<96xi32, #tpu.memory_space<vmem>>, %arg15: memref<96xi32, #tpu.memory_space<vmem>>, %arg16: memref<64x128xf32, #tpu.memory_space<vmem>>, %arg17: memref<64x128xf32, #tpu.memory_space<vmem>>, %arg18: memref<64x128xf32, #tpu.memory_space<vmem>>, %arg19: memref<160x128xf32, #tpu.memory_space<vmem>>, %arg20: memref<160x16xf32, #tpu.memory_space<vmem>>, %arg21: memref<160x128xf32, #tpu.memory_space<vmem>>, %arg22: memref<8x16xf32, #tpu.memory_space<vmem>>, %arg23: memref<!tpu.dma_semaphore, #tpu.memory_space<semaphore_mem>>) attributes {dimension_semantics = [#tpu.dimension_semantics<core_parallel>, #tpu.dimension_semantics<subcore_parallel>], iteration_bounds = array<i64: 2, 16>, scalar_prefetch = 0 : i64, scratch_operands = 13 : i64, tpu.core_type = #tpu.core_type<sc_vector_subcore>, window_params = [{transform_indices = #map}, {transform_indices = #map}, {transform_indices = #map1}, {transform_indices = #map1}, {transform_indices = #map1}, {transform_indices = #map1}, {transform_indices = #map1}, {transform_indices = #map1}, {transform_indices = #map1}]} {
    %mul3A = arith.constant 2 : i32
    %mul3A_0 = arith.muli %arg1, %mul3A : i32
    %add3A = arith.addi %mul3A_0, %arg0 : i32
    %mul3A_1 = arith.constant 320 : i32
    %mul3A_2 = arith.muli %add3A, %mul3A_1 : i32
    %broadcast_in_dim3A = arith.constant 0.000000e+00 : f32
    %broadcast_in_dim3A_3 = vector.broadcast %broadcast_in_dim3A : f32 to vector<16xf32>
    %broadcast_in_dim3A_4 = arith.constant 0 : i32
    %broadcast_in_dim3A_5 = vector.broadcast %broadcast_in_dim3A_4 : i32 to vector<16xi32>
    %iota3A = tpu.iota {dimensions = array<i32: 0>} : vector<16xi32>
    %swap3A = arith.constant 0 : index
    %swap3A_6 = tpu.vector_load %arg13[%swap3A] {strides = array<i32>} : memref<96xi32, #tpu.memory_space<vmem>>, vector<16xi32>,
    tpu.vector_store %arg13[%swap3A], %broadcast_in_dim3A_5 {strides = array<i32>} : memref<96xi32, #tpu.memory_space<vmem>>, vector<16xi32>,
    %swap3A_7 = arith.constant 0 : index
    %swap3A_8 = tpu.vector_load %arg14[%swap3A_7] {strides = array<i32>} : memref<96xi32, #tpu.memory_space<vmem>>, vector<16xi32>,
    tpu.vector_store %arg14[%swap3A_7], %broadcast_in_dim3A_5 {strides = array<i32>} : memref<96xi32, #tpu.memory_space<vmem>>, vector<16xi32>,
    %swap3A_9 = arith.constant 0 : index
    %swap3A_10 = tpu.vector_load %arg15[%swap3A_9] {strides = array<i32>} : memref<96xi32, #tpu.memory_space<vmem>>, vector<16xi32>,
    tpu.vector_store %arg15[%swap3A_9], %broadcast_in_dim3A_5 {strides = array<i32>} : memref<96xi32, #tpu.memory_space<vmem>>, vector<16xi32>,
    %swap3A_11 = arith.constant 16 : index
    %swap3A_12 = tpu.vector_load %arg13[%swap3A_11] {strides = array<i32>} : memref<96xi32, #tpu.memory_space<vmem>>, vector<16xi32>,
    tpu.vector_store %arg13[%swap3A_11], %broadcast_in_dim3A_5 {strides = array<i32>} : memref<96xi32, #tpu.memory_space<vmem>>, vector<16xi32>,
    %swap3A_13 = arith.constant 16 : index
    %swap3A_14 = tpu.vector_load %arg14[%swap3A_13] {strides = array<i32>} : memref<96xi32, #tpu.memory_space<vmem>>, vector<16xi32>,
    tpu.vector_store %arg14[%swap3A_13], %broadcast_in_dim3A_5 {strides = array<i32>} : memref<96xi32, #tpu.memory_space<vmem>>, vector<16xi32>,
    %swap3A_15 = arith.constant 16 : index
    %swap3A_16 = tpu.vector_load %arg15[%swap3A_15] {strides = array<i32>} : memref<96xi32, #tpu.memory_space<vmem>>, vector<16xi32>,
    tpu.vector_store %arg15[%swap3A_15], %broadcast_in_dim3A_5 {strides = array<i32>} : memref<96xi32, #tpu.memory_space<vmem>>, vector<16xi32>,
    %swap3A_17 = arith.constant 32 : index
    %swap3A_18 = tpu.vector_load %arg13[%swap3A_17] {strides = array<i32>} : memref<96xi32, #tpu.memory_space<vmem>>, vector<16xi32>,
    tpu.vector_store %arg13[%swap3A_17], %broadcast_in_dim3A_5 {strides = array<i32>} : memref<96xi32, #tpu.memory_space<vmem>>, vector<16xi32>,
    %swap3A_19 = arith.constant 32 : index
    %swap3A_20 = tpu.vector_load %arg14[%swap3A_19] {strides = array<i32>} : memref<96xi32, #tpu.memory_space<vmem>>, vector<16xi32>,
    tpu.vector_store %arg14[%swap3A_19], %broadcast_in_dim3A_5 {strides = array<i32>} : memref<96xi32, #tpu.memory_space<vmem>>, vector<16xi32>,
    %swap3A_21 = arith.constant 32 : index
    %swap3A_22 = tpu.vector_load %arg15[%swap3A_21] {strides = array<i32>} : memref<96xi32, #tpu.memory_space<vmem>>, vector<16xi32>,
    tpu.vector_store %arg15[%swap3A_21], %broadcast_in_dim3A_5 {strides = array<i32>} : memref<96xi32, #tpu.memory_space<vmem>>, vector<16xi32>,
    %swap3A_23 = arith.constant 48 : index
    %swap3A_24 = tpu.vector_load %arg13[%swap3A_23] {strides = array<i32>} : memref<96xi32, #tpu.memory_space<vmem>>, vector<16xi32>,
    tpu.vector_store %arg13[%swap3A_23], %broadcast_in_dim3A_5 {strides = array<i32>} : memref<96xi32, #tpu.memory_space<vmem>>, vector<16xi32>,
    %swap3A_25 = arith.constant 48 : index
    %swap3A_26 = tpu.vector_load %arg14[%swap3A_25] {strides = array<i32>} : memref<96xi32, #tpu.memory_space<vmem>>, vector<16xi32>,
    tpu.vector_store %arg14[%swap3A_25], %broadcast_in_dim3A_5 {strides = array<i32>} : memref<96xi32, #tpu.memory_space<vmem>>, vector<16xi32>,
    %swap3A_27 = arith.constant 48 : index
    %swap3A_28 = tpu.vector_load %arg15[%swap3A_27] {strides = array<i32>} : memref<96xi32, #tpu.memory_space<vmem>>, vector<16xi32>,
    tpu.vector_store %arg15[%swap3A_27], %broadcast_in_dim3A_5 {strides = array<i32>} : memref<96xi32, #tpu.memory_space<vmem>>, vector<16xi32>,
    %swap3A_29 = arith.constant 64 : index
    %swap3A_30 = tpu.vector_load %arg13[%swap3A_29] {strides = array<i32>} : memref<96xi32, #tpu.memory_space<vmem>>, vector<16xi32>,
    tpu.vector_store %arg13[%swap3A_29], %broadcast_in_dim3A_5 {strides = array<i32>} : memref<96xi32, #tpu.memory_space<vmem>>, vector<16xi32>,
    %swap3A_31 = arith.constant 64 : index
    %swap3A_32 = tpu.vector_load %arg14[%swap3A_31] {strides = array<i32>} : memref<96xi32, #tpu.memory_space<vmem>>, vector<16xi32>,
    tpu.vector_store %arg14[%swap3A_31], %broadcast_in_dim3A_5 {strides = array<i32>} : memref<96xi32, #tpu.memory_space<vmem>>, vector<16xi32>,
    %swap3A_33 = arith.constant 64 : index
    %swap3A_34 = tpu.vector_load %arg15[%swap3A_33] {strides = array<i32>} : memref<96xi32, #tpu.memory_space<vmem>>, vector<16xi32>,
    tpu.vector_store %arg15[%swap3A_33], %broadcast_in_dim3A_5 {strides = array<i32>} : memref<96xi32, #tpu.memory_space<vmem>>, vector<16xi32>,
    %swap3A_35 = arith.constant 80 : index
    %swap3A_36 = tpu.vector_load %arg13[%swap3A_35] {strides = array<i32>} : memref<96xi32, #tpu.memory_space<vmem>>, vector<16xi32>,
    tpu.vector_store %arg13[%swap3A_35], %broadcast_in_dim3A_5 {strides = array<i32>} : memref<96xi32, #tpu.memory_space<vmem>>, vector<16xi32>,
    %swap3A_37 = arith.constant 80 : index
    %swap3A_38 = tpu.vector_load %arg14[%swap3A_37] {strides = array<i32>} : memref<96xi32, #tpu.memory_space<vmem>>, vector<16xi32>,
    tpu.vector_store %arg14[%swap3A_37], %broadcast_in_dim3A_5 {strides = array<i32>} : memref<96xi32, #tpu.memory_space<vmem>>, vector<16xi32>,
    %swap3A_39 = arith.constant 80 : index
    %swap3A_40 = tpu.vector_load %arg15[%swap3A_39] {strides = array<i32>} : memref<96xi32, #tpu.memory_space<vmem>>, vector<16xi32>,
    tpu.vector_store %arg15[%swap3A_39], %broadcast_in_dim3A_5 {strides = array<i32>} : memref<96xi32, #tpu.memory_space<vmem>>, vector<16xi32>,
    "tpu.region"() ({
      %run_scoped3A = tpu.sem_alloc : memref<!tpu.dma_semaphore, #tpu.memory_space<semaphore_mem>>
      tpu.enqueue_dma source(%arg7 : memref<8x16xf32, #tpu.memory_space<hbm>>) target(%arg22 : memref<8x16xf32, #tpu.memory_space<vmem>>) target_semaphore(%run_scoped3A : memref<!tpu.dma_semaphore, #tpu.memory_space<semaphore_mem>>)
      tpu.wait_dma2 semaphore(%run_scoped3A : memref<!tpu.dma_semaphore, #tpu.memory_space<semaphore_mem>>) src(%arg7 : memref<8x16xf32, #tpu.memory_space<hbm>>) dst(%arg22 : memref<8x16xf32, #tpu.memory_space<vmem>>)
      tpu.yield
    }) : () -> ()
    %ge3A = arith.constant 8 : i32
    %ge3A_41 = vector.broadcast %ge3A : i32 to vector<16xi32>
    %ge3A_42 = arith.cmpi sge, %iota3A, %ge3A_41 : vector<16xi32>
    %jit3A = arith.constant 1.000000e+00 : f32
    %jit3A_43 = arith.constant 0.000000e+00 : f32
    %broadcast_in_dim3A_44 = vector.broadcast %jit3A : f32 to vector<16xf32>
    %broadcast_in_dim3A_45 = vector.broadcast %jit3A_43 : f32 to vector<16xf32>
    %select_n3A = arith.select %ge3A_42, %broadcast_in_dim3A_44, %broadcast_in_dim3A_45 : vector<16xi1>, vector<16xf32>
    %mul3A_46 = arith.constant 320 : i32
    %mul3A_47 = arith.muli %add3A, %mul3A_46 : i32
    %add3A_48 = arith.constant 0 : i32
    %add3A_49 = arith.addi %mul3A_47, %add3A_48 : i32
    %scan3A = arith.constant 0 : i32
    %scan3A_50 = arith.constant 0 : i32
    %scan3A_51 = arith.constant 160 : i32
    %scan3A_52 = arith.addi %scan3A_50, %scan3A_51 : i32
    %scan3A_53 = arith.constant 1 : i32
    scf.for %scan3A_86 = %scan3A_50 to %scan3A_52 step %scan3A_53  : i32 {
      %swap3A_87 = arith.index_cast %scan3A_86 : i32 to index
      %swap3A_88 = arith.constant 0 : index
      %swap3A_89 = tpu.vector_load %arg19[%swap3A_87, %swap3A_88] {strides = array<i32>} : memref<160x128xf32, #tpu.memory_space<vmem>>, vector<16xf32>,
      tpu.vector_store %arg19[%swap3A_87, %swap3A_88], %broadcast_in_dim3A_3 {strides = array<i32>} : memref<160x128xf32, #tpu.memory_space<vmem>>, vector<16xf32>,
      %swap3A_90 = arith.index_cast %scan3A_86 : i32 to index
      %swap3A_91 = arith.constant 0 : index
      %swap3A_92 = tpu.vector_load %arg21[%swap3A_90, %swap3A_91] {strides = array<i32>} : memref<160x128xf32, #tpu.memory_space<vmem>>, vector<16xf32>,
      tpu.vector_store %arg21[%swap3A_90, %swap3A_91], %broadcast_in_dim3A_3 {strides = array<i32>} : memref<160x128xf32, #tpu.memory_space<vmem>>, vector<16xf32>,
      %swap3A_93 = arith.index_cast %scan3A_86 : i32 to index
      %swap3A_94 = arith.constant 16 : index
      %swap3A_95 = tpu.vector_load %arg19[%swap3A_93, %swap3A_94] {strides = array<i32>} : memref<160x128xf32, #tpu.memory_space<vmem>>, vector<16xf32>,
      tpu.vector_store %arg19[%swap3A_93, %swap3A_94], %broadcast_in_dim3A_3 {strides = array<i32>} : memref<160x128xf32, #tpu.memory_space<vmem>>, vector<16xf32>,
      %swap3A_96 = arith.index_cast %scan3A_86 : i32 to index
      %swap3A_97 = arith.constant 16 : index
      %swap3A_98 = tpu.vector_load %arg21[%swap3A_96, %swap3A_97] {strides = array<i32>} : memref<160x128xf32, #tpu.memory_space<vmem>>, vector<16xf32>,
      tpu.vector_store %arg21[%swap3A_96, %swap3A_97], %broadcast_in_dim3A_3 {strides = array<i32>} : memref<160x128xf32, #tpu.memory_space<vmem>>, vector<16xf32>,
      %swap3A_99 = arith.index_cast %scan3A_86 : i32 to index
      %swap3A_100 = arith.constant 32 : index
      %swap3A_101 = tpu.vector_load %arg19[%swap3A_99, %swap3A_100] {strides = array<i32>} : memref<160x128xf32, #tpu.memory_space<vmem>>, vector<16xf32>,
      tpu.vector_store %arg19[%swap3A_99, %swap3A_100], %broadcast_in_dim3A_3 {strides = array<i32>} : memref<160x128xf32, #tpu.memory_space<vmem>>, vector<16xf32>,
      %swap3A_102 = arith.index_cast %scan3A_86 : i32 to index
      %swap3A_103 = arith.constant 32 : index
      %swap3A_104 = tpu.vector_load %arg21[%swap3A_102, %swap3A_103] {strides = array<i32>} : memref<160x128xf32, #tpu.memory_space<vmem>>, vector<16xf32>,
      tpu.vector_store %arg21[%swap3A_102, %swap3A_103], %broadcast_in_dim3A_3 {strides = array<i32>} : memref<160x128xf32, #tpu.memory_space<vmem>>, vector<16xf32>,
      %swap3A_105 = arith.index_cast %scan3A_86 : i32 to index
      %swap3A_106 = arith.constant 48 : index
      %swap3A_107 = tpu.vector_load %arg19[%swap3A_105, %swap3A_106] {strides = array<i32>} : memref<160x128xf32, #tpu.memory_space<vmem>>, vector<16xf32>,
      tpu.vector_store %arg19[%swap3A_105, %swap3A_106], %broadcast_in_dim3A_3 {strides = array<i32>} : memref<160x128xf32, #tpu.memory_space<vmem>>, vector<16xf32>,
      %swap3A_108 = arith.index_cast %scan3A_86 : i32 to index
      %swap3A_109 = arith.constant 48 : index
      %swap3A_110 = tpu.vector_load %arg21[%swap3A_108, %swap3A_109] {strides = array<i32>} : memref<160x128xf32, #tpu.memory_space<vmem>>, vector<16xf32>,
      tpu.vector_store %arg21[%swap3A_108, %swap3A_109], %broadcast_in_dim3A_3 {strides = array<i32>} : memref<160x128xf32, #tpu.memory_space<vmem>>, vector<16xf32>,
      %swap3A_111 = arith.index_cast %scan3A_86 : i32 to index
      %swap3A_112 = arith.constant 64 : index
      %swap3A_113 = tpu.vector_load %arg19[%swap3A_111, %swap3A_112] {strides = array<i32>} : memref<160x128xf32, #tpu.memory_space<vmem>>, vector<16xf32>,
      tpu.vector_store %arg19[%swap3A_111, %swap3A_112], %broadcast_in_dim3A_3 {strides = array<i32>} : memref<160x128xf32, #tpu.memory_space<vmem>>, vector<16xf32>,
      %swap3A_114 = arith.index_cast %scan3A_86 : i32 to index
      %swap3A_115 = arith.constant 64 : index
      %swap3A_116 = tpu.vector_load %arg21[%swap3A_114, %swap3A_115] {strides = array<i32>} : memref<160x128xf32, #tpu.memory_space<vmem>>, vector<16xf32>,
      tpu.vector_store %arg21[%swap3A_114, %swap3A_115], %broadcast_in_dim3A_3 {strides = array<i32>} : memref<160x128xf32, #tpu.memory_space<vmem>>, vector<16xf32>,
      %swap3A_117 = arith.index_cast %scan3A_86 : i32 to index
      %swap3A_118 = arith.constant 80 : index
      %swap3A_119 = tpu.vector_load %arg19[%swap3A_117, %swap3A_118] {strides = array<i32>} : memref<160x128xf32, #tpu.memory_space<vmem>>, vector<16xf32>,
      tpu.vector_store %arg19[%swap3A_117, %swap3A_118], %broadcast_in_dim3A_3 {strides = array<i32>} : memref<160x128xf32, #tpu.memory_space<vmem>>, vector<16xf32>,
      %swap3A_120 = arith.index_cast %scan3A_86 : i32 to index
      %swap3A_121 = arith.constant 80 : index
      %swap3A_122 = tpu.vector_load %arg21[%swap3A_120, %swap3A_121] {strides = array<i32>} : memref<160x128xf32, #tpu.memory_space<vmem>>, vector<16xf32>,
      tpu.vector_store %arg21[%swap3A_120, %swap3A_121], %broadcast_in_dim3A_3 {strides = array<i32>} : memref<160x128xf32, #tpu.memory_space<vmem>>, vector<16xf32>,
      %swap3A_123 = arith.index_cast %scan3A_86 : i32 to index
      %swap3A_124 = arith.constant 96 : index
      %swap3A_125 = tpu.vector_load %arg19[%swap3A_123, %swap3A_124] {strides = array<i32>} : memref<160x128xf32, #tpu.memory_space<vmem>>, vector<16xf32>,
      tpu.vector_store %arg19[%swap3A_123, %swap3A_124], %broadcast_in_dim3A_3 {strides = array<i32>} : memref<160x128xf32, #tpu.memory_space<vmem>>, vector<16xf32>,
      %swap3A_126 = arith.index_cast %scan3A_86 : i32 to index
      %swap3A_127 = arith.constant 96 : index
      %swap3A_128 = tpu.vector_load %arg21[%swap3A_126, %swap3A_127] {strides = array<i32>} : memref<160x128xf32, #tpu.memory_space<vmem>>, vector<16xf32>,
      tpu.vector_store %arg21[%swap3A_126, %swap3A_127], %broadcast_in_dim3A_3 {strides = array<i32>} : memref<160x128xf32, #tpu.memory_space<vmem>>, vector<16xf32>,
      %swap3A_129 = arith.index_cast %scan3A_86 : i32 to index
      %swap3A_130 = arith.constant 112 : index
      %swap3A_131 = tpu.vector_load %arg19[%swap3A_129, %swap3A_130] {strides = array<i32>} : memref<160x128xf32, #tpu.memory_space<vmem>>, vector<16xf32>,
      tpu.vector_store %arg19[%swap3A_129, %swap3A_130], %broadcast_in_dim3A_3 {strides = array<i32>} : memref<160x128xf32, #tpu.memory_space<vmem>>, vector<16xf32>,
      %swap3A_132 = arith.index_cast %scan3A_86 : i32 to index
      %swap3A_133 = arith.constant 112 : index
      %swap3A_134 = tpu.vector_load %arg21[%swap3A_132, %swap3A_133] {strides = array<i32>} : memref<160x128xf32, #tpu.memory_space<vmem>>, vector<16xf32>,
      tpu.vector_store %arg21[%swap3A_132, %swap3A_133], %broadcast_in_dim3A_3 {strides = array<i32>} : memref<160x128xf32, #tpu.memory_space<vmem>>, vector<16xf32>,
      %swap3A_135 = arith.index_cast %scan3A_86 : i32 to index
      %swap3A_136 = arith.constant 0 : index
      %swap3A_137 = tpu.vector_load %arg20[%swap3A_135, %swap3A_136] {strides = array<i32>} : memref<160x16xf32, #tpu.memory_space<vmem>>, vector<16xf32>,
      tpu.vector_store %arg20[%swap3A_135, %swap3A_136], %broadcast_in_dim3A_3 {strides = array<i32>} : memref<160x16xf32, #tpu.memory_space<vmem>>, vector<16xf32>,
    }
    %scan3A_54 = arith.constant 160 : i32
    %scan3A_55 = arith.constant 0 : i32
    %scan3A_56 = arith.constant 0 : i32
    %scan3A_57 = arith.constant 50 : i32
    %scan3A_58 = arith.addi %scan3A_56, %scan3A_57 : i32
    %scan3A_59 = arith.constant 1 : i32
    %scan3A_60 = scf.for %scan3A_86 = %scan3A_56 to %scan3A_58 step %scan3A_59 iter_args(%scan3A_87 = %scan3A_55) -> (i32)  : i32 {
      %mul3A_88 = arith.constant 6400 : i32
      %mul3A_89 = arith.muli %scan3A_86, %mul3A_88 : i32
      "tpu.region"() ({
        %run_scoped3A = tpu.sem_alloc : memref<!tpu.dma_semaphore, #tpu.memory_space<semaphore_mem>>
        %dma_start3A = tpu.memref_slice %arg3[%mul3A_89] : memref<320000xi32, #tpu.memory_space<hbm>> -> memref<6400xi32, #tpu.memory_space<hbm>>
        %dma_start3A_96 = tpu.memref_slice %arg3[%mul3A_89] : memref<320000xi32, #tpu.memory_space<hbm>> -> memref<6400xi32, #tpu.memory_space<hbm>>
        tpu.enqueue_dma source(%dma_start3A_96 : memref<6400xi32, #tpu.memory_space<hbm>>) target(%arg11 : memref<6400xi32, #tpu.memory_space<vmem>>) target_semaphore(%run_scoped3A : memref<!tpu.dma_semaphore, #tpu.memory_space<semaphore_mem>>)
        %dma_wait3A = tpu.memref_slice %arg3[%mul3A_89] : memref<320000xi32, #tpu.memory_space<hbm>> -> memref<6400xi32, #tpu.memory_space<hbm>>
        %dma_wait3A_97 = tpu.memref_slice %arg3[%mul3A_89] : memref<320000xi32, #tpu.memory_space<hbm>> -> memref<6400xi32, #tpu.memory_space<hbm>>
        tpu.wait_dma2 semaphore(%run_scoped3A : memref<!tpu.dma_semaphore, #tpu.memory_space<semaphore_mem>>) src(%dma_wait3A_97 : memref<6400xi32, #tpu.memory_space<hbm>>) dst(%arg11 : memref<6400xi32, #tpu.memory_space<vmem>>)
        tpu.yield
      }) : () -> ()
      "tpu.region"() ({
        %run_scoped3A = tpu.sem_alloc : memref<!tpu.dma_semaphore, #tpu.memory_space<semaphore_mem>>
        %dma_start3A = tpu.memref_slice %arg2[%mul3A_89] : memref<320000xi32, #tpu.memory_space<hbm>> -> memref<6400xi32, #tpu.memory_space<hbm>>
        %dma_start3A_96 = tpu.memref_slice %arg2[%mul3A_89] : memref<320000xi32, #tpu.memory_space<hbm>> -> memref<6400xi32, #tpu.memory_space<hbm>>
        tpu.enqueue_dma source(%dma_start3A_96 : memref<6400xi32, #tpu.memory_space<hbm>>) target(%arg12 : memref<6400xi32, #tpu.memory_space<vmem>>) target_semaphore(%run_scoped3A : memref<!tpu.dma_semaphore, #tpu.memory_space<semaphore_mem>>)
        %dma_wait3A = tpu.memref_slice %arg2[%mul3A_89] : memref<320000xi32, #tpu.memory_space<hbm>> -> memref<6400xi32, #tpu.memory_space<hbm>>
        %dma_wait3A_97 = tpu.memref_slice %arg2[%mul3A_89] : memref<320000xi32, #tpu.memory_space<hbm>> -> memref<6400xi32, #tpu.memory_space<hbm>>
        tpu.wait_dma2 semaphore(%run_scoped3A : memref<!tpu.dma_semaphore, #tpu.memory_space<semaphore_mem>>) src(%dma_wait3A_97 : memref<6400xi32, #tpu.memory_space<hbm>>) dst(%arg12 : memref<6400xi32, #tpu.memory_space<vmem>>)
        tpu.yield
      }) : () -> ()
      %scan3A_90 = arith.constant 0 : i32
      %scan3A_91 = arith.constant 400 : i32
      %scan3A_92 = arith.addi %scan3A_90, %scan3A_91 : i32
      %scan3A_93 = arith.constant 1 : i32
      %scan3A_94 = scf.for %scan3A_96 = %scan3A_90 to %scan3A_92 step %scan3A_93 iter_args(%scan3A_97 = %scan3A_87) -> (i32)  : i32 {
        %mul3A_98 = arith.constant 16 : i32
        %mul3A_99 = arith.muli %scan3A_96, %mul3A_98 : i32
        %get3A = arith.index_cast %mul3A_99 : i32 to index
        %get3A_100 = tpu.vector_load %arg11[%get3A] {strides = array<i32>} : memref<6400xi32, #tpu.memory_space<vmem>>, vector<16xi32>,
        %ge3A_101 = vector.broadcast %add3A_49 : i32 to vector<16xi32>
        %ge3A_102 = arith.cmpi sge, %get3A_100, %ge3A_101 : vector<16xi32>
        %add3A_103 = arith.constant 160 : i32
        %add3A_104 = arith.addi %add3A_49, %add3A_103 : i32
        %lt3A = vector.broadcast %add3A_104 : i32 to vector<16xi32>
        %lt3A_105 = arith.cmpi slt, %get3A_100, %lt3A : vector<16xi32>
        %and3A = arith.andi %ge3A_102, %lt3A_105 : vector<16xi1>
        %all_reduce_population_count3A = tpu.all_reduce %and3A {dim = 0 : i64, kind = #tpu.reduction_kind<sum>} : vector<16xi1> -> vector<16xi32>
        %slice3A = vector.extract_strided_slice %all_reduce_population_count3A {offsets = [0], sizes = [1], strides = [1]} : vector<16xi32> to vector<1xi32>
        %squeeze3A = vector.extract %slice3A[0] : i32 from vector<1xi32>
        %gt3A_106 = arith.constant 0 : i32
        %gt3A_107 = arith.cmpi sgt, %squeeze3A, %gt3A_106 : i32
        %convert_element_type3A_108 = arith.extui %gt3A_107 : i1 to i32
        %cond3A_109 = arith.constant 0 : i32
        %cond3A_110 = arith.cmpi ne, %convert_element_type3A_108, %cond3A_109 : i32
        scf.if %cond3A_110 {
          %swap3A_119 = arith.index_cast %scan3A_97 : i32 to index
          %swap3A_120 = tpu.vector_load %arg13[%swap3A_119] masked %and3A {strides = array<i32>} : memref<96xi32, #tpu.memory_space<vmem>>, vector<16xi32>, vector<16xi1>
          tpu.vector_store %arg13[%swap3A_119], %get3A_100 masked %and3A {strides = array<i32>} : memref<96xi32, #tpu.memory_space<vmem>>, vector<16xi32>, vector<16xi1>
          %mul3A_121 = arith.constant 16 : i32
          %mul3A_122 = arith.muli %scan3A_96, %mul3A_121 : i32
          %get3A_123 = arith.index_cast %mul3A_122 : i32 to index
          %get3A_124 = tpu.vector_load %arg12[%get3A_123] {strides = array<i32>} : memref<6400xi32, #tpu.memory_space<vmem>>, vector<16xi32>,
          %swap3A_125 = arith.index_cast %scan3A_97 : i32 to index
          %swap3A_126 = tpu.vector_load %arg14[%swap3A_125] masked %and3A {strides = array<i32>} : memref<96xi32, #tpu.memory_space<vmem>>, vector<16xi32>, vector<16xi1>
          tpu.vector_store %arg14[%swap3A_125], %get3A_124 masked %and3A {strides = array<i32>} : memref<96xi32, #tpu.memory_space<vmem>>, vector<16xi32>, vector<16xi1>
          %mul3A_127 = arith.constant 16 : i32
          %mul3A_128 = arith.muli %scan3A_96, %mul3A_127 : i32
          %add3A_129 = arith.addi %mul3A_89, %mul3A_128 : i32
          %add3A_130 = vector.broadcast %add3A_129 : i32 to vector<16xi32>
          %add3A_131 = arith.addi %iota3A, %add3A_130 : vector<16xi32>
          %swap3A_132 = arith.index_cast %scan3A_97 : i32 to index
          %swap3A_133 = tpu.vector_load %arg15[%swap3A_132] masked %and3A {strides = array<i32>} : memref<96xi32, #tpu.memory_space<vmem>>, vector<16xi32>, vector<16xi1>
          tpu.vector_store %arg15[%swap3A_132], %add3A_131 masked %and3A {strides = array<i32>} : memref<96xi32, #tpu.memory_space<vmem>>, vector<16xi32>, vector<16xi1>
        } else {
        }
        %add3A_111 = arith.addi %scan3A_97, %squeeze3A : i32
        %ge3A_112 = arith.constant 64 : i32
        %ge3A_113 = arith.cmpi sge, %add3A_111, %ge3A_112 : i32
        %convert_element_type3A_114 = arith.extui %ge3A_113 : i1 to i32
        %cond3A_115 = arith.constant 0 : i32
        %cond3A_116 = arith.cmpi ne, %convert_element_type3A_114, %cond3A_115 : i32
        scf.if %cond3A_116 {
          %dma_start3A = arith.constant 0 : i32
          %dma_start3A_119 = tpu.memref_slice %arg14[%dma_start3A] : memref<96xi32, #tpu.memory_space<vmem>> -> memref<64xi32, #tpu.memory_space<vmem>>
          %dma_start3A_120 = arith.constant 0 : i32
          %dma_start3A_121 = arith.constant 0 : i32
          %dma_start3A_122 = tpu.memref_slice %arg4[%dma_start3A_120, %dma_start3A_121] : memref<10000x128xf32, #tpu.memory_space<hbm>> -> memref<10000x128xf32, #tpu.memory_space<hbm>>
          tpu.enqueue_indirect_dma source(%dma_start3A_122 : memref<10000x128xf32, #tpu.memory_space<hbm>>) target(%arg16 : memref<64x128xf32, #tpu.memory_space<vmem>>) offsets(%dma_start3A_119 : memref<64xi32, #tpu.memory_space<vmem>>) semaphore(%arg23 : memref<!tpu.dma_semaphore, #tpu.memory_space<semaphore_mem>>)
          %dma_start3A_123 = arith.constant 0 : i32
          %dma_start3A_124 = tpu.memref_slice %arg13[%dma_start3A_123] : memref<96xi32, #tpu.memory_space<vmem>> -> memref<64xi32, #tpu.memory_space<vmem>>
          %dma_start3A_125 = arith.constant 0 : i32
          %dma_start3A_126 = arith.constant 0 : i32
          %dma_start3A_127 = tpu.memref_slice %arg5[%dma_start3A_125, %dma_start3A_126] : memref<10000x128xf32, #tpu.memory_space<hbm>> -> memref<10000x128xf32, #tpu.memory_space<hbm>>
          tpu.enqueue_indirect_dma source(%dma_start3A_127 : memref<10000x128xf32, #tpu.memory_space<hbm>>) target(%arg17 : memref<64x128xf32, #tpu.memory_space<vmem>>) offsets(%dma_start3A_124 : memref<64xi32, #tpu.memory_space<vmem>>) semaphore(%arg23 : memref<!tpu.dma_semaphore, #tpu.memory_space<semaphore_mem>>)
          %dma_start3A_128 = arith.constant 0 : i32
          %dma_start3A_129 = tpu.memref_slice %arg15[%dma_start3A_128] : memref<96xi32, #tpu.memory_space<vmem>> -> memref<64xi32, #tpu.memory_space<vmem>>
          %dma_start3A_130 = arith.constant 0 : i32
          %dma_start3A_131 = arith.constant 0 : i32
          %dma_start3A_132 = tpu.memref_slice %arg6[%dma_start3A_130, %dma_start3A_131] : memref<320000x128xf32, #tpu.memory_space<hbm>> -> memref<320000x128xf32, #tpu.memory_space<hbm>>
          tpu.enqueue_indirect_dma source(%dma_start3A_132 : memref<320000x128xf32, #tpu.memory_space<hbm>>) target(%arg18 : memref<64x128xf32, #tpu.memory_space<vmem>>) offsets(%dma_start3A_129 : memref<64xi32, #tpu.memory_space<vmem>>) semaphore(%arg23 : memref<!tpu.dma_semaphore, #tpu.memory_space<semaphore_mem>>)
          %dma_wait3A = arith.constant 0 : i32
          %dma_wait3A_133 = tpu.memref_slice %arg14[%dma_wait3A] : memref<96xi32, #tpu.memory_space<vmem>> -> memref<64xi32, #tpu.memory_space<vmem>>
          %dma_wait3A_134 = arith.constant 0 : i32
          %dma_wait3A_135 = arith.constant 0 : i32
          %dma_wait3A_136 = tpu.memref_slice %arg4[%dma_wait3A_134, %dma_wait3A_135] : memref<10000x128xf32, #tpu.memory_space<hbm>> -> memref<10000x128xf32, #tpu.memory_space<hbm>>
          tpu.wait_indirect_dma semaphore(%arg23 : memref<!tpu.dma_semaphore, #tpu.memory_space<semaphore_mem>>) src(%dma_wait3A_136 : memref<10000x128xf32, #tpu.memory_space<hbm>>) dst(%arg16 : memref<64x128xf32, #tpu.memory_space<vmem>>)
          %dma_wait3A_137 = arith.constant 0 : i32
          %dma_wait3A_138 = tpu.memref_slice %arg13[%dma_wait3A_137] : memref<96xi32, #tpu.memory_space<vmem>> -> memref<64xi32, #tpu.memory_space<vmem>>
          %dma_wait3A_139 = arith.constant 0 : i32
          %dma_wait3A_140 = arith.constant 0 : i32
          %dma_wait3A_141 = tpu.memref_slice %arg5[%dma_wait3A_139, %dma_wait3A_140] : memref<10000x128xf32, #tpu.memory_space<hbm>> -> memref<10000x128xf32, #tpu.memory_space<hbm>>
          tpu.wait_indirect_dma semaphore(%arg23 : memref<!tpu.dma_semaphore, #tpu.memory_space<semaphore_mem>>) src(%dma_wait3A_141 : memref<10000x128xf32, #tpu.memory_space<hbm>>) dst(%arg17 : memref<64x128xf32, #tpu.memory_space<vmem>>)
          %dma_wait3A_142 = arith.constant 0 : i32
          %dma_wait3A_143 = tpu.memref_slice %arg15[%dma_wait3A_142] : memref<96xi32, #tpu.memory_space<vmem>> -> memref<64xi32, #tpu.memory_space<vmem>>
          %dma_wait3A_144 = arith.constant 0 : i32
          %dma_wait3A_145 = arith.constant 0 : i32
          %dma_wait3A_146 = tpu.memref_slice %arg6[%dma_wait3A_144, %dma_wait3A_145] : memref<320000x128xf32, #tpu.memory_space<hbm>> -> memref<320000x128xf32, #tpu.memory_space<hbm>>
          tpu.wait_indirect_dma semaphore(%arg23 : memref<!tpu.dma_semaphore, #tpu.memory_space<semaphore_mem>>) src(%dma_wait3A_146 : memref<320000x128xf32, #tpu.memory_space<hbm>>) dst(%arg18 : memref<64x128xf32, #tpu.memory_space<vmem>>)
          %scan3A_147 = arith.constant 0 : i32
          %scan3A_148 = arith.constant 64 : i32
          %scan3A_149 = arith.constant 0 : i32
          %scan3A_150 = arith.constant 64 : i32
          %scan3A_151 = arith.addi %scan3A_149, %scan3A_150 : i32
          %scan3A_152 = arith.constant 1 : i32
          scf.for %scan3A_166 = %scan3A_149 to %scan3A_151 step %scan3A_152  : i32 {
            %lt3A_167 = arith.cmpi slt, %scan3A_166, %scan3A_148 : i32
            %convert_element_type3A_168 = arith.extui %lt3A_167 : i1 to i32
            %cond3A_169 = arith.constant 0 : i32
            %cond3A_170 = arith.cmpi ne, %convert_element_type3A_168, %cond3A_169 : i32
            scf.if %cond3A_170 {
              %get3A_171 = arith.index_cast %scan3A_166 : i32 to index
              %get3A_172 = tpu.vector_load %arg13[%get3A_171] {strides = array<i32>} : memref<96xi32, #tpu.memory_space<vmem>>, vector<16xi32>,
              %slice3A_173 = vector.extract_strided_slice %get3A_172 {offsets = [0], sizes = [1], strides = [1]} : vector<16xi32> to vector<1xi32>
              %squeeze3A_174 = vector.extract %slice3A_173[0] : i32 from vector<1xi32>
              %sub3A_175 = arith.subi %squeeze3A_174, %add3A_49 : i32
              %get3A_176 = arith.index_cast %scan3A_166 : i32 to index
              %get3A_177 = arith.constant 0 : index
              %get3A_178 = tpu.vector_load %arg16[%get3A_176, %get3A_177] {strides = array<i32>} : memref<64x128xf32, #tpu.memory_space<vmem>>, vector<16xf32>,
              %get3A_179 = arith.index_cast %scan3A_166 : i32 to index
              %get3A_180 = arith.constant 0 : index
              %get3A_181 = tpu.vector_load %arg18[%get3A_179, %get3A_180] {strides = array<i32>} : memref<64x128xf32, #tpu.memory_space<vmem>>, vector<16xf32>,
              %get3A_182 = arith.index_cast %scan3A_166 : i32 to index
              %get3A_183 = arith.constant 0 : index
              %get3A_184 = tpu.vector_load %arg17[%get3A_182, %get3A_183] {strides = array<i32>} : memref<64x128xf32, #tpu.memory_space<vmem>>, vector<16xf32>,
              %add3A_185 = arith.addf %get3A_178, %get3A_184 : vector<16xf32>
              %add3A_186 = arith.addf %add3A_185, %get3A_181 : vector<16xf32>
              %mul3A_187 = arith.constant 2.000000e-01 : f32
              %mul3A_188 = vector.broadcast %mul3A_187 : f32 to vector<16xf32>
              %mul3A_189 = arith.mulf %mul3A_188, %add3A_186 : vector<16xf32>
              %max3A = arith.maximumf %add3A_186, %mul3A_189 : vector<16xf32>
              %get3A_190 = arith.constant 0 : i32
              %get3A_191 = arith.index_cast %get3A_190 : i32 to index
              %get3A_192 = arith.constant 0 : index
              %get3A_193 = tpu.vector_load %arg22[%get3A_191, %get3A_192] {strides = array<i32>} : memref<8x16xf32, #tpu.memory_space<vmem>>, vector<16xf32>,
              %mul3A_194 = arith.mulf %max3A, %get3A_193 : vector<16xf32>
              %reduce_sum3A = arith.constant true
              %reduce_sum3A_195 = vector.broadcast %reduce_sum3A : i1 to vector<16xi1>
              %reduce_sum3A_196 = tpu.scan <sum>, %mul3A_194 masked %reduce_sum3A_195 : vector<16xf32>, vector<16xi1> -> vector<16xf32>
              %reduce_sum3A_197 = vector.extract %reduce_sum3A_196[15] : f32 from vector<16xf32>
              %broadcast_in_dim3A_198 = vector.broadcast %reduce_sum3A_197 : f32 to vector<16xf32>
              %exp3A = math.exp %broadcast_in_dim3A_198 : vector<16xf32>
              %get3A_199 = arith.index_cast %sub3A_175 : i32 to index
              %get3A_200 = arith.constant 0 : index
              %get3A_201 = tpu.vector_load %arg19[%get3A_199, %get3A_200] {strides = array<i32>} : memref<160x128xf32, #tpu.memory_space<vmem>>, vector<16xf32>,
              %mul3A_202 = arith.mulf %get3A_178, %exp3A : vector<16xf32>
              %add3A_203 = arith.addf %get3A_201, %mul3A_202 : vector<16xf32>
              %swap3A_204 = arith.index_cast %sub3A_175 : i32 to index
              %swap3A_205 = arith.constant 0 : index
              %swap3A_206 = tpu.vector_load %arg19[%swap3A_204, %swap3A_205] {strides = array<i32>} : memref<160x128xf32, #tpu.memory_space<vmem>>, vector<16xf32>,
              tpu.vector_store %arg19[%swap3A_204, %swap3A_205], %add3A_203 {strides = array<i32>} : memref<160x128xf32, #tpu.memory_space<vmem>>, vector<16xf32>,
              %get3A_207 = arith.index_cast %sub3A_175 : i32 to index
              %get3A_208 = arith.constant 0 : index
              %get3A_209 = tpu.vector_load %arg21[%get3A_207, %get3A_208] {strides = array<i32>} : memref<160x128xf32, #tpu.memory_space<vmem>>, vector<16xf32>,
              %add3A_210 = arith.addf %get3A_209, %get3A_181 : vector<16xf32>
              %swap3A_211 = arith.index_cast %sub3A_175 : i32 to index
              %swap3A_212 = arith.constant 0 : index
              %swap3A_213 = tpu.vector_load %arg21[%swap3A_211, %swap3A_212] {strides = array<i32>} : memref<160x128xf32, #tpu.memory_space<vmem>>, vector<16xf32>,
              tpu.vector_store %arg21[%swap3A_211, %swap3A_212], %add3A_210 {strides = array<i32>} : memref<160x128xf32, #tpu.memory_space<vmem>>, vector<16xf32>,
              %eq3A = arith.constant 0 : i32
              %eq3A_214 = vector.broadcast %eq3A : i32 to vector<16xi32>
              %eq3A_215 = arith.cmpi eq, %iota3A, %eq3A_214 : vector<16xi32>
              %select_n3A_216 = arith.select %eq3A_215, %exp3A, %select_n3A : vector<16xi1>, vector<16xf32>
              %get3A_217 = arith.index_cast %scan3A_166 : i32 to index
              %get3A_218 = arith.constant 16 : index
              %get3A_219 = tpu.vector_load %arg16[%get3A_217, %get3A_218] {strides = array<i32>} : memref<64x128xf32, #tpu.memory_space<vmem>>, vector<16xf32>,
              %get3A_220 = arith.index_cast %scan3A_166 : i32 to index
              %get3A_221 = arith.constant 16 : index
              %get3A_222 = tpu.vector_load %arg18[%get3A_220, %get3A_221] {strides = array<i32>} : memref<64x128xf32, #tpu.memory_space<vmem>>, vector<16xf32>,
              %get3A_223 = arith.index_cast %scan3A_166 : i32 to index
              %get3A_224 = arith.constant 16 : index
              %get3A_225 = tpu.vector_load %arg17[%get3A_223, %get3A_224] {strides = array<i32>} : memref<64x128xf32, #tpu.memory_space<vmem>>, vector<16xf32>,
              %add3A_226 = arith.addf %get3A_219, %get3A_225 : vector<16xf32>
              %add3A_227 = arith.addf %add3A_226, %get3A_222 : vector<16xf32>
              %mul3A_228 = arith.constant 2.000000e-01 : f32
              %mul3A_229 = vector.broadcast %mul3A_228 : f32 to vector<16xf32>
              %mul3A_230 = arith.mulf %mul3A_229, %add3A_227 : vector<16xf32>
              %max3A_231 = arith.maximumf %add3A_227, %mul3A_230 : vector<16xf32>
              %get3A_232 = arith.constant 1 : i32
              %get3A_233 = arith.index_cast %get3A_232 : i32 to index
              %get3A_234 = arith.constant 0 : index
              %get3A_235 = tpu.vector_load %arg22[%get3A_233, %get3A_234] {strides = array<i32>} : memref<8x16xf32, #tpu.memory_space<vmem>>, vector<16xf32>,
              %mul3A_236 = arith.mulf %max3A_231, %get3A_235 : vector<16xf32>
              %reduce_sum3A_237 = arith.constant true
              %reduce_sum3A_238 = vector.broadcast %reduce_sum3A_237 : i1 to vector<16xi1>
              %reduce_sum3A_239 = tpu.scan <sum>, %mul3A_236 masked %reduce_sum3A_238 : vector<16xf32>, vector<16xi1> -> vector<16xf32>
              %reduce_sum3A_240 = vector.extract %reduce_sum3A_239[15] : f32 from vector<16xf32>
              %broadcast_in_dim3A_241 = vector.broadcast %reduce_sum3A_240 : f32 to vector<16xf32>
              %exp3A_242 = math.exp %broadcast_in_dim3A_241 : vector<16xf32>
              %get3A_243 = arith.index_cast %sub3A_175 : i32 to index
              %get3A_244 = arith.constant 16 : index
              %get3A_245 = tpu.vector_load %arg19[%get3A_243, %get3A_244] {strides = array<i32>} : memref<160x128xf32, #tpu.memory_space<vmem>>, vector<16xf32>,
              %mul3A_246 = arith.mulf %get3A_219, %exp3A_242 : vector<16xf32>
              %add3A_247 = arith.addf %get3A_245, %mul3A_246 : vector<16xf32>
              %swap3A_248 = arith.index_cast %sub3A_175 : i32 to index
              %swap3A_249 = arith.constant 16 : index
              %swap3A_250 = tpu.vector_load %arg19[%swap3A_248, %swap3A_249] {strides = array<i32>} : memref<160x128xf32, #tpu.memory_space<vmem>>, vector<16xf32>,
              tpu.vector_store %arg19[%swap3A_248, %swap3A_249], %add3A_247 {strides = array<i32>} : memref<160x128xf32, #tpu.memory_space<vmem>>, vector<16xf32>,
              %get3A_251 = arith.index_cast %sub3A_175 : i32 to index
              %get3A_252 = arith.constant 16 : index
              %get3A_253 = tpu.vector_load %arg21[%get3A_251, %get3A_252] {strides = array<i32>} : memref<160x128xf32, #tpu.memory_space<vmem>>, vector<16xf32>,
              %add3A_254 = arith.addf %get3A_253, %get3A_222 : vector<16xf32>
              %swap3A_255 = arith.index_cast %sub3A_175 : i32 to index
              %swap3A_256 = arith.constant 16 : index
              %swap3A_257 = tpu.vector_load %arg21[%swap3A_255, %swap3A_256] {strides = array<i32>} : memref<160x128xf32, #tpu.memory_space<vmem>>, vector<16xf32>,
              tpu.vector_store %arg21[%swap3A_255, %swap3A_256], %add3A_254 {strides = array<i32>} : memref<160x128xf32, #tpu.memory_space<vmem>>, vector<16xf32>,
              %eq3A_258 = arith.constant 1 : i32
              %eq3A_259 = vector.broadcast %eq3A_258 : i32 to vector<16xi32>
              %eq3A_260 = arith.cmpi eq, %iota3A, %eq3A_259 : vector<16xi32>
              %select_n3A_261 = arith.select %eq3A_260, %exp3A_242, %select_n3A_216 : vector<16xi1>, vector<16xf32>
              %get3A_262 = arith.index_cast %scan3A_166 : i32 to index
              %get3A_263 = arith.constant 32 : index
              %get3A_264 = tpu.vector_load %arg16[%get3A_262, %get3A_263] {strides = array<i32>} : memref<64x128xf32, #tpu.memory_space<vmem>>, vector<16xf32>,
              %get3A_265 = arith.index_cast %scan3A_166 : i32 to index
              %get3A_266 = arith.constant 32 : index
              %get3A_267 = tpu.vector_load %arg18[%get3A_265, %get3A_266] {strides = array<i32>} : memref<64x128xf32, #tpu.memory_space<vmem>>, vector<16xf32>,
              %get3A_268 = arith.index_cast %scan3A_166 : i32 to index
              %get3A_269 = arith.constant 32 : index
              %get3A_270 = tpu.vector_load %arg17[%get3A_268, %get3A_269] {strides = array<i32>} : memref<64x128xf32, #tpu.memory_space<vmem>>, vector<16xf32>,
              %add3A_271 = arith.addf %get3A_264, %get3A_270 : vector<16xf32>
              %add3A_272 = arith.addf %add3A_271, %get3A_267 : vector<16xf32>
              %mul3A_273 = arith.constant 2.000000e-01 : f32
              %mul3A_274 = vector.broadcast %mul3A_273 : f32 to vector<16xf32>
              %mul3A_275 = arith.mulf %mul3A_274, %add3A_272 : vector<16xf32>
              %max3A_276 = arith.maximumf %add3A_272, %mul3A_275 : vector<16xf32>
              %get3A_277 = arith.constant 2 : i32
              %get3A_278 = arith.index_cast %get3A_277 : i32 to index
              %get3A_279 = arith.constant 0 : index
              %get3A_280 = tpu.vector_load %arg22[%get3A_278, %get3A_279] {strides = array<i32>} : memref<8x16xf32, #tpu.memory_space<vmem>>, vector<16xf32>,
              %mul3A_281 = arith.mulf %max3A_276, %get3A_280 : vector<16xf32>
              %reduce_sum3A_282 = arith.constant true
              %reduce_sum3A_283 = vector.broadcast %reduce_sum3A_282 : i1 to vector<16xi1>
              %reduce_sum3A_284 = tpu.scan <sum>, %mul3A_281 masked %reduce_sum3A_283 : vector<16xf32>, vector<16xi1> -> vector<16xf32>
              %reduce_sum3A_285 = vector.extract %reduce_sum3A_284[15] : f32 from vector<16xf32>
              %broadcast_in_dim3A_286 = vector.broadcast %reduce_sum3A_285 : f32 to vector<16xf32>
              %exp3A_287 = math.exp %broadcast_in_dim3A_286 : vector<16xf32>
              %get3A_288 = arith.index_cast %sub3A_175 : i32 to index
              %get3A_289 = arith.constant 32 : index
              %get3A_290 = tpu.vector_load %arg19[%get3A_288, %get3A_289] {strides = array<i32>} : memref<160x128xf32, #tpu.memory_space<vmem>>, vector<16xf32>,
              %mul3A_291 = arith.mulf %get3A_264, %exp3A_287 : vector<16xf32>
              %add3A_292 = arith.addf %get3A_290, %mul3A_291 : vector<16xf32>
              %swap3A_293 = arith.index_cast %sub3A_175 : i32 to index
              %swap3A_294 = arith.constant 32 : index
              %swap3A_295 = tpu.vector_load %arg19[%swap3A_293, %swap3A_294] {strides = array<i32>} : memref<160x128xf32, #tpu.memory_space<vmem>>, vector<16xf32>,
              tpu.vector_store %arg19[%swap3A_293, %swap3A_294], %add3A_292 {strides = array<i32>} : memref<160x128xf32, #tpu.memory_space<vmem>>, vector<16xf32>,
              %get3A_296 = arith.index_cast %sub3A_175 : i32 to index
              %get3A_297 = arith.constant 32 : index
              %get3A_298 = tpu.vector_load %arg21[%get3A_296, %get3A_297] {strides = array<i32>} : memref<160x128xf32, #tpu.memory_space<vmem>>, vector<16xf32>,
              %add3A_299 = arith.addf %get3A_298, %get3A_267 : vector<16xf32>
              %swap3A_300 = arith.index_cast %sub3A_175 : i32 to index
              %swap3A_301 = arith.constant 32 : index
              %swap3A_302 = tpu.vector_load %arg21[%swap3A_300, %swap3A_301] {strides = array<i32>} : memref<160x128xf32, #tpu.memory_space<vmem>>, vector<16xf32>,
              tpu.vector_store %arg21[%swap3A_300, %swap3A_301], %add3A_299 {strides = array<i32>} : memref<160x128xf32, #tpu.memory_space<vmem>>, vector<16xf32>,
              %eq3A_303 = arith.constant 2 : i32
              %eq3A_304 = vector.broadcast %eq3A_303 : i32 to vector<16xi32>
              %eq3A_305 = arith.cmpi eq, %iota3A, %eq3A_304 : vector<16xi32>
              %select_n3A_306 = arith.select %eq3A_305, %exp3A_287, %select_n3A_261 : vector<16xi1>, vector<16xf32>
              %get3A_307 = arith.index_cast %scan3A_166 : i32 to index
              %get3A_308 = arith.constant 48 : index
              %get3A_309 = tpu.vector_load %arg16[%get3A_307, %get3A_308] {strides = array<i32>} : memref<64x128xf32, #tpu.memory_space<vmem>>, vector<16xf32>,
              %get3A_310 = arith.index_cast %scan3A_166 : i32 to index
              %get3A_311 = arith.constant 48 : index
              %get3A_312 = tpu.vector_load %arg18[%get3A_310, %get3A_311] {strides = array<i32>} : memref<64x128xf32, #tpu.memory_space<vmem>>, vector<16xf32>,
              %get3A_313 = arith.index_cast %scan3A_166 : i32 to index
              %get3A_314 = arith.constant 48 : index
              %get3A_315 = tpu.vector_load %arg17[%get3A_313, %get3A_314] {strides = array<i32>} : memref<64x128xf32, #tpu.memory_space<vmem>>, vector<16xf32>,
              %add3A_316 = arith.addf %get3A_309, %get3A_315 : vector<16xf32>
              %add3A_317 = arith.addf %add3A_316, %get3A_312 : vector<16xf32>
              %mul3A_318 = arith.constant 2.000000e-01 : f32
              %mul3A_319 = vector.broadcast %mul3A_318 : f32 to vector<16xf32>
              %mul3A_320 = arith.mulf %mul3A_319, %add3A_317 : vector<16xf32>
              %max3A_321 = arith.maximumf %add3A_317, %mul3A_320 : vector<16xf32>
              %get3A_322 = arith.constant 3 : i32
              %get3A_323 = arith.index_cast %get3A_322 : i32 to index
              %get3A_324 = arith.constant 0 : index
              %get3A_325 = tpu.vector_load %arg22[%get3A_323, %get3A_324] {strides = array<i32>} : memref<8x16xf32, #tpu.memory_space<vmem>>, vector<16xf32>,
              %mul3A_326 = arith.mulf %max3A_321, %get3A_325 : vector<16xf32>
              %reduce_sum3A_327 = arith.constant true
              %reduce_sum3A_328 = vector.broadcast %reduce_sum3A_327 : i1 to vector<16xi1>
              %reduce_sum3A_329 = tpu.scan <sum>, %mul3A_326 masked %reduce_sum3A_328 : vector<16xf32>, vector<16xi1> -> vector<16xf32>
              %reduce_sum3A_330 = vector.extract %reduce_sum3A_329[15] : f32 from vector<16xf32>
              %broadcast_in_dim3A_331 = vector.broadcast %reduce_sum3A_330 : f32 to vector<16xf32>
              %exp3A_332 = math.exp %broadcast_in_dim3A_331 : vector<16xf32>
              %get3A_333 = arith.index_cast %sub3A_175 : i32 to index
              %get3A_334 = arith.constant 48 : index
              %get3A_335 = tpu.vector_load %arg19[%get3A_333, %get3A_334] {strides = array<i32>} : memref<160x128xf32, #tpu.memory_space<vmem>>, vector<16xf32>,
              %mul3A_336 = arith.mulf %get3A_309, %exp3A_332 : vector<16xf32>
              %add3A_337 = arith.addf %get3A_335, %mul3A_336 : vector<16xf32>
              %swap3A_338 = arith.index_cast %sub3A_175 : i32 to index
              %swap3A_339 = arith.constant 48 : index
              %swap3A_340 = tpu.vector_load %arg19[%swap3A_338, %swap3A_339] {strides = array<i32>} : memref<160x128xf32, #tpu.memory_space<vmem>>, vector<16xf32>,
              tpu.vector_store %arg19[%swap3A_338, %swap3A_339], %add3A_337 {strides = array<i32>} : memref<160x128xf32, #tpu.memory_space<vmem>>, vector<16xf32>,
              %get3A_341 = arith.index_cast %sub3A_175 : i32 to index
              %get3A_342 = arith.constant 48 : index
              %get3A_343 = tpu.vector_load %arg21[%get3A_341, %get3A_342] {strides = array<i32>} : memref<160x128xf32, #tpu.memory_space<vmem>>, vector<16xf32>,
              %add3A_344 = arith.addf %get3A_343, %get3A_312 : vector<16xf32>
              %swap3A_345 = arith.index_cast %sub3A_175 : i32 to index
              %swap3A_346 = arith.constant 48 : index
              %swap3A_347 = tpu.vector_load %arg21[%swap3A_345, %swap3A_346] {strides = array<i32>} : memref<160x128xf32, #tpu.memory_space<vmem>>, vector<16xf32>,
              tpu.vector_store %arg21[%swap3A_345, %swap3A_346], %add3A_344 {strides = array<i32>} : memref<160x128xf32, #tpu.memory_space<vmem>>, vector<16xf32>,
              %eq3A_348 = arith.constant 3 : i32
              %eq3A_349 = vector.broadcast %eq3A_348 : i32 to vector<16xi32>
              %eq3A_350 = arith.cmpi eq, %iota3A, %eq3A_349 : vector<16xi32>
              %select_n3A_351 = arith.select %eq3A_350, %exp3A_332, %select_n3A_306 : vector<16xi1>, vector<16xf32>
              %get3A_352 = arith.index_cast %scan3A_166 : i32 to index
              %get3A_353 = arith.constant 64 : index
              %get3A_354 = tpu.vector_load %arg16[%get3A_352, %get3A_353] {strides = array<i32>} : memref<64x128xf32, #tpu.memory_space<vmem>>, vector<16xf32>,
              %get3A_355 = arith.index_cast %scan3A_166 : i32 to index
              %get3A_356 = arith.constant 64 : index
              %get3A_357 = tpu.vector_load %arg18[%get3A_355, %get3A_356] {strides = array<i32>} : memref<64x128xf32, #tpu.memory_space<vmem>>, vector<16xf32>,
              %get3A_358 = arith.index_cast %scan3A_166 : i32 to index
              %get3A_359 = arith.constant 64 : index
              %get3A_360 = tpu.vector_load %arg17[%get3A_358, %get3A_359] {strides = array<i32>} : memref<64x128xf32, #tpu.memory_space<vmem>>, vector<16xf32>,
              %add3A_361 = arith.addf %get3A_354, %get3A_360 : vector<16xf32>
              %add3A_362 = arith.addf %add3A_361, %get3A_357 : vector<16xf32>
              %mul3A_363 = arith.constant 2.000000e-01 : f32
              %mul3A_364 = vector.broadcast %mul3A_363 : f32 to vector<16xf32>
              %mul3A_365 = arith.mulf %mul3A_364, %add3A_362 : vector<16xf32>
              %max3A_366 = arith.maximumf %add3A_362, %mul3A_365 : vector<16xf32>
              %get3A_367 = arith.constant 4 : i32
              %get3A_368 = arith.index_cast %get3A_367 : i32 to index
              %get3A_369 = arith.constant 0 : index
              %get3A_370 = tpu.vector_load %arg22[%get3A_368, %get3A_369] {strides = array<i32>} : memref<8x16xf32, #tpu.memory_space<vmem>>, vector<16xf32>,
              %mul3A_371 = arith.mulf %max3A_366, %get3A_370 : vector<16xf32>
              %reduce_sum3A_372 = arith.constant true
              %reduce_sum3A_373 = vector.broadcast %reduce_sum3A_372 : i1 to vector<16xi1>
              %reduce_sum3A_374 = tpu.scan <sum>, %mul3A_371 masked %reduce_sum3A_373 : vector<16xf32>, vector<16xi1> -> vector<16xf32>
              %reduce_sum3A_375 = vector.extract %reduce_sum3A_374[15] : f32 from vector<16xf32>
              %broadcast_in_dim3A_376 = vector.broadcast %reduce_sum3A_375 : f32 to vector<16xf32>
              %exp3A_377 = math.exp %broadcast_in_dim3A_376 : vector<16xf32>
              %get3A_378 = arith.index_cast %sub3A_175 : i32 to index
              %get3A_379 = arith.constant 64 : index
              %get3A_380 = tpu.vector_load %arg19[%get3A_378, %get3A_379] {strides = array<i32>} : memref<160x128xf32, #tpu.memory_space<vmem>>, vector<16xf32>,
              %mul3A_381 = arith.mulf %get3A_354, %exp3A_377 : vector<16xf32>
              %add3A_382 = arith.addf %get3A_380, %mul3A_381 : vector<16xf32>
              %swap3A_383 = arith.index_cast %sub3A_175 : i32 to index
              %swap3A_384 = arith.constant 64 : index
              %swap3A_385 = tpu.vector_load %arg19[%swap3A_383, %swap3A_384] {strides = array<i32>} : memref<160x128xf32, #tpu.memory_space<vmem>>, vector<16xf32>,
              tpu.vector_store %arg19[%swap3A_383, %swap3A_384], %add3A_382 {strides = array<i32>} : memref<160x128xf32, #tpu.memory_space<vmem>>, vector<16xf32>,
              %get3A_386 = arith.index_cast %sub3A_175 : i32 to index
              %get3A_387 = arith.constant 64 : index
              %get3A_388 = tpu.vector_load %arg21[%get3A_386, %get3A_387] {strides = array<i32>} : memref<160x128xf32, #tpu.memory_space<vmem>>, vector<16xf32>,
              %add3A_389 = arith.addf %get3A_388, %get3A_357 : vector<16xf32>
              %swap3A_390 = arith.index_cast %sub3A_175 : i32 to index
              %swap3A_391 = arith.constant 64 : index
              %swap3A_392 = tpu.vector_load %arg21[%swap3A_390, %swap3A_391] {strides = array<i32>} : memref<160x128xf32, #tpu.memory_space<vmem>>, vector<16xf32>,
              tpu.vector_store %arg21[%swap3A_390, %swap3A_391], %add3A_389 {strides = array<i32>} : memref<160x128xf32, #tpu.memory_space<vmem>>, vector<16xf32>,
              %eq3A_393 = arith.constant 4 : i32
              %eq3A_394 = vector.broadcast %eq3A_393 : i32 to vector<16xi32>
              %eq3A_395 = arith.cmpi eq, %iota3A, %eq3A_394 : vector<16xi32>
              %select_n3A_396 = arith.select %eq3A_395, %exp3A_377, %select_n3A_351 : vector<16xi1>, vector<16xf32>
              %get3A_397 = arith.index_cast %scan3A_166 : i32 to index
              %get3A_398 = arith.constant 80 : index
              %get3A_399 = tpu.vector_load %arg16[%get3A_397, %get3A_398] {strides = array<i32>} : memref<64x128xf32, #tpu.memory_space<vmem>>, vector<16xf32>,
              %get3A_400 = arith.index_cast %scan3A_166 : i32 to index
              %get3A_401 = arith.constant 80 : index
              %get3A_402 = tpu.vector_load %arg18[%get3A_400, %get3A_401] {strides = array<i32>} : memref<64x128xf32, #tpu.memory_space<vmem>>, vector<16xf32>,
              %get3A_403 = arith.index_cast %scan3A_166 : i32 to index
              %get3A_404 = arith.constant 80 : index
              %get3A_405 = tpu.vector_load %arg17[%get3A_403, %get3A_404] {strides = array<i32>} : memref<64x128xf32, #tpu.memory_space<vmem>>, vector<16xf32>,
              %add3A_406 = arith.addf %get3A_399, %get3A_405 : vector<16xf32>
              %add3A_407 = arith.addf %add3A_406, %get3A_402 : vector<16xf32>
              %mul3A_408 = arith.constant 2.000000e-01 : f32
              %mul3A_409 = vector.broadcast %mul3A_408 : f32 to vector<16xf32>
              %mul3A_410 = arith.mulf %mul3A_409, %add3A_407 : vector<16xf32>
              %max3A_411 = arith.maximumf %add3A_407, %mul3A_410 : vector<16xf32>
              %get3A_412 = arith.constant 5 : i32
              %get3A_413 = arith.index_cast %get3A_412 : i32 to index
              %get3A_414 = arith.constant 0 : index
              %get3A_415 = tpu.vector_load %arg22[%get3A_413, %get3A_414] {strides = array<i32>} : memref<8x16xf32, #tpu.memory_space<vmem>>, vector<16xf32>,
              %mul3A_416 = arith.mulf %max3A_411, %get3A_415 : vector<16xf32>
              %reduce_sum3A_417 = arith.constant true
              %reduce_sum3A_418 = vector.broadcast %reduce_sum3A_417 : i1 to vector<16xi1>
              %reduce_sum3A_419 = tpu.scan <sum>, %mul3A_416 masked %reduce_sum3A_418 : vector<16xf32>, vector<16xi1> -> vector<16xf32>
              %reduce_sum3A_420 = vector.extract %reduce_sum3A_419[15] : f32 from vector<16xf32>
              %broadcast_in_dim3A_421 = vector.broadcast %reduce_sum3A_420 : f32 to vector<16xf32>
              %exp3A_422 = math.exp %broadcast_in_dim3A_421 : vector<16xf32>
              %get3A_423 = arith.index_cast %sub3A_175 : i32 to index
              %get3A_424 = arith.constant 80 : index
              %get3A_425 = tpu.vector_load %arg19[%get3A_423, %get3A_424] {strides = array<i32>} : memref<160x128xf32, #tpu.memory_space<vmem>>, vector<16xf32>,
              %mul3A_426 = arith.mulf %get3A_399, %exp3A_422 : vector<16xf32>
              %add3A_427 = arith.addf %get3A_425, %mul3A_426 : vector<16xf32>
              %swap3A_428 = arith.index_cast %sub3A_175 : i32 to index
              %swap3A_429 = arith.constant 80 : index
              %swap3A_430 = tpu.vector_load %arg19[%swap3A_428, %swap3A_429] {strides = array<i32>} : memref<160x128xf32, #tpu.memory_space<vmem>>, vector<16xf32>,
              tpu.vector_store %arg19[%swap3A_428, %swap3A_429], %add3A_427 {strides = array<i32>} : memref<160x128xf32, #tpu.memory_space<vmem>>, vector<16xf32>,
              %get3A_431 = arith.index_cast %sub3A_175 : i32 to index
              %get3A_432 = arith.constant 80 : index
              %get3A_433 = tpu.vector_load %arg21[%get3A_431, %get3A_432] {strides = array<i32>} : memref<160x128xf32, #tpu.memory_space<vmem>>, vector<16xf32>,
              %add3A_434 = arith.addf %get3A_433, %get3A_402 : vector<16xf32>
              %swap3A_435 = arith.index_cast %sub3A_175 : i32 to index
              %swap3A_436 = arith.constant 80 : index
              %swap3A_437 = tpu.vector_load %arg21[%swap3A_435, %swap3A_436] {strides = array<i32>} : memref<160x128xf32, #tpu.memory_space<vmem>>, vector<16xf32>,
              tpu.vector_store %arg21[%swap3A_435, %swap3A_436], %add3A_434 {strides = array<i32>} : memref<160x128xf32, #tpu.memory_space<vmem>>, vector<16xf32>,
              %eq3A_438 = arith.constant 5 : i32
              %eq3A_439 = vector.broadcast %eq3A_438 : i32 to vector<16xi32>
              %eq3A_440 = arith.cmpi eq, %iota3A, %eq3A_439 : vector<16xi32>
              %select_n3A_441 = arith.select %eq3A_440, %exp3A_422, %select_n3A_396 : vector<16xi1>, vector<16xf32>
              %get3A_442 = arith.index_cast %scan3A_166 : i32 to index
              %get3A_443 = arith.constant 96 : index
              %get3A_444 = tpu.vector_load %arg16[%get3A_442, %get3A_443] {strides = array<i32>} : memref<64x128xf32, #tpu.memory_space<vmem>>, vector<16xf32>,
              %get3A_445 = arith.index_cast %scan3A_166 : i32 to index
              %get3A_446 = arith.constant 96 : index
              %get3A_447 = tpu.vector_load %arg18[%get3A_445, %get3A_446] {strides = array<i32>} : memref<64x128xf32, #tpu.memory_space<vmem>>, vector<16xf32>,
              %get3A_448 = arith.index_cast %scan3A_166 : i32 to index
              %get3A_449 = arith.constant 96 : index
              %get3A_450 = tpu.vector_load %arg17[%get3A_448, %get3A_449] {strides = array<i32>} : memref<64x128xf32, #tpu.memory_space<vmem>>, vector<16xf32>,
              %add3A_451 = arith.addf %get3A_444, %get3A_450 : vector<16xf32>
              %add3A_452 = arith.addf %add3A_451, %get3A_447 : vector<16xf32>
              %mul3A_453 = arith.constant 2.000000e-01 : f32
              %mul3A_454 = vector.broadcast %mul3A_453 : f32 to vector<16xf32>
              %mul3A_455 = arith.mulf %mul3A_454, %add3A_452 : vector<16xf32>
              %max3A_456 = arith.maximumf %add3A_452, %mul3A_455 : vector<16xf32>
              %get3A_457 = arith.constant 6 : i32
              %get3A_458 = arith.index_cast %get3A_457 : i32 to index
              %get3A_459 = arith.constant 0 : index
              %get3A_460 = tpu.vector_load %arg22[%get3A_458, %get3A_459] {strides = array<i32>} : memref<8x16xf32, #tpu.memory_space<vmem>>, vector<16xf32>,
              %mul3A_461 = arith.mulf %max3A_456, %get3A_460 : vector<16xf32>
              %reduce_sum3A_462 = arith.constant true
              %reduce_sum3A_463 = vector.broadcast %reduce_sum3A_462 : i1 to vector<16xi1>
              %reduce_sum3A_464 = tpu.scan <sum>, %mul3A_461 masked %reduce_sum3A_463 : vector<16xf32>, vector<16xi1> -> vector<16xf32>
              %reduce_sum3A_465 = vector.extract %reduce_sum3A_464[15] : f32 from vector<16xf32>
              %broadcast_in_dim3A_466 = vector.broadcast %reduce_sum3A_465 : f32 to vector<16xf32>
              %exp3A_467 = math.exp %broadcast_in_dim3A_466 : vector<16xf32>
              %get3A_468 = arith.index_cast %sub3A_175 : i32 to index
              %get3A_469 = arith.constant 96 : index
              %get3A_470 = tpu.vector_load %arg19[%get3A_468, %get3A_469] {strides = array<i32>} : memref<160x128xf32, #tpu.memory_space<vmem>>, vector<16xf32>,
              %mul3A_471 = arith.mulf %get3A_444, %exp3A_467 : vector<16xf32>
              %add3A_472 = arith.addf %get3A_470, %mul3A_471 : vector<16xf32>
              %swap3A_473 = arith.index_cast %sub3A_175 : i32 to index
              %swap3A_474 = arith.constant 96 : index
              %swap3A_475 = tpu.vector_load %arg19[%swap3A_473, %swap3A_474] {strides = array<i32>} : memref<160x128xf32, #tpu.memory_space<vmem>>, vector<16xf32>,
              tpu.vector_store %arg19[%swap3A_473, %swap3A_474], %add3A_472 {strides = array<i32>} : memref<160x128xf32, #tpu.memory_space<vmem>>, vector<16xf32>,
              %get3A_476 = arith.index_cast %sub3A_175 : i32 to index
              %get3A_477 = arith.constant 96 : index
              %get3A_478 = tpu.vector_load %arg21[%get3A_476, %get3A_477] {strides = array<i32>} : memref<160x128xf32, #tpu.memory_space<vmem>>, vector<16xf32>,
              %add3A_479 = arith.addf %get3A_478, %get3A_447 : vector<16xf32>
              %swap3A_480 = arith.index_cast %sub3A_175 : i32 to index
              %swap3A_481 = arith.constant 96 : index
              %swap3A_482 = tpu.vector_load %arg21[%swap3A_480, %swap3A_481] {strides = array<i32>} : memref<160x128xf32, #tpu.memory_space<vmem>>, vector<16xf32>,
              tpu.vector_store %arg21[%swap3A_480, %swap3A_481], %add3A_479 {strides = array<i32>} : memref<160x128xf32, #tpu.memory_space<vmem>>, vector<16xf32>,
              %eq3A_483 = arith.constant 6 : i32
              %eq3A_484 = vector.broadcast %eq3A_483 : i32 to vector<16xi32>
              %eq3A_485 = arith.cmpi eq, %iota3A, %eq3A_484 : vector<16xi32>
              %select_n3A_486 = arith.select %eq3A_485, %exp3A_467, %select_n3A_441 : vector<16xi1>, vector<16xf32>
              %get3A_487 = arith.index_cast %scan3A_166 : i32 to index
              %get3A_488 = arith.constant 112 : index
              %get3A_489 = tpu.vector_load %arg16[%get3A_487, %get3A_488] {strides = array<i32>} : memref<64x128xf32, #tpu.memory_space<vmem>>, vector<16xf32>,
              %get3A_490 = arith.index_cast %scan3A_166 : i32 to index
              %get3A_491 = arith.constant 112 : index
              %get3A_492 = tpu.vector_load %arg18[%get3A_490, %get3A_491] {strides = array<i32>} : memref<64x128xf32, #tpu.memory_space<vmem>>, vector<16xf32>,
              %get3A_493 = arith.index_cast %scan3A_166 : i32 to index
              %get3A_494 = arith.constant 112 : index
              %get3A_495 = tpu.vector_load %arg17[%get3A_493, %get3A_494] {strides = array<i32>} : memref<64x128xf32, #tpu.memory_space<vmem>>, vector<16xf32>,
              %add3A_496 = arith.addf %get3A_489, %get3A_495 : vector<16xf32>
              %add3A_497 = arith.addf %add3A_496, %get3A_492 : vector<16xf32>
              %mul3A_498 = arith.constant 2.000000e-01 : f32
              %mul3A_499 = vector.broadcast %mul3A_498 : f32 to vector<16xf32>
              %mul3A_500 = arith.mulf %mul3A_499, %add3A_497 : vector<16xf32>
              %max3A_501 = arith.maximumf %add3A_497, %mul3A_500 : vector<16xf32>
              %get3A_502 = arith.constant 7 : i32
              %get3A_503 = arith.index_cast %get3A_502 : i32 to index
              %get3A_504 = arith.constant 0 : index
              %get3A_505 = tpu.vector_load %arg22[%get3A_503, %get3A_504] {strides = array<i32>} : memref<8x16xf32, #tpu.memory_space<vmem>>, vector<16xf32>,
              %mul3A_506 = arith.mulf %max3A_501, %get3A_505 : vector<16xf32>
              %reduce_sum3A_507 = arith.constant true
              %reduce_sum3A_508 = vector.broadcast %reduce_sum3A_507 : i1 to vector<16xi1>
              %reduce_sum3A_509 = tpu.scan <sum>, %mul3A_506 masked %reduce_sum3A_508 : vector<16xf32>, vector<16xi1> -> vector<16xf32>
              %reduce_sum3A_510 = vector.extract %reduce_sum3A_509[15] : f32 from vector<16xf32>
              %broadcast_in_dim3A_511 = vector.broadcast %reduce_sum3A_510 : f32 to vector<16xf32>
              %exp3A_512 = math.exp %broadcast_in_dim3A_511 : vector<16xf32>
              %get3A_513 = arith.index_cast %sub3A_175 : i32 to index
              %get3A_514 = arith.constant 112 : index
              %get3A_515 = tpu.vector_load %arg19[%get3A_513, %get3A_514] {strides = array<i32>} : memref<160x128xf32, #tpu.memory_space<vmem>>, vector<16xf32>,
              %mul3A_516 = arith.mulf %get3A_489, %exp3A_512 : vector<16xf32>
              %add3A_517 = arith.addf %get3A_515, %mul3A_516 : vector<16xf32>
              %swap3A_518 = arith.index_cast %sub3A_175 : i32 to index
              %swap3A_519 = arith.constant 112 : index
              %swap3A_520 = tpu.vector_load %arg19[%swap3A_518, %swap3A_519] {strides = array<i32>} : memref<160x128xf32, #tpu.memory_space<vmem>>, vector<16xf32>,
              tpu.vector_store %arg19[%swap3A_518, %swap3A_519], %add3A_517 {strides = array<i32>} : memref<160x128xf32, #tpu.memory_space<vmem>>, vector<16xf32>,
              %get3A_521 = arith.index_cast %sub3A_175 : i32 to index
              %get3A_522 = arith.constant 112 : index
              %get3A_523 = tpu.vector_load %arg21[%get3A_521, %get3A_522] {strides = array<i32>} : memref<160x128xf32, #tpu.memory_space<vmem>>, vector<16xf32>,
              %add3A_524 = arith.addf %get3A_523, %get3A_492 : vector<16xf32>
              %swap3A_525 = arith.index_cast %sub3A_175 : i32 to index
              %swap3A_526 = arith.constant 112 : index
              %swap3A_527 = tpu.vector_load %arg21[%swap3A_525, %swap3A_526] {strides = array<i32>} : memref<160x128xf32, #tpu.memory_space<vmem>>, vector<16xf32>,
              tpu.vector_store %arg21[%swap3A_525, %swap3A_526], %add3A_524 {strides = array<i32>} : memref<160x128xf32, #tpu.memory_space<vmem>>, vector<16xf32>,
              %eq3A_528 = arith.constant 7 : i32
              %eq3A_529 = vector.broadcast %eq3A_528 : i32 to vector<16xi32>
              %eq3A_530 = arith.cmpi eq, %iota3A, %eq3A_529 : vector<16xi32>
              %select_n3A_531 = arith.select %eq3A_530, %exp3A_512, %select_n3A_486 : vector<16xi1>, vector<16xf32>
              %get3A_532 = arith.index_cast %sub3A_175 : i32 to index
              %get3A_533 = arith.constant 0 : index
              %get3A_534 = tpu.vector_load %arg20[%get3A_532, %get3A_533] {strides = array<i32>} : memref<160x16xf32, #tpu.memory_space<vmem>>, vector<16xf32>,
              %add3A_535 = arith.addf %get3A_534, %select_n3A_531 : vector<16xf32>
              %swap3A_536 = arith.index_cast %sub3A_175 : i32 to index
              %swap3A_537 = arith.constant 0 : index
              %swap3A_538 = tpu.vector_load %arg20[%swap3A_536, %swap3A_537] {strides = array<i32>} : memref<160x16xf32, #tpu.memory_space<vmem>>, vector<16xf32>,
              tpu.vector_store %arg20[%swap3A_536, %swap3A_537], %add3A_535 {strides = array<i32>} : memref<160x16xf32, #tpu.memory_space<vmem>>, vector<16xf32>,
            } else {
            }
          }
          %scan3A_153 = arith.constant 64 : i32
          %get3A_154 = arith.constant 64 : index
          %get3A_155 = tpu.vector_load %arg13[%get3A_154] {strides = array<i32>} : memref<96xi32, #tpu.memory_space<vmem>>, vector<16xi32>,
          %swap3A_156 = arith.constant 0 : index
          %swap3A_157 = tpu.vector_load %arg13[%swap3A_156] {strides = array<i32>} : memref<96xi32, #tpu.memory_space<vmem>>, vector<16xi32>,
          tpu.vector_store %arg13[%swap3A_156], %get3A_155 {strides = array<i32>} : memref<96xi32, #tpu.memory_space<vmem>>, vector<16xi32>,
          %get3A_158 = arith.constant 64 : index
          %get3A_159 = tpu.vector_load %arg14[%get3A_158] {strides = array<i32>} : memref<96xi32, #tpu.memory_space<vmem>>, vector<16xi32>,
          %swap3A_160 = arith.constant 0 : index
          %swap3A_161 = tpu.vector_load %arg14[%swap3A_160] {strides = array<i32>} : memref<96xi32, #tpu.memory_space<vmem>>, vector<16xi32>,
          tpu.vector_store %arg14[%swap3A_160], %get3A_159 {strides = array<i32>} : memref<96xi32, #tpu.memory_space<vmem>>, vector<16xi32>,
          %get3A_162 = arith.constant 64 : index
          %get3A_163 = tpu.vector_load %arg15[%get3A_162] {strides = array<i32>} : memref<96xi32, #tpu.memory_space<vmem>>, vector<16xi32>,
          %swap3A_164 = arith.constant 0 : index
          %swap3A_165 = tpu.vector_load %arg15[%swap3A_164] {strides = array<i32>} : memref<96xi32, #tpu.memory_space<vmem>>, vector<16xi32>,
          tpu.vector_store %arg15[%swap3A_164], %get3A_163 {strides = array<i32>} : memref<96xi32, #tpu.memory_space<vmem>>, vector<16xi32>,
        } else {
        }
        %sub3A = arith.constant 64 : i32
        %sub3A_117 = arith.subi %add3A_111, %sub3A : i32
        %select_n3A_118 = arith.select %ge3A_113, %sub3A_117, %add3A_111 : i32
        scf.yield %select_n3A_118 : i32
      }
      %scan3A_95 = arith.constant 400 : i32
      scf.yield %scan3A_94 : i32
    }
    %scan3A_61 = arith.constant 50 : i32
    %gt3A = arith.constant 0 : i32
    %gt3A_62 = arith.cmpi sgt, %scan3A_60, %gt3A : i32
    %convert_element_type3A = arith.extui %gt3A_62 : i1 to i32
    %cond3A = arith.constant 0 : i32
    %cond3A_63 = arith.cmpi ne, %convert_element_type3A, %cond3A : i32
    scf.if %cond3A_63 {
      %dma_start3A = arith.constant 0 : i32
      %dma_start3A_86 = tpu.memref_slice %arg14[%dma_start3A] : memref<96xi32, #tpu.memory_space<vmem>> -> memref<64xi32, #tpu.memory_space<vmem>>
      %dma_start3A_87 = arith.constant 0 : i32
      %dma_start3A_88 = arith.constant 0 : i32
      %dma_start3A_89 = tpu.memref_slice %arg4[%dma_start3A_87, %dma_start3A_88] : memref<10000x128xf32, #tpu.memory_space<hbm>> -> memref<10000x128xf32, #tpu.memory_space<hbm>>
      tpu.enqueue_indirect_dma source(%dma_start3A_89 : memref<10000x128xf32, #tpu.memory_space<hbm>>) target(%arg16 : memref<64x128xf32, #tpu.memory_space<vmem>>) offsets(%dma_start3A_86 : memref<64xi32, #tpu.memory_space<vmem>>) semaphore(%arg23 : memref<!tpu.dma_semaphore, #tpu.memory_space<semaphore_mem>>)
      %dma_start3A_90 = arith.constant 0 : i32
      %dma_start3A_91 = tpu.memref_slice %arg13[%dma_start3A_90] : memref<96xi32, #tpu.memory_space<vmem>> -> memref<64xi32, #tpu.memory_space<vmem>>
      %dma_start3A_92 = arith.constant 0 : i32
      %dma_start3A_93 = arith.constant 0 : i32
      %dma_start3A_94 = tpu.memref_slice %arg5[%dma_start3A_92, %dma_start3A_93] : memref<10000x128xf32, #tpu.memory_space<hbm>> -> memref<10000x128xf32, #tpu.memory_space<hbm>>
      tpu.enqueue_indirect_dma source(%dma_start3A_94 : memref<10000x128xf32, #tpu.memory_space<hbm>>) target(%arg17 : memref<64x128xf32, #tpu.memory_space<vmem>>) offsets(%dma_start3A_91 : memref<64xi32, #tpu.memory_space<vmem>>) semaphore(%arg23 : memref<!tpu.dma_semaphore, #tpu.memory_space<semaphore_mem>>)
      %dma_start3A_95 = arith.constant 0 : i32
      %dma_start3A_96 = tpu.memref_slice %arg15[%dma_start3A_95] : memref<96xi32, #tpu.memory_space<vmem>> -> memref<64xi32, #tpu.memory_space<vmem>>
      %dma_start3A_97 = arith.constant 0 : i32
      %dma_start3A_98 = arith.constant 0 : i32
      %dma_start3A_99 = tpu.memref_slice %arg6[%dma_start3A_97, %dma_start3A_98] : memref<320000x128xf32, #tpu.memory_space<hbm>> -> memref<320000x128xf32, #tpu.memory_space<hbm>>
      tpu.enqueue_indirect_dma source(%dma_start3A_99 : memref<320000x128xf32, #tpu.memory_space<hbm>>) target(%arg18 : memref<64x128xf32, #tpu.memory_space<vmem>>) offsets(%dma_start3A_96 : memref<64xi32, #tpu.memory_space<vmem>>) semaphore(%arg23 : memref<!tpu.dma_semaphore, #tpu.memory_space<semaphore_mem>>)
      %dma_wait3A = arith.constant 0 : i32
      %dma_wait3A_100 = tpu.memref_slice %arg14[%dma_wait3A] : memref<96xi32, #tpu.memory_space<vmem>> -> memref<64xi32, #tpu.memory_space<vmem>>
      %dma_wait3A_101 = arith.constant 0 : i32
      %dma_wait3A_102 = arith.constant 0 : i32
      %dma_wait3A_103 = tpu.memref_slice %arg4[%dma_wait3A_101, %dma_wait3A_102] : memref<10000x128xf32, #tpu.memory_space<hbm>> -> memref<10000x128xf32, #tpu.memory_space<hbm>>
      tpu.wait_indirect_dma semaphore(%arg23 : memref<!tpu.dma_semaphore, #tpu.memory_space<semaphore_mem>>) src(%dma_wait3A_103 : memref<10000x128xf32, #tpu.memory_space<hbm>>) dst(%arg16 : memref<64x128xf32, #tpu.memory_space<vmem>>)
      %dma_wait3A_104 = arith.constant 0 : i32
      %dma_wait3A_105 = tpu.memref_slice %arg13[%dma_wait3A_104] : memref<96xi32, #tpu.memory_space<vmem>> -> memref<64xi32, #tpu.memory_space<vmem>>
      %dma_wait3A_106 = arith.constant 0 : i32
      %dma_wait3A_107 = arith.constant 0 : i32
      %dma_wait3A_108 = tpu.memref_slice %arg5[%dma_wait3A_106, %dma_wait3A_107] : memref<10000x128xf32, #tpu.memory_space<hbm>> -> memref<10000x128xf32, #tpu.memory_space<hbm>>
      tpu.wait_indirect_dma semaphore(%arg23 : memref<!tpu.dma_semaphore, #tpu.memory_space<semaphore_mem>>) src(%dma_wait3A_108 : memref<10000x128xf32, #tpu.memory_space<hbm>>) dst(%arg17 : memref<64x128xf32, #tpu.memory_space<vmem>>)
      %dma_wait3A_109 = arith.constant 0 : i32
      %dma_wait3A_110 = tpu.memref_slice %arg15[%dma_wait3A_109] : memref<96xi32, #tpu.memory_space<vmem>> -> memref<64xi32, #tpu.memory_space<vmem>>
      %dma_wait3A_111 = arith.constant 0 : i32
      %dma_wait3A_112 = arith.constant 0 : i32
      %dma_wait3A_113 = tpu.memref_slice %arg6[%dma_wait3A_111, %dma_wait3A_112] : memref<320000x128xf32, #tpu.memory_space<hbm>> -> memref<320000x128xf32, #tpu.memory_space<hbm>>
      tpu.wait_indirect_dma semaphore(%arg23 : memref<!tpu.dma_semaphore, #tpu.memory_space<semaphore_mem>>) src(%dma_wait3A_113 : memref<320000x128xf32, #tpu.memory_space<hbm>>) dst(%arg18 : memref<64x128xf32, #tpu.memory_space<vmem>>)
      %scan3A_114 = arith.constant 0 : i32
      %scan3A_115 = arith.constant 0 : i32
      %scan3A_116 = arith.constant 64 : i32
      %scan3A_117 = arith.addi %scan3A_115, %scan3A_116 : i32
      %scan3A_118 = arith.constant 1 : i32
      scf.for %scan3A_120 = %scan3A_115 to %scan3A_117 step %scan3A_118  : i32 {
        %lt3A = arith.cmpi slt, %scan3A_120, %scan3A_60 : i32
        %convert_element_type3A_121 = arith.extui %lt3A : i1 to i32
        %cond3A_122 = arith.constant 0 : i32
        %cond3A_123 = arith.cmpi ne, %convert_element_type3A_121, %cond3A_122 : i32
        scf.if %cond3A_123 {
          %get3A = arith.index_cast %scan3A_120 : i32 to index
          %get3A_124 = tpu.vector_load %arg13[%get3A] {strides = array<i32>} : memref<96xi32, #tpu.memory_space<vmem>>, vector<16xi32>,
          %slice3A = vector.extract_strided_slice %get3A_124 {offsets = [0], sizes = [1], strides = [1]} : vector<16xi32> to vector<1xi32>
          %squeeze3A = vector.extract %slice3A[0] : i32 from vector<1xi32>
          %sub3A = arith.subi %squeeze3A, %add3A_49 : i32
          %get3A_125 = arith.index_cast %scan3A_120 : i32 to index
          %get3A_126 = arith.constant 0 : index
          %get3A_127 = tpu.vector_load %arg16[%get3A_125, %get3A_126] {strides = array<i32>} : memref<64x128xf32, #tpu.memory_space<vmem>>, vector<16xf32>,
          %get3A_128 = arith.index_cast %scan3A_120 : i32 to index
          %get3A_129 = arith.constant 0 : index
          %get3A_130 = tpu.vector_load %arg18[%get3A_128, %get3A_129] {strides = array<i32>} : memref<64x128xf32, #tpu.memory_space<vmem>>, vector<16xf32>,
          %get3A_131 = arith.index_cast %scan3A_120 : i32 to index
          %get3A_132 = arith.constant 0 : index
          %get3A_133 = tpu.vector_load %arg17[%get3A_131, %get3A_132] {strides = array<i32>} : memref<64x128xf32, #tpu.memory_space<vmem>>, vector<16xf32>,
          %add3A_134 = arith.addf %get3A_127, %get3A_133 : vector<16xf32>
          %add3A_135 = arith.addf %add3A_134, %get3A_130 : vector<16xf32>
          %mul3A_136 = arith.constant 2.000000e-01 : f32
          %mul3A_137 = vector.broadcast %mul3A_136 : f32 to vector<16xf32>
          %mul3A_138 = arith.mulf %mul3A_137, %add3A_135 : vector<16xf32>
          %max3A = arith.maximumf %add3A_135, %mul3A_138 : vector<16xf32>
          %get3A_139 = arith.constant 0 : i32
          %get3A_140 = arith.index_cast %get3A_139 : i32 to index
          %get3A_141 = arith.constant 0 : index
          %get3A_142 = tpu.vector_load %arg22[%get3A_140, %get3A_141] {strides = array<i32>} : memref<8x16xf32, #tpu.memory_space<vmem>>, vector<16xf32>,
          %mul3A_143 = arith.mulf %max3A, %get3A_142 : vector<16xf32>
          %reduce_sum3A = arith.constant true
          %reduce_sum3A_144 = vector.broadcast %reduce_sum3A : i1 to vector<16xi1>
          %reduce_sum3A_145 = tpu.scan <sum>, %mul3A_143 masked %reduce_sum3A_144 : vector<16xf32>, vector<16xi1> -> vector<16xf32>
          %reduce_sum3A_146 = vector.extract %reduce_sum3A_145[15] : f32 from vector<16xf32>
          %broadcast_in_dim3A_147 = vector.broadcast %reduce_sum3A_146 : f32 to vector<16xf32>
          %exp3A = math.exp %broadcast_in_dim3A_147 : vector<16xf32>
          %get3A_148 = arith.index_cast %sub3A : i32 to index
          %get3A_149 = arith.constant 0 : index
          %get3A_150 = tpu.vector_load %arg19[%get3A_148, %get3A_149] {strides = array<i32>} : memref<160x128xf32, #tpu.memory_space<vmem>>, vector<16xf32>,
          %mul3A_151 = arith.mulf %get3A_127, %exp3A : vector<16xf32>
          %add3A_152 = arith.addf %get3A_150, %mul3A_151 : vector<16xf32>
          %swap3A_153 = arith.index_cast %sub3A : i32 to index
          %swap3A_154 = arith.constant 0 : index
          %swap3A_155 = tpu.vector_load %arg19[%swap3A_153, %swap3A_154] {strides = array<i32>} : memref<160x128xf32, #tpu.memory_space<vmem>>, vector<16xf32>,
          tpu.vector_store %arg19[%swap3A_153, %swap3A_154], %add3A_152 {strides = array<i32>} : memref<160x128xf32, #tpu.memory_space<vmem>>, vector<16xf32>,
          %get3A_156 = arith.index_cast %sub3A : i32 to index
          %get3A_157 = arith.constant 0 : index
          %get3A_158 = tpu.vector_load %arg21[%get3A_156, %get3A_157] {strides = array<i32>} : memref<160x128xf32, #tpu.memory_space<vmem>>, vector<16xf32>,
          %add3A_159 = arith.addf %get3A_158, %get3A_130 : vector<16xf32>
          %swap3A_160 = arith.index_cast %sub3A : i32 to index
          %swap3A_161 = arith.constant 0 : index
          %swap3A_162 = tpu.vector_load %arg21[%swap3A_160, %swap3A_161] {strides = array<i32>} : memref<160x128xf32, #tpu.memory_space<vmem>>, vector<16xf32>,
          tpu.vector_store %arg21[%swap3A_160, %swap3A_161], %add3A_159 {strides = array<i32>} : memref<160x128xf32, #tpu.memory_space<vmem>>, vector<16xf32>,
          %eq3A = arith.constant 0 : i32
          %eq3A_163 = vector.broadcast %eq3A : i32 to vector<16xi32>
          %eq3A_164 = arith.cmpi eq, %iota3A, %eq3A_163 : vector<16xi32>
          %select_n3A_165 = arith.select %eq3A_164, %exp3A, %select_n3A : vector<16xi1>, vector<16xf32>
          %get3A_166 = arith.index_cast %scan3A_120 : i32 to index
          %get3A_167 = arith.constant 16 : index
          %get3A_168 = tpu.vector_load %arg16[%get3A_166, %get3A_167] {strides = array<i32>} : memref<64x128xf32, #tpu.memory_space<vmem>>, vector<16xf32>,
          %get3A_169 = arith.index_cast %scan3A_120 : i32 to index
          %get3A_170 = arith.constant 16 : index
          %get3A_171 = tpu.vector_load %arg18[%get3A_169, %get3A_170] {strides = array<i32>} : memref<64x128xf32, #tpu.memory_space<vmem>>, vector<16xf32>,
          %get3A_172 = arith.index_cast %scan3A_120 : i32 to index
          %get3A_173 = arith.constant 16 : index
          %get3A_174 = tpu.vector_load %arg17[%get3A_172, %get3A_173] {strides = array<i32>} : memref<64x128xf32, #tpu.memory_space<vmem>>, vector<16xf32>,
          %add3A_175 = arith.addf %get3A_168, %get3A_174 : vector<16xf32>
          %add3A_176 = arith.addf %add3A_175, %get3A_171 : vector<16xf32>
          %mul3A_177 = arith.constant 2.000000e-01 : f32
          %mul3A_178 = vector.broadcast %mul3A_177 : f32 to vector<16xf32>
          %mul3A_179 = arith.mulf %mul3A_178, %add3A_176 : vector<16xf32>
          %max3A_180 = arith.maximumf %add3A_176, %mul3A_179 : vector<16xf32>
          %get3A_181 = arith.constant 1 : i32
          %get3A_182 = arith.index_cast %get3A_181 : i32 to index
          %get3A_183 = arith.constant 0 : index
          %get3A_184 = tpu.vector_load %arg22[%get3A_182, %get3A_183] {strides = array<i32>} : memref<8x16xf32, #tpu.memory_space<vmem>>, vector<16xf32>,
          %mul3A_185 = arith.mulf %max3A_180, %get3A_184 : vector<16xf32>
          %reduce_sum3A_186 = arith.constant true
          %reduce_sum3A_187 = vector.broadcast %reduce_sum3A_186 : i1 to vector<16xi1>
          %reduce_sum3A_188 = tpu.scan <sum>, %mul3A_185 masked %reduce_sum3A_187 : vector<16xf32>, vector<16xi1> -> vector<16xf32>
          %reduce_sum3A_189 = vector.extract %reduce_sum3A_188[15] : f32 from vector<16xf32>
          %broadcast_in_dim3A_190 = vector.broadcast %reduce_sum3A_189 : f32 to vector<16xf32>
          %exp3A_191 = math.exp %broadcast_in_dim3A_190 : vector<16xf32>
          %get3A_192 = arith.index_cast %sub3A : i32 to index
          %get3A_193 = arith.constant 16 : index
          %get3A_194 = tpu.vector_load %arg19[%get3A_192, %get3A_193] {strides = array<i32>} : memref<160x128xf32, #tpu.memory_space<vmem>>, vector<16xf32>,
          %mul3A_195 = arith.mulf %get3A_168, %exp3A_191 : vector<16xf32>
          %add3A_196 = arith.addf %get3A_194, %mul3A_195 : vector<16xf32>
          %swap3A_197 = arith.index_cast %sub3A : i32 to index
          %swap3A_198 = arith.constant 16 : index
          %swap3A_199 = tpu.vector_load %arg19[%swap3A_197, %swap3A_198] {strides = array<i32>} : memref<160x128xf32, #tpu.memory_space<vmem>>, vector<16xf32>,
          tpu.vector_store %arg19[%swap3A_197, %swap3A_198], %add3A_196 {strides = array<i32>} : memref<160x128xf32, #tpu.memory_space<vmem>>, vector<16xf32>,
          %get3A_200 = arith.index_cast %sub3A : i32 to index
          %get3A_201 = arith.constant 16 : index
          %get3A_202 = tpu.vector_load %arg21[%get3A_200, %get3A_201] {strides = array<i32>} : memref<160x128xf32, #tpu.memory_space<vmem>>, vector<16xf32>,
          %add3A_203 = arith.addf %get3A_202, %get3A_171 : vector<16xf32>
          %swap3A_204 = arith.index_cast %sub3A : i32 to index
          %swap3A_205 = arith.constant 16 : index
          %swap3A_206 = tpu.vector_load %arg21[%swap3A_204, %swap3A_205] {strides = array<i32>} : memref<160x128xf32, #tpu.memory_space<vmem>>, vector<16xf32>,
          tpu.vector_store %arg21[%swap3A_204, %swap3A_205], %add3A_203 {strides = array<i32>} : memref<160x128xf32, #tpu.memory_space<vmem>>, vector<16xf32>,
          %eq3A_207 = arith.constant 1 : i32
          %eq3A_208 = vector.broadcast %eq3A_207 : i32 to vector<16xi32>
          %eq3A_209 = arith.cmpi eq, %iota3A, %eq3A_208 : vector<16xi32>
          %select_n3A_210 = arith.select %eq3A_209, %exp3A_191, %select_n3A_165 : vector<16xi1>, vector<16xf32>
          %get3A_211 = arith.index_cast %scan3A_120 : i32 to index
          %get3A_212 = arith.constant 32 : index
          %get3A_213 = tpu.vector_load %arg16[%get3A_211, %get3A_212] {strides = array<i32>} : memref<64x128xf32, #tpu.memory_space<vmem>>, vector<16xf32>,
          %get3A_214 = arith.index_cast %scan3A_120 : i32 to index
          %get3A_215 = arith.constant 32 : index
          %get3A_216 = tpu.vector_load %arg18[%get3A_214, %get3A_215] {strides = array<i32>} : memref<64x128xf32, #tpu.memory_space<vmem>>, vector<16xf32>,
          %get3A_217 = arith.index_cast %scan3A_120 : i32 to index
          %get3A_218 = arith.constant 32 : index
          %get3A_219 = tpu.vector_load %arg17[%get3A_217, %get3A_218] {strides = array<i32>} : memref<64x128xf32, #tpu.memory_space<vmem>>, vector<16xf32>,
          %add3A_220 = arith.addf %get3A_213, %get3A_219 : vector<16xf32>
          %add3A_221 = arith.addf %add3A_220, %get3A_216 : vector<16xf32>
          %mul3A_222 = arith.constant 2.000000e-01 : f32
          %mul3A_223 = vector.broadcast %mul3A_222 : f32 to vector<16xf32>
          %mul3A_224 = arith.mulf %mul3A_223, %add3A_221 : vector<16xf32>
          %max3A_225 = arith.maximumf %add3A_221, %mul3A_224 : vector<16xf32>
          %get3A_226 = arith.constant 2 : i32
          %get3A_227 = arith.index_cast %get3A_226 : i32 to index
          %get3A_228 = arith.constant 0 : index
          %get3A_229 = tpu.vector_load %arg22[%get3A_227, %get3A_228] {strides = array<i32>} : memref<8x16xf32, #tpu.memory_space<vmem>>, vector<16xf32>,
          %mul3A_230 = arith.mulf %max3A_225, %get3A_229 : vector<16xf32>
          %reduce_sum3A_231 = arith.constant true
          %reduce_sum3A_232 = vector.broadcast %reduce_sum3A_231 : i1 to vector<16xi1>
          %reduce_sum3A_233 = tpu.scan <sum>, %mul3A_230 masked %reduce_sum3A_232 : vector<16xf32>, vector<16xi1> -> vector<16xf32>
          %reduce_sum3A_234 = vector.extract %reduce_sum3A_233[15] : f32 from vector<16xf32>
          %broadcast_in_dim3A_235 = vector.broadcast %reduce_sum3A_234 : f32 to vector<16xf32>
          %exp3A_236 = math.exp %broadcast_in_dim3A_235 : vector<16xf32>
          %get3A_237 = arith.index_cast %sub3A : i32 to index
          %get3A_238 = arith.constant 32 : index
          %get3A_239 = tpu.vector_load %arg19[%get3A_237, %get3A_238] {strides = array<i32>} : memref<160x128xf32, #tpu.memory_space<vmem>>, vector<16xf32>,
          %mul3A_240 = arith.mulf %get3A_213, %exp3A_236 : vector<16xf32>
          %add3A_241 = arith.addf %get3A_239, %mul3A_240 : vector<16xf32>
          %swap3A_242 = arith.index_cast %sub3A : i32 to index
          %swap3A_243 = arith.constant 32 : index
          %swap3A_244 = tpu.vector_load %arg19[%swap3A_242, %swap3A_243] {strides = array<i32>} : memref<160x128xf32, #tpu.memory_space<vmem>>, vector<16xf32>,
          tpu.vector_store %arg19[%swap3A_242, %swap3A_243], %add3A_241 {strides = array<i32>} : memref<160x128xf32, #tpu.memory_space<vmem>>, vector<16xf32>,
          %get3A_245 = arith.index_cast %sub3A : i32 to index
          %get3A_246 = arith.constant 32 : index
          %get3A_247 = tpu.vector_load %arg21[%get3A_245, %get3A_246] {strides = array<i32>} : memref<160x128xf32, #tpu.memory_space<vmem>>, vector<16xf32>,
          %add3A_248 = arith.addf %get3A_247, %get3A_216 : vector<16xf32>
          %swap3A_249 = arith.index_cast %sub3A : i32 to index
          %swap3A_250 = arith.constant 32 : index
          %swap3A_251 = tpu.vector_load %arg21[%swap3A_249, %swap3A_250] {strides = array<i32>} : memref<160x128xf32, #tpu.memory_space<vmem>>, vector<16xf32>,
          tpu.vector_store %arg21[%swap3A_249, %swap3A_250], %add3A_248 {strides = array<i32>} : memref<160x128xf32, #tpu.memory_space<vmem>>, vector<16xf32>,
          %eq3A_252 = arith.constant 2 : i32
          %eq3A_253 = vector.broadcast %eq3A_252 : i32 to vector<16xi32>
          %eq3A_254 = arith.cmpi eq, %iota3A, %eq3A_253 : vector<16xi32>
          %select_n3A_255 = arith.select %eq3A_254, %exp3A_236, %select_n3A_210 : vector<16xi1>, vector<16xf32>
          %get3A_256 = arith.index_cast %scan3A_120 : i32 to index
          %get3A_257 = arith.constant 48 : index
          %get3A_258 = tpu.vector_load %arg16[%get3A_256, %get3A_257] {strides = array<i32>} : memref<64x128xf32, #tpu.memory_space<vmem>>, vector<16xf32>,
          %get3A_259 = arith.index_cast %scan3A_120 : i32 to index
          %get3A_260 = arith.constant 48 : index
          %get3A_261 = tpu.vector_load %arg18[%get3A_259, %get3A_260] {strides = array<i32>} : memref<64x128xf32, #tpu.memory_space<vmem>>, vector<16xf32>,
          %get3A_262 = arith.index_cast %scan3A_120 : i32 to index
          %get3A_263 = arith.constant 48 : index
          %get3A_264 = tpu.vector_load %arg17[%get3A_262, %get3A_263] {strides = array<i32>} : memref<64x128xf32, #tpu.memory_space<vmem>>, vector<16xf32>,
          %add3A_265 = arith.addf %get3A_258, %get3A_264 : vector<16xf32>
          %add3A_266 = arith.addf %add3A_265, %get3A_261 : vector<16xf32>
          %mul3A_267 = arith.constant 2.000000e-01 : f32
          %mul3A_268 = vector.broadcast %mul3A_267 : f32 to vector<16xf32>
          %mul3A_269 = arith.mulf %mul3A_268, %add3A_266 : vector<16xf32>
          %max3A_270 = arith.maximumf %add3A_266, %mul3A_269 : vector<16xf32>
          %get3A_271 = arith.constant 3 : i32
          %get3A_272 = arith.index_cast %get3A_271 : i32 to index
          %get3A_273 = arith.constant 0 : index
          %get3A_274 = tpu.vector_load %arg22[%get3A_272, %get3A_273] {strides = array<i32>} : memref<8x16xf32, #tpu.memory_space<vmem>>, vector<16xf32>,
          %mul3A_275 = arith.mulf %max3A_270, %get3A_274 : vector<16xf32>
          %reduce_sum3A_276 = arith.constant true
          %reduce_sum3A_277 = vector.broadcast %reduce_sum3A_276 : i1 to vector<16xi1>
          %reduce_sum3A_278 = tpu.scan <sum>, %mul3A_275 masked %reduce_sum3A_277 : vector<16xf32>, vector<16xi1> -> vector<16xf32>
          %reduce_sum3A_279 = vector.extract %reduce_sum3A_278[15] : f32 from vector<16xf32>
          %broadcast_in_dim3A_280 = vector.broadcast %reduce_sum3A_279 : f32 to vector<16xf32>
          %exp3A_281 = math.exp %broadcast_in_dim3A_280 : vector<16xf32>
          %get3A_282 = arith.index_cast %sub3A : i32 to index
          %get3A_283 = arith.constant 48 : index
          %get3A_284 = tpu.vector_load %arg19[%get3A_282, %get3A_283] {strides = array<i32>} : memref<160x128xf32, #tpu.memory_space<vmem>>, vector<16xf32>,
          %mul3A_285 = arith.mulf %get3A_258, %exp3A_281 : vector<16xf32>
          %add3A_286 = arith.addf %get3A_284, %mul3A_285 : vector<16xf32>
          %swap3A_287 = arith.index_cast %sub3A : i32 to index
          %swap3A_288 = arith.constant 48 : index
          %swap3A_289 = tpu.vector_load %arg19[%swap3A_287, %swap3A_288] {strides = array<i32>} : memref<160x128xf32, #tpu.memory_space<vmem>>, vector<16xf32>,
          tpu.vector_store %arg19[%swap3A_287, %swap3A_288], %add3A_286 {strides = array<i32>} : memref<160x128xf32, #tpu.memory_space<vmem>>, vector<16xf32>,
          %get3A_290 = arith.index_cast %sub3A : i32 to index
          %get3A_291 = arith.constant 48 : index
          %get3A_292 = tpu.vector_load %arg21[%get3A_290, %get3A_291] {strides = array<i32>} : memref<160x128xf32, #tpu.memory_space<vmem>>, vector<16xf32>,
          %add3A_293 = arith.addf %get3A_292, %get3A_261 : vector<16xf32>
          %swap3A_294 = arith.index_cast %sub3A : i32 to index
          %swap3A_295 = arith.constant 48 : index
          %swap3A_296 = tpu.vector_load %arg21[%swap3A_294, %swap3A_295] {strides = array<i32>} : memref<160x128xf32, #tpu.memory_space<vmem>>, vector<16xf32>,
          tpu.vector_store %arg21[%swap3A_294, %swap3A_295], %add3A_293 {strides = array<i32>} : memref<160x128xf32, #tpu.memory_space<vmem>>, vector<16xf32>,
          %eq3A_297 = arith.constant 3 : i32
          %eq3A_298 = vector.broadcast %eq3A_297 : i32 to vector<16xi32>
          %eq3A_299 = arith.cmpi eq, %iota3A, %eq3A_298 : vector<16xi32>
          %select_n3A_300 = arith.select %eq3A_299, %exp3A_281, %select_n3A_255 : vector<16xi1>, vector<16xf32>
          %get3A_301 = arith.index_cast %scan3A_120 : i32 to index
          %get3A_302 = arith.constant 64 : index
          %get3A_303 = tpu.vector_load %arg16[%get3A_301, %get3A_302] {strides = array<i32>} : memref<64x128xf32, #tpu.memory_space<vmem>>, vector<16xf32>,
          %get3A_304 = arith.index_cast %scan3A_120 : i32 to index
          %get3A_305 = arith.constant 64 : index
          %get3A_306 = tpu.vector_load %arg18[%get3A_304, %get3A_305] {strides = array<i32>} : memref<64x128xf32, #tpu.memory_space<vmem>>, vector<16xf32>,
          %get3A_307 = arith.index_cast %scan3A_120 : i32 to index
          %get3A_308 = arith.constant 64 : index
          %get3A_309 = tpu.vector_load %arg17[%get3A_307, %get3A_308] {strides = array<i32>} : memref<64x128xf32, #tpu.memory_space<vmem>>, vector<16xf32>,
          %add3A_310 = arith.addf %get3A_303, %get3A_309 : vector<16xf32>
          %add3A_311 = arith.addf %add3A_310, %get3A_306 : vector<16xf32>
          %mul3A_312 = arith.constant 2.000000e-01 : f32
          %mul3A_313 = vector.broadcast %mul3A_312 : f32 to vector<16xf32>
          %mul3A_314 = arith.mulf %mul3A_313, %add3A_311 : vector<16xf32>
          %max3A_315 = arith.maximumf %add3A_311, %mul3A_314 : vector<16xf32>
          %get3A_316 = arith.constant 4 : i32
          %get3A_317 = arith.index_cast %get3A_316 : i32 to index
          %get3A_318 = arith.constant 0 : index
          %get3A_319 = tpu.vector_load %arg22[%get3A_317, %get3A_318] {strides = array<i32>} : memref<8x16xf32, #tpu.memory_space<vmem>>, vector<16xf32>,
          %mul3A_320 = arith.mulf %max3A_315, %get3A_319 : vector<16xf32>
          %reduce_sum3A_321 = arith.constant true
          %reduce_sum3A_322 = vector.broadcast %reduce_sum3A_321 : i1 to vector<16xi1>
          %reduce_sum3A_323 = tpu.scan <sum>, %mul3A_320 masked %reduce_sum3A_322 : vector<16xf32>, vector<16xi1> -> vector<16xf32>
          %reduce_sum3A_324 = vector.extract %reduce_sum3A_323[15] : f32 from vector<16xf32>
          %broadcast_in_dim3A_325 = vector.broadcast %reduce_sum3A_324 : f32 to vector<16xf32>
          %exp3A_326 = math.exp %broadcast_in_dim3A_325 : vector<16xf32>
          %get3A_327 = arith.index_cast %sub3A : i32 to index
          %get3A_328 = arith.constant 64 : index
          %get3A_329 = tpu.vector_load %arg19[%get3A_327, %get3A_328] {strides = array<i32>} : memref<160x128xf32, #tpu.memory_space<vmem>>, vector<16xf32>,
          %mul3A_330 = arith.mulf %get3A_303, %exp3A_326 : vector<16xf32>
          %add3A_331 = arith.addf %get3A_329, %mul3A_330 : vector<16xf32>
          %swap3A_332 = arith.index_cast %sub3A : i32 to index
          %swap3A_333 = arith.constant 64 : index
          %swap3A_334 = tpu.vector_load %arg19[%swap3A_332, %swap3A_333] {strides = array<i32>} : memref<160x128xf32, #tpu.memory_space<vmem>>, vector<16xf32>,
          tpu.vector_store %arg19[%swap3A_332, %swap3A_333], %add3A_331 {strides = array<i32>} : memref<160x128xf32, #tpu.memory_space<vmem>>, vector<16xf32>,
          %get3A_335 = arith.index_cast %sub3A : i32 to index
          %get3A_336 = arith.constant 64 : index
          %get3A_337 = tpu.vector_load %arg21[%get3A_335, %get3A_336] {strides = array<i32>} : memref<160x128xf32, #tpu.memory_space<vmem>>, vector<16xf32>,
          %add3A_338 = arith.addf %get3A_337, %get3A_306 : vector<16xf32>
          %swap3A_339 = arith.index_cast %sub3A : i32 to index
          %swap3A_340 = arith.constant 64 : index
          %swap3A_341 = tpu.vector_load %arg21[%swap3A_339, %swap3A_340] {strides = array<i32>} : memref<160x128xf32, #tpu.memory_space<vmem>>, vector<16xf32>,
          tpu.vector_store %arg21[%swap3A_339, %swap3A_340], %add3A_338 {strides = array<i32>} : memref<160x128xf32, #tpu.memory_space<vmem>>, vector<16xf32>,
          %eq3A_342 = arith.constant 4 : i32
          %eq3A_343 = vector.broadcast %eq3A_342 : i32 to vector<16xi32>
          %eq3A_344 = arith.cmpi eq, %iota3A, %eq3A_343 : vector<16xi32>
          %select_n3A_345 = arith.select %eq3A_344, %exp3A_326, %select_n3A_300 : vector<16xi1>, vector<16xf32>
          %get3A_346 = arith.index_cast %scan3A_120 : i32 to index
          %get3A_347 = arith.constant 80 : index
          %get3A_348 = tpu.vector_load %arg16[%get3A_346, %get3A_347] {strides = array<i32>} : memref<64x128xf32, #tpu.memory_space<vmem>>, vector<16xf32>,
          %get3A_349 = arith.index_cast %scan3A_120 : i32 to index
          %get3A_350 = arith.constant 80 : index
          %get3A_351 = tpu.vector_load %arg18[%get3A_349, %get3A_350] {strides = array<i32>} : memref<64x128xf32, #tpu.memory_space<vmem>>, vector<16xf32>,
          %get3A_352 = arith.index_cast %scan3A_120 : i32 to index
          %get3A_353 = arith.constant 80 : index
          %get3A_354 = tpu.vector_load %arg17[%get3A_352, %get3A_353] {strides = array<i32>} : memref<64x128xf32, #tpu.memory_space<vmem>>, vector<16xf32>,
          %add3A_355 = arith.addf %get3A_348, %get3A_354 : vector<16xf32>
          %add3A_356 = arith.addf %add3A_355, %get3A_351 : vector<16xf32>
          %mul3A_357 = arith.constant 2.000000e-01 : f32
          %mul3A_358 = vector.broadcast %mul3A_357 : f32 to vector<16xf32>
          %mul3A_359 = arith.mulf %mul3A_358, %add3A_356 : vector<16xf32>
          %max3A_360 = arith.maximumf %add3A_356, %mul3A_359 : vector<16xf32>
          %get3A_361 = arith.constant 5 : i32
          %get3A_362 = arith.index_cast %get3A_361 : i32 to index
          %get3A_363 = arith.constant 0 : index
          %get3A_364 = tpu.vector_load %arg22[%get3A_362, %get3A_363] {strides = array<i32>} : memref<8x16xf32, #tpu.memory_space<vmem>>, vector<16xf32>,
          %mul3A_365 = arith.mulf %max3A_360, %get3A_364 : vector<16xf32>
          %reduce_sum3A_366 = arith.constant true
          %reduce_sum3A_367 = vector.broadcast %reduce_sum3A_366 : i1 to vector<16xi1>
          %reduce_sum3A_368 = tpu.scan <sum>, %mul3A_365 masked %reduce_sum3A_367 : vector<16xf32>, vector<16xi1> -> vector<16xf32>
          %reduce_sum3A_369 = vector.extract %reduce_sum3A_368[15] : f32 from vector<16xf32>
          %broadcast_in_dim3A_370 = vector.broadcast %reduce_sum3A_369 : f32 to vector<16xf32>
          %exp3A_371 = math.exp %broadcast_in_dim3A_370 : vector<16xf32>
          %get3A_372 = arith.index_cast %sub3A : i32 to index
          %get3A_373 = arith.constant 80 : index
          %get3A_374 = tpu.vector_load %arg19[%get3A_372, %get3A_373] {strides = array<i32>} : memref<160x128xf32, #tpu.memory_space<vmem>>, vector<16xf32>,
          %mul3A_375 = arith.mulf %get3A_348, %exp3A_371 : vector<16xf32>
          %add3A_376 = arith.addf %get3A_374, %mul3A_375 : vector<16xf32>
          %swap3A_377 = arith.index_cast %sub3A : i32 to index
          %swap3A_378 = arith.constant 80 : index
          %swap3A_379 = tpu.vector_load %arg19[%swap3A_377, %swap3A_378] {strides = array<i32>} : memref<160x128xf32, #tpu.memory_space<vmem>>, vector<16xf32>,
          tpu.vector_store %arg19[%swap3A_377, %swap3A_378], %add3A_376 {strides = array<i32>} : memref<160x128xf32, #tpu.memory_space<vmem>>, vector<16xf32>,
          %get3A_380 = arith.index_cast %sub3A : i32 to index
          %get3A_381 = arith.constant 80 : index
          %get3A_382 = tpu.vector_load %arg21[%get3A_380, %get3A_381] {strides = array<i32>} : memref<160x128xf32, #tpu.memory_space<vmem>>, vector<16xf32>,
          %add3A_383 = arith.addf %get3A_382, %get3A_351 : vector<16xf32>
          %swap3A_384 = arith.index_cast %sub3A : i32 to index
          %swap3A_385 = arith.constant 80 : index
          %swap3A_386 = tpu.vector_load %arg21[%swap3A_384, %swap3A_385] {strides = array<i32>} : memref<160x128xf32, #tpu.memory_space<vmem>>, vector<16xf32>,
          tpu.vector_store %arg21[%swap3A_384, %swap3A_385], %add3A_383 {strides = array<i32>} : memref<160x128xf32, #tpu.memory_space<vmem>>, vector<16xf32>,
          %eq3A_387 = arith.constant 5 : i32
          %eq3A_388 = vector.broadcast %eq3A_387 : i32 to vector<16xi32>
          %eq3A_389 = arith.cmpi eq, %iota3A, %eq3A_388 : vector<16xi32>
          %select_n3A_390 = arith.select %eq3A_389, %exp3A_371, %select_n3A_345 : vector<16xi1>, vector<16xf32>
          %get3A_391 = arith.index_cast %scan3A_120 : i32 to index
          %get3A_392 = arith.constant 96 : index
          %get3A_393 = tpu.vector_load %arg16[%get3A_391, %get3A_392] {strides = array<i32>} : memref<64x128xf32, #tpu.memory_space<vmem>>, vector<16xf32>,
          %get3A_394 = arith.index_cast %scan3A_120 : i32 to index
          %get3A_395 = arith.constant 96 : index
          %get3A_396 = tpu.vector_load %arg18[%get3A_394, %get3A_395] {strides = array<i32>} : memref<64x128xf32, #tpu.memory_space<vmem>>, vector<16xf32>,
          %get3A_397 = arith.index_cast %scan3A_120 : i32 to index
          %get3A_398 = arith.constant 96 : index
          %get3A_399 = tpu.vector_load %arg17[%get3A_397, %get3A_398] {strides = array<i32>} : memref<64x128xf32, #tpu.memory_space<vmem>>, vector<16xf32>,
          %add3A_400 = arith.addf %get3A_393, %get3A_399 : vector<16xf32>
          %add3A_401 = arith.addf %add3A_400, %get3A_396 : vector<16xf32>
          %mul3A_402 = arith.constant 2.000000e-01 : f32
          %mul3A_403 = vector.broadcast %mul3A_402 : f32 to vector<16xf32>
          %mul3A_404 = arith.mulf %mul3A_403, %add3A_401 : vector<16xf32>
          %max3A_405 = arith.maximumf %add3A_401, %mul3A_404 : vector<16xf32>
          %get3A_406 = arith.constant 6 : i32
          %get3A_407 = arith.index_cast %get3A_406 : i32 to index
          %get3A_408 = arith.constant 0 : index
          %get3A_409 = tpu.vector_load %arg22[%get3A_407, %get3A_408] {strides = array<i32>} : memref<8x16xf32, #tpu.memory_space<vmem>>, vector<16xf32>,
          %mul3A_410 = arith.mulf %max3A_405, %get3A_409 : vector<16xf32>
          %reduce_sum3A_411 = arith.constant true
          %reduce_sum3A_412 = vector.broadcast %reduce_sum3A_411 : i1 to vector<16xi1>
          %reduce_sum3A_413 = tpu.scan <sum>, %mul3A_410 masked %reduce_sum3A_412 : vector<16xf32>, vector<16xi1> -> vector<16xf32>
          %reduce_sum3A_414 = vector.extract %reduce_sum3A_413[15] : f32 from vector<16xf32>
          %broadcast_in_dim3A_415 = vector.broadcast %reduce_sum3A_414 : f32 to vector<16xf32>
          %exp3A_416 = math.exp %broadcast_in_dim3A_415 : vector<16xf32>
          %get3A_417 = arith.index_cast %sub3A : i32 to index
          %get3A_418 = arith.constant 96 : index
          %get3A_419 = tpu.vector_load %arg19[%get3A_417, %get3A_418] {strides = array<i32>} : memref<160x128xf32, #tpu.memory_space<vmem>>, vector<16xf32>,
          %mul3A_420 = arith.mulf %get3A_393, %exp3A_416 : vector<16xf32>
          %add3A_421 = arith.addf %get3A_419, %mul3A_420 : vector<16xf32>
          %swap3A_422 = arith.index_cast %sub3A : i32 to index
          %swap3A_423 = arith.constant 96 : index
          %swap3A_424 = tpu.vector_load %arg19[%swap3A_422, %swap3A_423] {strides = array<i32>} : memref<160x128xf32, #tpu.memory_space<vmem>>, vector<16xf32>,
          tpu.vector_store %arg19[%swap3A_422, %swap3A_423], %add3A_421 {strides = array<i32>} : memref<160x128xf32, #tpu.memory_space<vmem>>, vector<16xf32>,
          %get3A_425 = arith.index_cast %sub3A : i32 to index
          %get3A_426 = arith.constant 96 : index
          %get3A_427 = tpu.vector_load %arg21[%get3A_425, %get3A_426] {strides = array<i32>} : memref<160x128xf32, #tpu.memory_space<vmem>>, vector<16xf32>,
          %add3A_428 = arith.addf %get3A_427, %get3A_396 : vector<16xf32>
          %swap3A_429 = arith.index_cast %sub3A : i32 to index
          %swap3A_430 = arith.constant 96 : index
          %swap3A_431 = tpu.vector_load %arg21[%swap3A_429, %swap3A_430] {strides = array<i32>} : memref<160x128xf32, #tpu.memory_space<vmem>>, vector<16xf32>,
          tpu.vector_store %arg21[%swap3A_429, %swap3A_430], %add3A_428 {strides = array<i32>} : memref<160x128xf32, #tpu.memory_space<vmem>>, vector<16xf32>,
          %eq3A_432 = arith.constant 6 : i32
          %eq3A_433 = vector.broadcast %eq3A_432 : i32 to vector<16xi32>
          %eq3A_434 = arith.cmpi eq, %iota3A, %eq3A_433 : vector<16xi32>
          %select_n3A_435 = arith.select %eq3A_434, %exp3A_416, %select_n3A_390 : vector<16xi1>, vector<16xf32>
          %get3A_436 = arith.index_cast %scan3A_120 : i32 to index
          %get3A_437 = arith.constant 112 : index
          %get3A_438 = tpu.vector_load %arg16[%get3A_436, %get3A_437] {strides = array<i32>} : memref<64x128xf32, #tpu.memory_space<vmem>>, vector<16xf32>,
          %get3A_439 = arith.index_cast %scan3A_120 : i32 to index
          %get3A_440 = arith.constant 112 : index
          %get3A_441 = tpu.vector_load %arg18[%get3A_439, %get3A_440] {strides = array<i32>} : memref<64x128xf32, #tpu.memory_space<vmem>>, vector<16xf32>,
          %get3A_442 = arith.index_cast %scan3A_120 : i32 to index
          %get3A_443 = arith.constant 112 : index
          %get3A_444 = tpu.vector_load %arg17[%get3A_442, %get3A_443] {strides = array<i32>} : memref<64x128xf32, #tpu.memory_space<vmem>>, vector<16xf32>,
          %add3A_445 = arith.addf %get3A_438, %get3A_444 : vector<16xf32>
          %add3A_446 = arith.addf %add3A_445, %get3A_441 : vector<16xf32>
          %mul3A_447 = arith.constant 2.000000e-01 : f32
          %mul3A_448 = vector.broadcast %mul3A_447 : f32 to vector<16xf32>
          %mul3A_449 = arith.mulf %mul3A_448, %add3A_446 : vector<16xf32>
          %max3A_450 = arith.maximumf %add3A_446, %mul3A_449 : vector<16xf32>
          %get3A_451 = arith.constant 7 : i32
          %get3A_452 = arith.index_cast %get3A_451 : i32 to index
          %get3A_453 = arith.constant 0 : index
          %get3A_454 = tpu.vector_load %arg22[%get3A_452, %get3A_453] {strides = array<i32>} : memref<8x16xf32, #tpu.memory_space<vmem>>, vector<16xf32>,
          %mul3A_455 = arith.mulf %max3A_450, %get3A_454 : vector<16xf32>
          %reduce_sum3A_456 = arith.constant true
          %reduce_sum3A_457 = vector.broadcast %reduce_sum3A_456 : i1 to vector<16xi1>
          %reduce_sum3A_458 = tpu.scan <sum>, %mul3A_455 masked %reduce_sum3A_457 : vector<16xf32>, vector<16xi1> -> vector<16xf32>
          %reduce_sum3A_459 = vector.extract %reduce_sum3A_458[15] : f32 from vector<16xf32>
          %broadcast_in_dim3A_460 = vector.broadcast %reduce_sum3A_459 : f32 to vector<16xf32>
          %exp3A_461 = math.exp %broadcast_in_dim3A_460 : vector<16xf32>
          %get3A_462 = arith.index_cast %sub3A : i32 to index
          %get3A_463 = arith.constant 112 : index
          %get3A_464 = tpu.vector_load %arg19[%get3A_462, %get3A_463] {strides = array<i32>} : memref<160x128xf32, #tpu.memory_space<vmem>>, vector<16xf32>,
          %mul3A_465 = arith.mulf %get3A_438, %exp3A_461 : vector<16xf32>
          %add3A_466 = arith.addf %get3A_464, %mul3A_465 : vector<16xf32>
          %swap3A_467 = arith.index_cast %sub3A : i32 to index
          %swap3A_468 = arith.constant 112 : index
          %swap3A_469 = tpu.vector_load %arg19[%swap3A_467, %swap3A_468] {strides = array<i32>} : memref<160x128xf32, #tpu.memory_space<vmem>>, vector<16xf32>,
          tpu.vector_store %arg19[%swap3A_467, %swap3A_468], %add3A_466 {strides = array<i32>} : memref<160x128xf32, #tpu.memory_space<vmem>>, vector<16xf32>,
          %get3A_470 = arith.index_cast %sub3A : i32 to index
          %get3A_471 = arith.constant 112 : index
          %get3A_472 = tpu.vector_load %arg21[%get3A_470, %get3A_471] {strides = array<i32>} : memref<160x128xf32, #tpu.memory_space<vmem>>, vector<16xf32>,
          %add3A_473 = arith.addf %get3A_472, %get3A_441 : vector<16xf32>
          %swap3A_474 = arith.index_cast %sub3A : i32 to index
          %swap3A_475 = arith.constant 112 : index
          %swap3A_476 = tpu.vector_load %arg21[%swap3A_474, %swap3A_475] {strides = array<i32>} : memref<160x128xf32, #tpu.memory_space<vmem>>, vector<16xf32>,
          tpu.vector_store %arg21[%swap3A_474, %swap3A_475], %add3A_473 {strides = array<i32>} : memref<160x128xf32, #tpu.memory_space<vmem>>, vector<16xf32>,
          %eq3A_477 = arith.constant 7 : i32
          %eq3A_478 = vector.broadcast %eq3A_477 : i32 to vector<16xi32>
          %eq3A_479 = arith.cmpi eq, %iota3A, %eq3A_478 : vector<16xi32>
          %select_n3A_480 = arith.select %eq3A_479, %exp3A_461, %select_n3A_435 : vector<16xi1>, vector<16xf32>
          %get3A_481 = arith.index_cast %sub3A : i32 to index
          %get3A_482 = arith.constant 0 : index
          %get3A_483 = tpu.vector_load %arg20[%get3A_481, %get3A_482] {strides = array<i32>} : memref<160x16xf32, #tpu.memory_space<vmem>>, vector<16xf32>,
          %add3A_484 = arith.addf %get3A_483, %select_n3A_480 : vector<16xf32>
          %swap3A_485 = arith.index_cast %sub3A : i32 to index
          %swap3A_486 = arith.constant 0 : index
          %swap3A_487 = tpu.vector_load %arg20[%swap3A_485, %swap3A_486] {strides = array<i32>} : memref<160x16xf32, #tpu.memory_space<vmem>>, vector<16xf32>,
          tpu.vector_store %arg20[%swap3A_485, %swap3A_486], %add3A_484 {strides = array<i32>} : memref<160x16xf32, #tpu.memory_space<vmem>>, vector<16xf32>,
        } else {
        }
      }
      %scan3A_119 = arith.constant 64 : i32
    } else {
    }
    "tpu.region"() ({
      %run_scoped3A = tpu.sem_alloc : memref<!tpu.dma_semaphore, #tpu.memory_space<semaphore_mem>>
      %dma_start3A = arith.constant 0 : i32
      %dma_start3A_86 = tpu.memref_slice %arg8[%add3A_49, %dma_start3A] : memref<10240x128xf32, #tpu.memory_space<hbm>> -> memref<160x128xf32, #tpu.memory_space<hbm>>
      %dma_start3A_87 = arith.constant 0 : i32
      %dma_start3A_88 = tpu.memref_slice %arg8[%add3A_49, %dma_start3A_87] : memref<10240x128xf32, #tpu.memory_space<hbm>> -> memref<160x128xf32, #tpu.memory_space<hbm>>
      tpu.enqueue_dma source(%arg19 : memref<160x128xf32, #tpu.memory_space<vmem>>) target(%dma_start3A_88 : memref<160x128xf32, #tpu.memory_space<hbm>>) target_semaphore(%run_scoped3A : memref<!tpu.dma_semaphore, #tpu.memory_space<semaphore_mem>>)
      %dma_wait3A = arith.constant 0 : i32
      %dma_wait3A_89 = tpu.memref_slice %arg8[%add3A_49, %dma_wait3A] : memref<10240x128xf32, #tpu.memory_space<hbm>> -> memref<160x128xf32, #tpu.memory_space<hbm>>
      %dma_wait3A_90 = arith.constant 0 : i32
      %dma_wait3A_91 = tpu.memref_slice %arg8[%add3A_49, %dma_wait3A_90] : memref<10240x128xf32, #tpu.memory_space<hbm>> -> memref<160x128xf32, #tpu.memory_space<hbm>>
      tpu.wait_dma2 semaphore(%run_scoped3A : memref<!tpu.dma_semaphore, #tpu.memory_space<semaphore_mem>>) src(%arg19 : memref<160x128xf32, #tpu.memory_space<vmem>>) dst(%dma_wait3A_91 : memref<160x128xf32, #tpu.memory_space<hbm>>)
      tpu.yield
    }) : () -> ()
    "tpu.region"() ({
      %run_scoped3A = tpu.sem_alloc : memref<!tpu.dma_semaphore, #tpu.memory_space<semaphore_mem>>
      %dma_start3A = arith.constant 0 : i32
      %dma_start3A_86 = tpu.memref_slice %arg9[%add3A_49, %dma_start3A] : memref<10240x16xf32, #tpu.memory_space<hbm>> -> memref<160x16xf32, #tpu.memory_space<hbm>>
      %dma_start3A_87 = arith.constant 0 : i32
      %dma_start3A_88 = tpu.memref_slice %arg9[%add3A_49, %dma_start3A_87] : memref<10240x16xf32, #tpu.memory_space<hbm>> -> memref<160x16xf32, #tpu.memory_space<hbm>>
      tpu.enqueue_dma source(%arg20 : memref<160x16xf32, #tpu.memory_space<vmem>>) target(%dma_start3A_88 : memref<160x16xf32, #tpu.memory_space<hbm>>) target_semaphore(%run_scoped3A : memref<!tpu.dma_semaphore, #tpu.memory_space<semaphore_mem>>)
      %dma_wait3A = arith.constant 0 : i32
      %dma_wait3A_89 = tpu.memref_slice %arg9[%add3A_49, %dma_wait3A] : memref<10240x16xf32, #tpu.memory_space<hbm>> -> memref<160x16xf32, #tpu.memory_space<hbm>>
      %dma_wait3A_90 = arith.constant 0 : i32
      %dma_wait3A_91 = tpu.memref_slice %arg9[%add3A_49, %dma_wait3A_90] : memref<10240x16xf32, #tpu.memory_space<hbm>> -> memref<160x16xf32, #tpu.memory_space<hbm>>
      tpu.wait_dma2 semaphore(%run_scoped3A : memref<!tpu.dma_semaphore, #tpu.memory_space<semaphore_mem>>) src(%arg20 : memref<160x16xf32, #tpu.memory_space<vmem>>) dst(%dma_wait3A_91 : memref<160x16xf32, #tpu.memory_space<hbm>>)
      tpu.yield
    }) : () -> ()
    "tpu.region"() ({
      %run_scoped3A = tpu.sem_alloc : memref<!tpu.dma_semaphore, #tpu.memory_space<semaphore_mem>>
      %dma_start3A = arith.constant 0 : i32
      %dma_start3A_86 = tpu.memref_slice %arg10[%add3A_49, %dma_start3A] : memref<10240x128xf32, #tpu.memory_space<hbm>> -> memref<160x128xf32, #tpu.memory_space<hbm>>
      %dma_start3A_87 = arith.constant 0 : i32
      %dma_start3A_88 = tpu.memref_slice %arg10[%add3A_49, %dma_start3A_87] : memref<10240x128xf32, #tpu.memory_space<hbm>> -> memref<160x128xf32, #tpu.memory_space<hbm>>
      tpu.enqueue_dma source(%arg21 : memref<160x128xf32, #tpu.memory_space<vmem>>) target(%dma_start3A_88 : memref<160x128xf32, #tpu.memory_space<hbm>>) target_semaphore(%run_scoped3A : memref<!tpu.dma_semaphore, #tpu.memory_space<semaphore_mem>>)
      %dma_wait3A = arith.constant 0 : i32
      %dma_wait3A_89 = tpu.memref_slice %arg10[%add3A_49, %dma_wait3A] : memref<10240x128xf32, #tpu.memory_space<hbm>> -> memref<160x128xf32, #tpu.memory_space<hbm>>
      %dma_wait3A_90 = arith.constant 0 : i32
      %dma_wait3A_91 = tpu.memref_slice %arg10[%add3A_49, %dma_wait3A_90] : memref<10240x128xf32, #tpu.memory_space<hbm>> -> memref<160x128xf32, #tpu.memory_space<hbm>>
      tpu.wait_dma2 semaphore(%run_scoped3A : memref<!tpu.dma_semaphore, #tpu.memory_space<semaphore_mem>>) src(%arg21 : memref<160x128xf32, #tpu.memory_space<vmem>>) dst(%dma_wait3A_91 : memref<160x128xf32, #tpu.memory_space<hbm>>)
      tpu.yield
    }) : () -> ()
    %mul3A_64 = arith.constant 320 : i32
    %mul3A_65 = arith.muli %add3A, %mul3A_64 : i32
    %add3A_66 = arith.constant 160 : i32
    %add3A_67 = arith.addi %mul3A_65, %add3A_66 : i32
    %scan3A_68 = arith.constant 0 : i32
    %scan3A_69 = arith.constant 0 : i32
    %scan3A_70 = arith.constant 160 : i32
    %scan3A_71 = arith.addi %scan3A_69, %scan3A_70 : i32
    %scan3A_72 = arith.constant 1 : i32
    scf.for %scan3A_86 = %scan3A_69 to %scan3A_71 step %scan3A_72  : i32 {
      %swap3A_87 = arith.index_cast %scan3A_86 : i32 to index
      %swap3A_88 = arith.constant 0 : index
      %swap3A_89 = tpu.vector_load %arg19[%swap3A_87, %swap3A_88] {strides = array<i32>} : memref<160x128xf32, #tpu.memory_space<vmem>>, vector<16xf32>,
      tpu.vector_store %arg19[%swap3A_87, %swap3A_88], %broadcast_in_dim3A_3 {strides = array<i32>} : memref<160x128xf32, #tpu.memory_space<vmem>>, vector<16xf32>,
      %swap3A_90 = arith.index_cast %scan3A_86 : i32 to index
      %swap3A_91 = arith.constant 0 : index
      %swap3A_92 = tpu.vector_load %arg21[%swap3A_90, %swap3A_91] {strides = array<i32>} : memref<160x128xf32, #tpu.memory_space<vmem>>, vector<16xf32>,
      tpu.vector_store %arg21[%swap3A_90, %swap3A_91], %broadcast_in_dim3A_3 {strides = array<i32>} : memref<160x128xf32, #tpu.memory_space<vmem>>, vector<16xf32>,
      %swap3A_93 = arith.index_cast %scan3A_86 : i32 to index
      %swap3A_94 = arith.constant 16 : index
      %swap3A_95 = tpu.vector_load %arg19[%swap3A_93, %swap3A_94] {strides = array<i32>} : memref<160x128xf32, #tpu.memory_space<vmem>>, vector<16xf32>,
      tpu.vector_store %arg19[%swap3A_93, %swap3A_94], %broadcast_in_dim3A_3 {strides = array<i32>} : memref<160x128xf32, #tpu.memory_space<vmem>>, vector<16xf32>,
      %swap3A_96 = arith.index_cast %scan3A_86 : i32 to index
      %swap3A_97 = arith.constant 16 : index
      %swap3A_98 = tpu.vector_load %arg21[%swap3A_96, %swap3A_97] {strides = array<i32>} : memref<160x128xf32, #tpu.memory_space<vmem>>, vector<16xf32>,
      tpu.vector_store %arg21[%swap3A_96, %swap3A_97], %broadcast_in_dim3A_3 {strides = array<i32>} : memref<160x128xf32, #tpu.memory_space<vmem>>, vector<16xf32>,
      %swap3A_99 = arith.index_cast %scan3A_86 : i32 to index
      %swap3A_100 = arith.constant 32 : index
      %swap3A_101 = tpu.vector_load %arg19[%swap3A_99, %swap3A_100] {strides = array<i32>} : memref<160x128xf32, #tpu.memory_space<vmem>>, vector<16xf32>,
      tpu.vector_store %arg19[%swap3A_99, %swap3A_100], %broadcast_in_dim3A_3 {strides = array<i32>} : memref<160x128xf32, #tpu.memory_space<vmem>>, vector<16xf32>,
      %swap3A_102 = arith.index_cast %scan3A_86 : i32 to index
      %swap3A_103 = arith.constant 32 : index
      %swap3A_104 = tpu.vector_load %arg21[%swap3A_102, %swap3A_103] {strides = array<i32>} : memref<160x128xf32, #tpu.memory_space<vmem>>, vector<16xf32>,
      tpu.vector_store %arg21[%swap3A_102, %swap3A_103], %broadcast_in_dim3A_3 {strides = array<i32>} : memref<160x128xf32, #tpu.memory_space<vmem>>, vector<16xf32>,
      %swap3A_105 = arith.index_cast %scan3A_86 : i32 to index
      %swap3A_106 = arith.constant 48 : index
      %swap3A_107 = tpu.vector_load %arg19[%swap3A_105, %swap3A_106] {strides = array<i32>} : memref<160x128xf32, #tpu.memory_space<vmem>>, vector<16xf32>,
      tpu.vector_store %arg19[%swap3A_105, %swap3A_106], %broadcast_in_dim3A_3 {strides = array<i32>} : memref<160x128xf32, #tpu.memory_space<vmem>>, vector<16xf32>,
      %swap3A_108 = arith.index_cast %scan3A_86 : i32 to index
      %swap3A_109 = arith.constant 48 : index
      %swap3A_110 = tpu.vector_load %arg21[%swap3A_108, %swap3A_109] {strides = array<i32>} : memref<160x128xf32, #tpu.memory_space<vmem>>, vector<16xf32>,
      tpu.vector_store %arg21[%swap3A_108, %swap3A_109], %broadcast_in_dim3A_3 {strides = array<i32>} : memref<160x128xf32, #tpu.memory_space<vmem>>, vector<16xf32>,
      %swap3A_111 = arith.index_cast %scan3A_86 : i32 to index
      %swap3A_112 = arith.constant 64 : index
      %swap3A_113 = tpu.vector_load %arg19[%swap3A_111, %swap3A_112] {strides = array<i32>} : memref<160x128xf32, #tpu.memory_space<vmem>>, vector<16xf32>,
      tpu.vector_store %arg19[%swap3A_111, %swap3A_112], %broadcast_in_dim3A_3 {strides = array<i32>} : memref<160x128xf32, #tpu.memory_space<vmem>>, vector<16xf32>,
      %swap3A_114 = arith.index_cast %scan3A_86 : i32 to index
      %swap3A_115 = arith.constant 64 : index
      %swap3A_116 = tpu.vector_load %arg21[%swap3A_114, %swap3A_115] {strides = array<i32>} : memref<160x128xf32, #tpu.memory_space<vmem>>, vector<16xf32>,
      tpu.vector_store %arg21[%swap3A_114, %swap3A_115], %broadcast_in_dim3A_3 {strides = array<i32>} : memref<160x128xf32, #tpu.memory_space<vmem>>, vector<16xf32>,
      %swap3A_117 = arith.index_cast %scan3A_86 : i32 to index
      %swap3A_118 = arith.constant 80 : index
      %swap3A_119 = tpu.vector_load %arg19[%swap3A_117, %swap3A_118] {strides = array<i32>} : memref<160x128xf32, #tpu.memory_space<vmem>>, vector<16xf32>,
      tpu.vector_store %arg19[%swap3A_117, %swap3A_118], %broadcast_in_dim3A_3 {strides = array<i32>} : memref<160x128xf32, #tpu.memory_space<vmem>>, vector<16xf32>,
      %swap3A_120 = arith.index_cast %scan3A_86 : i32 to index
      %swap3A_121 = arith.constant 80 : index
      %swap3A_122 = tpu.vector_load %arg21[%swap3A_120, %swap3A_121] {strides = array<i32>} : memref<160x128xf32, #tpu.memory_space<vmem>>, vector<16xf32>,
      tpu.vector_store %arg21[%swap3A_120, %swap3A_121], %broadcast_in_dim3A_3 {strides = array<i32>} : memref<160x128xf32, #tpu.memory_space<vmem>>, vector<16xf32>,
      %swap3A_123 = arith.index_cast %scan3A_86 : i32 to index
      %swap3A_124 = arith.constant 96 : index
      %swap3A_125 = tpu.vector_load %arg19[%swap3A_123, %swap3A_124] {strides = array<i32>} : memref<160x128xf32, #tpu.memory_space<vmem>>, vector<16xf32>,
      tpu.vector_store %arg19[%swap3A_123, %swap3A_124], %broadcast_in_dim3A_3 {strides = array<i32>} : memref<160x128xf32, #tpu.memory_space<vmem>>, vector<16xf32>,
      %swap3A_126 = arith.index_cast %scan3A_86 : i32 to index
      %swap3A_127 = arith.constant 96 : index
      %swap3A_128 = tpu.vector_load %arg21[%swap3A_126, %swap3A_127] {strides = array<i32>} : memref<160x128xf32, #tpu.memory_space<vmem>>, vector<16xf32>,
      tpu.vector_store %arg21[%swap3A_126, %swap3A_127], %broadcast_in_dim3A_3 {strides = array<i32>} : memref<160x128xf32, #tpu.memory_space<vmem>>, vector<16xf32>,
      %swap3A_129 = arith.index_cast %scan3A_86 : i32 to index
      %swap3A_130 = arith.constant 112 : index
      %swap3A_131 = tpu.vector_load %arg19[%swap3A_129, %swap3A_130] {strides = array<i32>} : memref<160x128xf32, #tpu.memory_space<vmem>>, vector<16xf32>,
      tpu.vector_store %arg19[%swap3A_129, %swap3A_130], %broadcast_in_dim3A_3 {strides = array<i32>} : memref<160x128xf32, #tpu.memory_space<vmem>>, vector<16xf32>,
      %swap3A_132 = arith.index_cast %scan3A_86 : i32 to index
      %swap3A_133 = arith.constant 112 : index
      %swap3A_134 = tpu.vector_load %arg21[%swap3A_132, %swap3A_133] {strides = array<i32>} : memref<160x128xf32, #tpu.memory_space<vmem>>, vector<16xf32>,
      tpu.vector_store %arg21[%swap3A_132, %swap3A_133], %broadcast_in_dim3A_3 {strides = array<i32>} : memref<160x128xf32, #tpu.memory_space<vmem>>, vector<16xf32>,
      %swap3A_135 = arith.index_cast %scan3A_86 : i32 to index
      %swap3A_136 = arith.constant 0 : index
      %swap3A_137 = tpu.vector_load %arg20[%swap3A_135, %swap3A_136] {strides = array<i32>} : memref<160x16xf32, #tpu.memory_space<vmem>>, vector<16xf32>,
      tpu.vector_store %arg20[%swap3A_135, %swap3A_136], %broadcast_in_dim3A_3 {strides = array<i32>} : memref<160x16xf32, #tpu.memory_space<vmem>>, vector<16xf32>,
    }
    %scan3A_73 = arith.constant 160 : i32
    %scan3A_74 = arith.constant 0 : i32
    %scan3A_75 = arith.constant 0 : i32
    %scan3A_76 = arith.constant 50 : i32
    %scan3A_77 = arith.addi %scan3A_75, %scan3A_76 : i32
    %scan3A_78 = arith.constant 1 : i32
    %scan3A_79 = scf.for %scan3A_86 = %scan3A_75 to %scan3A_77 step %scan3A_78 iter_args(%scan3A_87 = %scan3A_74) -> (i32)  : i32 {
      %mul3A_88 = arith.constant 6400 : i32
      %mul3A_89 = arith.muli %scan3A_86, %mul3A_88 : i32
      "tpu.region"() ({
        %run_scoped3A = tpu.sem_alloc : memref<!tpu.dma_semaphore, #tpu.memory_space<semaphore_mem>>
        %dma_start3A = tpu.memref_slice %arg3[%mul3A_89] : memref<320000xi32, #tpu.memory_space<hbm>> -> memref<6400xi32, #tpu.memory_space<hbm>>
        %dma_start3A_96 = tpu.memref_slice %arg3[%mul3A_89] : memref<320000xi32, #tpu.memory_space<hbm>> -> memref<6400xi32, #tpu.memory_space<hbm>>
        tpu.enqueue_dma source(%dma_start3A_96 : memref<6400xi32, #tpu.memory_space<hbm>>) target(%arg11 : memref<6400xi32, #tpu.memory_space<vmem>>) target_semaphore(%run_scoped3A : memref<!tpu.dma_semaphore, #tpu.memory_space<semaphore_mem>>)
        %dma_wait3A = tpu.memref_slice %arg3[%mul3A_89] : memref<320000xi32, #tpu.memory_space<hbm>> -> memref<6400xi32, #tpu.memory_space<hbm>>
        %dma_wait3A_97 = tpu.memref_slice %arg3[%mul3A_89] : memref<320000xi32, #tpu.memory_space<hbm>> -> memref<6400xi32, #tpu.memory_space<hbm>>
        tpu.wait_dma2 semaphore(%run_scoped3A : memref<!tpu.dma_semaphore, #tpu.memory_space<semaphore_mem>>) src(%dma_wait3A_97 : memref<6400xi32, #tpu.memory_space<hbm>>) dst(%arg11 : memref<6400xi32, #tpu.memory_space<vmem>>)
        tpu.yield
      }) : () -> ()
      "tpu.region"() ({
        %run_scoped3A = tpu.sem_alloc : memref<!tpu.dma_semaphore, #tpu.memory_space<semaphore_mem>>
        %dma_start3A = tpu.memref_slice %arg2[%mul3A_89] : memref<320000xi32, #tpu.memory_space<hbm>> -> memref<6400xi32, #tpu.memory_space<hbm>>
        %dma_start3A_96 = tpu.memref_slice %arg2[%mul3A_89] : memref<320000xi32, #tpu.memory_space<hbm>> -> memref<6400xi32, #tpu.memory_space<hbm>>
        tpu.enqueue_dma source(%dma_start3A_96 : memref<6400xi32, #tpu.memory_space<hbm>>) target(%arg12 : memref<6400xi32, #tpu.memory_space<vmem>>) target_semaphore(%run_scoped3A : memref<!tpu.dma_semaphore, #tpu.memory_space<semaphore_mem>>)
        %dma_wait3A = tpu.memref_slice %arg2[%mul3A_89] : memref<320000xi32, #tpu.memory_space<hbm>> -> memref<6400xi32, #tpu.memory_space<hbm>>
        %dma_wait3A_97 = tpu.memref_slice %arg2[%mul3A_89] : memref<320000xi32, #tpu.memory_space<hbm>> -> memref<6400xi32, #tpu.memory_space<hbm>>
        tpu.wait_dma2 semaphore(%run_scoped3A : memref<!tpu.dma_semaphore, #tpu.memory_space<semaphore_mem>>) src(%dma_wait3A_97 : memref<6400xi32, #tpu.memory_space<hbm>>) dst(%arg12 : memref<6400xi32, #tpu.memory_space<vmem>>)
        tpu.yield
      }) : () -> ()
      %scan3A_90 = arith.constant 0 : i32
      %scan3A_91 = arith.constant 400 : i32
      %scan3A_92 = arith.addi %scan3A_90, %scan3A_91 : i32
      %scan3A_93 = arith.constant 1 : i32
      %scan3A_94 = scf.for %scan3A_96 = %scan3A_90 to %scan3A_92 step %scan3A_93 iter_args(%scan3A_97 = %scan3A_87) -> (i32)  : i32 {
        %mul3A_98 = arith.constant 16 : i32
        %mul3A_99 = arith.muli %scan3A_96, %mul3A_98 : i32
        %get3A = arith.index_cast %mul3A_99 : i32 to index
        %get3A_100 = tpu.vector_load %arg11[%get3A] {strides = array<i32>} : memref<6400xi32, #tpu.memory_space<vmem>>, vector<16xi32>,
        %ge3A_101 = vector.broadcast %add3A_67 : i32 to vector<16xi32>
        %ge3A_102 = arith.cmpi sge, %get3A_100, %ge3A_101 : vector<16xi32>
        %add3A_103 = arith.constant 160 : i32
        %add3A_104 = arith.addi %add3A_67, %add3A_103 : i32
        %lt3A = vector.broadcast %add3A_104 : i32 to vector<16xi32>
        %lt3A_105 = arith.cmpi slt, %get3A_100, %lt3A : vector<16xi32>
        %and3A = arith.andi %ge3A_102, %lt3A_105 : vector<16xi1>
        %all_reduce_population_count3A = tpu.all_reduce %and3A {dim = 0 : i64, kind = #tpu.reduction_kind<sum>} : vector<16xi1> -> vector<16xi32>
        %slice3A = vector.extract_strided_slice %all_reduce_population_count3A {offsets = [0], sizes = [1], strides = [1]} : vector<16xi32> to vector<1xi32>
        %squeeze3A = vector.extract %slice3A[0] : i32 from vector<1xi32>
        %gt3A_106 = arith.constant 0 : i32
        %gt3A_107 = arith.cmpi sgt, %squeeze3A, %gt3A_106 : i32
        %convert_element_type3A_108 = arith.extui %gt3A_107 : i1 to i32
        %cond3A_109 = arith.constant 0 : i32
        %cond3A_110 = arith.cmpi ne, %convert_element_type3A_108, %cond3A_109 : i32
        scf.if %cond3A_110 {
          %swap3A_119 = arith.index_cast %scan3A_97 : i32 to index
          %swap3A_120 = tpu.vector_load %arg13[%swap3A_119] masked %and3A {strides = array<i32>} : memref<96xi32, #tpu.memory_space<vmem>>, vector<16xi32>, vector<16xi1>
          tpu.vector_store %arg13[%swap3A_119], %get3A_100 masked %and3A {strides = array<i32>} : memref<96xi32, #tpu.memory_space<vmem>>, vector<16xi32>, vector<16xi1>
          %mul3A_121 = arith.constant 16 : i32
          %mul3A_122 = arith.muli %scan3A_96, %mul3A_121 : i32
          %get3A_123 = arith.index_cast %mul3A_122 : i32 to index
          %get3A_124 = tpu.vector_load %arg12[%get3A_123] {strides = array<i32>} : memref<6400xi32, #tpu.memory_space<vmem>>, vector<16xi32>,
          %swap3A_125 = arith.index_cast %scan3A_97 : i32 to index
          %swap3A_126 = tpu.vector_load %arg14[%swap3A_125] masked %and3A {strides = array<i32>} : memref<96xi32, #tpu.memory_space<vmem>>, vector<16xi32>, vector<16xi1>
          tpu.vector_store %arg14[%swap3A_125], %get3A_124 masked %and3A {strides = array<i32>} : memref<96xi32, #tpu.memory_space<vmem>>, vector<16xi32>, vector<16xi1>
          %mul3A_127 = arith.constant 16 : i32
          %mul3A_128 = arith.muli %scan3A_96, %mul3A_127 : i32
          %add3A_129 = arith.addi %mul3A_89, %mul3A_128 : i32
          %add3A_130 = vector.broadcast %add3A_129 : i32 to vector<16xi32>
          %add3A_131 = arith.addi %iota3A, %add3A_130 : vector<16xi32>
          %swap3A_132 = arith.index_cast %scan3A_97 : i32 to index
          %swap3A_133 = tpu.vector_load %arg15[%swap3A_132] masked %and3A {strides = array<i32>} : memref<96xi32, #tpu.memory_space<vmem>>, vector<16xi32>, vector<16xi1>
          tpu.vector_store %arg15[%swap3A_132], %add3A_131 masked %and3A {strides = array<i32>} : memref<96xi32, #tpu.memory_space<vmem>>, vector<16xi32>, vector<16xi1>
        } else {
        }
        %add3A_111 = arith.addi %scan3A_97, %squeeze3A : i32
        %ge3A_112 = arith.constant 64 : i32
        %ge3A_113 = arith.cmpi sge, %add3A_111, %ge3A_112 : i32
        %convert_element_type3A_114 = arith.extui %ge3A_113 : i1 to i32
        %cond3A_115 = arith.constant 0 : i32
        %cond3A_116 = arith.cmpi ne, %convert_element_type3A_114, %cond3A_115 : i32
        scf.if %cond3A_116 {
          %dma_start3A = arith.constant 0 : i32
          %dma_start3A_119 = tpu.memref_slice %arg14[%dma_start3A] : memref<96xi32, #tpu.memory_space<vmem>> -> memref<64xi32, #tpu.memory_space<vmem>>
          %dma_start3A_120 = arith.constant 0 : i32
          %dma_start3A_121 = arith.constant 0 : i32
          %dma_start3A_122 = tpu.memref_slice %arg4[%dma_start3A_120, %dma_start3A_121] : memref<10000x128xf32, #tpu.memory_space<hbm>> -> memref<10000x128xf32, #tpu.memory_space<hbm>>
          tpu.enqueue_indirect_dma source(%dma_start3A_122 : memref<10000x128xf32, #tpu.memory_space<hbm>>) target(%arg16 : memref<64x128xf32, #tpu.memory_space<vmem>>) offsets(%dma_start3A_119 : memref<64xi32, #tpu.memory_space<vmem>>) semaphore(%arg23 : memref<!tpu.dma_semaphore, #tpu.memory_space<semaphore_mem>>)
          %dma_start3A_123 = arith.constant 0 : i32
          %dma_start3A_124 = tpu.memref_slice %arg13[%dma_start3A_123] : memref<96xi32, #tpu.memory_space<vmem>> -> memref<64xi32, #tpu.memory_space<vmem>>
          %dma_start3A_125 = arith.constant 0 : i32
          %dma_start3A_126 = arith.constant 0 : i32
          %dma_start3A_127 = tpu.memref_slice %arg5[%dma_start3A_125, %dma_start3A_126] : memref<10000x128xf32, #tpu.memory_space<hbm>> -> memref<10000x128xf32, #tpu.memory_space<hbm>>
          tpu.enqueue_indirect_dma source(%dma_start3A_127 : memref<10000x128xf32, #tpu.memory_space<hbm>>) target(%arg17 : memref<64x128xf32, #tpu.memory_space<vmem>>) offsets(%dma_start3A_124 : memref<64xi32, #tpu.memory_space<vmem>>) semaphore(%arg23 : memref<!tpu.dma_semaphore, #tpu.memory_space<semaphore_mem>>)
          %dma_start3A_128 = arith.constant 0 : i32
          %dma_start3A_129 = tpu.memref_slice %arg15[%dma_start3A_128] : memref<96xi32, #tpu.memory_space<vmem>> -> memref<64xi32, #tpu.memory_space<vmem>>
          %dma_start3A_130 = arith.constant 0 : i32
          %dma_start3A_131 = arith.constant 0 : i32
          %dma_start3A_132 = tpu.memref_slice %arg6[%dma_start3A_130, %dma_start3A_131] : memref<320000x128xf32, #tpu.memory_space<hbm>> -> memref<320000x128xf32, #tpu.memory_space<hbm>>
          tpu.enqueue_indirect_dma source(%dma_start3A_132 : memref<320000x128xf32, #tpu.memory_space<hbm>>) target(%arg18 : memref<64x128xf32, #tpu.memory_space<vmem>>) offsets(%dma_start3A_129 : memref<64xi32, #tpu.memory_space<vmem>>) semaphore(%arg23 : memref<!tpu.dma_semaphore, #tpu.memory_space<semaphore_mem>>)
          %dma_wait3A = arith.constant 0 : i32
          %dma_wait3A_133 = tpu.memref_slice %arg14[%dma_wait3A] : memref<96xi32, #tpu.memory_space<vmem>> -> memref<64xi32, #tpu.memory_space<vmem>>
          %dma_wait3A_134 = arith.constant 0 : i32
          %dma_wait3A_135 = arith.constant 0 : i32
          %dma_wait3A_136 = tpu.memref_slice %arg4[%dma_wait3A_134, %dma_wait3A_135] : memref<10000x128xf32, #tpu.memory_space<hbm>> -> memref<10000x128xf32, #tpu.memory_space<hbm>>
          tpu.wait_indirect_dma semaphore(%arg23 : memref<!tpu.dma_semaphore, #tpu.memory_space<semaphore_mem>>) src(%dma_wait3A_136 : memref<10000x128xf32, #tpu.memory_space<hbm>>) dst(%arg16 : memref<64x128xf32, #tpu.memory_space<vmem>>)
          %dma_wait3A_137 = arith.constant 0 : i32
          %dma_wait3A_138 = tpu.memref_slice %arg13[%dma_wait3A_137] : memref<96xi32, #tpu.memory_space<vmem>> -> memref<64xi32, #tpu.memory_space<vmem>>
          %dma_wait3A_139 = arith.constant 0 : i32
          %dma_wait3A_140 = arith.constant 0 : i32
          %dma_wait3A_141 = tpu.memref_slice %arg5[%dma_wait3A_139, %dma_wait3A_140] : memref<10000x128xf32, #tpu.memory_space<hbm>> -> memref<10000x128xf32, #tpu.memory_space<hbm>>
          tpu.wait_indirect_dma semaphore(%arg23 : memref<!tpu.dma_semaphore, #tpu.memory_space<semaphore_mem>>) src(%dma_wait3A_141 : memref<10000x128xf32, #tpu.memory_space<hbm>>) dst(%arg17 : memref<64x128xf32, #tpu.memory_space<vmem>>)
          %dma_wait3A_142 = arith.constant 0 : i32
          %dma_wait3A_143 = tpu.memref_slice %arg15[%dma_wait3A_142] : memref<96xi32, #tpu.memory_space<vmem>> -> memref<64xi32, #tpu.memory_space<vmem>>
          %dma_wait3A_144 = arith.constant 0 : i32
          %dma_wait3A_145 = arith.constant 0 : i32
          %dma_wait3A_146 = tpu.memref_slice %arg6[%dma_wait3A_144, %dma_wait3A_145] : memref<320000x128xf32, #tpu.memory_space<hbm>> -> memref<320000x128xf32, #tpu.memory_space<hbm>>
          tpu.wait_indirect_dma semaphore(%arg23 : memref<!tpu.dma_semaphore, #tpu.memory_space<semaphore_mem>>) src(%dma_wait3A_146 : memref<320000x128xf32, #tpu.memory_space<hbm>>) dst(%arg18 : memref<64x128xf32, #tpu.memory_space<vmem>>)
          %scan3A_147 = arith.constant 0 : i32
          %scan3A_148 = arith.constant 64 : i32
          %scan3A_149 = arith.constant 0 : i32
          %scan3A_150 = arith.constant 64 : i32
          %scan3A_151 = arith.addi %scan3A_149, %scan3A_150 : i32
          %scan3A_152 = arith.constant 1 : i32
          scf.for %scan3A_166 = %scan3A_149 to %scan3A_151 step %scan3A_152  : i32 {
            %lt3A_167 = arith.cmpi slt, %scan3A_166, %scan3A_148 : i32
            %convert_element_type3A_168 = arith.extui %lt3A_167 : i1 to i32
            %cond3A_169 = arith.constant 0 : i32
            %cond3A_170 = arith.cmpi ne, %convert_element_type3A_168, %cond3A_169 : i32
            scf.if %cond3A_170 {
              %get3A_171 = arith.index_cast %scan3A_166 : i32 to index
              %get3A_172 = tpu.vector_load %arg13[%get3A_171] {strides = array<i32>} : memref<96xi32, #tpu.memory_space<vmem>>, vector<16xi32>,
              %slice3A_173 = vector.extract_strided_slice %get3A_172 {offsets = [0], sizes = [1], strides = [1]} : vector<16xi32> to vector<1xi32>
              %squeeze3A_174 = vector.extract %slice3A_173[0] : i32 from vector<1xi32>
              %sub3A_175 = arith.subi %squeeze3A_174, %add3A_67 : i32
              %get3A_176 = arith.index_cast %scan3A_166 : i32 to index
              %get3A_177 = arith.constant 0 : index
              %get3A_178 = tpu.vector_load %arg16[%get3A_176, %get3A_177] {strides = array<i32>} : memref<64x128xf32, #tpu.memory_space<vmem>>, vector<16xf32>,
              %get3A_179 = arith.index_cast %scan3A_166 : i32 to index
              %get3A_180 = arith.constant 0 : index
              %get3A_181 = tpu.vector_load %arg18[%get3A_179, %get3A_180] {strides = array<i32>} : memref<64x128xf32, #tpu.memory_space<vmem>>, vector<16xf32>,
              %get3A_182 = arith.index_cast %scan3A_166 : i32 to index
              %get3A_183 = arith.constant 0 : index
              %get3A_184 = tpu.vector_load %arg17[%get3A_182, %get3A_183] {strides = array<i32>} : memref<64x128xf32, #tpu.memory_space<vmem>>, vector<16xf32>,
              %add3A_185 = arith.addf %get3A_178, %get3A_184 : vector<16xf32>
              %add3A_186 = arith.addf %add3A_185, %get3A_181 : vector<16xf32>
              %mul3A_187 = arith.constant 2.000000e-01 : f32
              %mul3A_188 = vector.broadcast %mul3A_187 : f32 to vector<16xf32>
              %mul3A_189 = arith.mulf %mul3A_188, %add3A_186 : vector<16xf32>
              %max3A = arith.maximumf %add3A_186, %mul3A_189 : vector<16xf32>
              %get3A_190 = arith.constant 0 : i32
              %get3A_191 = arith.index_cast %get3A_190 : i32 to index
              %get3A_192 = arith.constant 0 : index
              %get3A_193 = tpu.vector_load %arg22[%get3A_191, %get3A_192] {strides = array<i32>} : memref<8x16xf32, #tpu.memory_space<vmem>>, vector<16xf32>,
              %mul3A_194 = arith.mulf %max3A, %get3A_193 : vector<16xf32>
              %reduce_sum3A = arith.constant true
              %reduce_sum3A_195 = vector.broadcast %reduce_sum3A : i1 to vector<16xi1>
              %reduce_sum3A_196 = tpu.scan <sum>, %mul3A_194 masked %reduce_sum3A_195 : vector<16xf32>, vector<16xi1> -> vector<16xf32>
              %reduce_sum3A_197 = vector.extract %reduce_sum3A_196[15] : f32 from vector<16xf32>
              %broadcast_in_dim3A_198 = vector.broadcast %reduce_sum3A_197 : f32 to vector<16xf32>
              %exp3A = math.exp %broadcast_in_dim3A_198 : vector<16xf32>
              %get3A_199 = arith.index_cast %sub3A_175 : i32 to index
              %get3A_200 = arith.constant 0 : index
              %get3A_201 = tpu.vector_load %arg19[%get3A_199, %get3A_200] {strides = array<i32>} : memref<160x128xf32, #tpu.memory_space<vmem>>, vector<16xf32>,
              %mul3A_202 = arith.mulf %get3A_178, %exp3A : vector<16xf32>
              %add3A_203 = arith.addf %get3A_201, %mul3A_202 : vector<16xf32>
              %swap3A_204 = arith.index_cast %sub3A_175 : i32 to index
              %swap3A_205 = arith.constant 0 : index
              %swap3A_206 = tpu.vector_load %arg19[%swap3A_204, %swap3A_205] {strides = array<i32>} : memref<160x128xf32, #tpu.memory_space<vmem>>, vector<16xf32>,
              tpu.vector_store %arg19[%swap3A_204, %swap3A_205], %add3A_203 {strides = array<i32>} : memref<160x128xf32, #tpu.memory_space<vmem>>, vector<16xf32>,
              %get3A_207 = arith.index_cast %sub3A_175 : i32 to index
              %get3A_208 = arith.constant 0 : index
              %get3A_209 = tpu.vector_load %arg21[%get3A_207, %get3A_208] {strides = array<i32>} : memref<160x128xf32, #tpu.memory_space<vmem>>, vector<16xf32>,
              %add3A_210 = arith.addf %get3A_209, %get3A_181 : vector<16xf32>
              %swap3A_211 = arith.index_cast %sub3A_175 : i32 to index
              %swap3A_212 = arith.constant 0 : index
              %swap3A_213 = tpu.vector_load %arg21[%swap3A_211, %swap3A_212] {strides = array<i32>} : memref<160x128xf32, #tpu.memory_space<vmem>>, vector<16xf32>,
              tpu.vector_store %arg21[%swap3A_211, %swap3A_212], %add3A_210 {strides = array<i32>} : memref<160x128xf32, #tpu.memory_space<vmem>>, vector<16xf32>,
              %eq3A = arith.constant 0 : i32
              %eq3A_214 = vector.broadcast %eq3A : i32 to vector<16xi32>
              %eq3A_215 = arith.cmpi eq, %iota3A, %eq3A_214 : vector<16xi32>
              %select_n3A_216 = arith.select %eq3A_215, %exp3A, %select_n3A : vector<16xi1>, vector<16xf32>
              %get3A_217 = arith.index_cast %scan3A_166 : i32 to index
              %get3A_218 = arith.constant 16 : index
              %get3A_219 = tpu.vector_load %arg16[%get3A_217, %get3A_218] {strides = array<i32>} : memref<64x128xf32, #tpu.memory_space<vmem>>, vector<16xf32>,
              %get3A_220 = arith.index_cast %scan3A_166 : i32 to index
              %get3A_221 = arith.constant 16 : index
              %get3A_222 = tpu.vector_load %arg18[%get3A_220, %get3A_221] {strides = array<i32>} : memref<64x128xf32, #tpu.memory_space<vmem>>, vector<16xf32>,
              %get3A_223 = arith.index_cast %scan3A_166 : i32 to index
              %get3A_224 = arith.constant 16 : index
              %get3A_225 = tpu.vector_load %arg17[%get3A_223, %get3A_224] {strides = array<i32>} : memref<64x128xf32, #tpu.memory_space<vmem>>, vector<16xf32>,
              %add3A_226 = arith.addf %get3A_219, %get3A_225 : vector<16xf32>
              %add3A_227 = arith.addf %add3A_226, %get3A_222 : vector<16xf32>
              %mul3A_228 = arith.constant 2.000000e-01 : f32
              %mul3A_229 = vector.broadcast %mul3A_228 : f32 to vector<16xf32>
              %mul3A_230 = arith.mulf %mul3A_229, %add3A_227 : vector<16xf32>
              %max3A_231 = arith.maximumf %add3A_227, %mul3A_230 : vector<16xf32>
              %get3A_232 = arith.constant 1 : i32
              %get3A_233 = arith.index_cast %get3A_232 : i32 to index
              %get3A_234 = arith.constant 0 : index
              %get3A_235 = tpu.vector_load %arg22[%get3A_233, %get3A_234] {strides = array<i32>} : memref<8x16xf32, #tpu.memory_space<vmem>>, vector<16xf32>,
              %mul3A_236 = arith.mulf %max3A_231, %get3A_235 : vector<16xf32>
              %reduce_sum3A_237 = arith.constant true
              %reduce_sum3A_238 = vector.broadcast %reduce_sum3A_237 : i1 to vector<16xi1>
              %reduce_sum3A_239 = tpu.scan <sum>, %mul3A_236 masked %reduce_sum3A_238 : vector<16xf32>, vector<16xi1> -> vector<16xf32>
              %reduce_sum3A_240 = vector.extract %reduce_sum3A_239[15] : f32 from vector<16xf32>
              %broadcast_in_dim3A_241 = vector.broadcast %reduce_sum3A_240 : f32 to vector<16xf32>
              %exp3A_242 = math.exp %broadcast_in_dim3A_241 : vector<16xf32>
              %get3A_243 = arith.index_cast %sub3A_175 : i32 to index
              %get3A_244 = arith.constant 16 : index
              %get3A_245 = tpu.vector_load %arg19[%get3A_243, %get3A_244] {strides = array<i32>} : memref<160x128xf32, #tpu.memory_space<vmem>>, vector<16xf32>,
              %mul3A_246 = arith.mulf %get3A_219, %exp3A_242 : vector<16xf32>
              %add3A_247 = arith.addf %get3A_245, %mul3A_246 : vector<16xf32>
              %swap3A_248 = arith.index_cast %sub3A_175 : i32 to index
              %swap3A_249 = arith.constant 16 : index
              %swap3A_250 = tpu.vector_load %arg19[%swap3A_248, %swap3A_249] {strides = array<i32>} : memref<160x128xf32, #tpu.memory_space<vmem>>, vector<16xf32>,
              tpu.vector_store %arg19[%swap3A_248, %swap3A_249], %add3A_247 {strides = array<i32>} : memref<160x128xf32, #tpu.memory_space<vmem>>, vector<16xf32>,
              %get3A_251 = arith.index_cast %sub3A_175 : i32 to index
              %get3A_252 = arith.constant 16 : index
              %get3A_253 = tpu.vector_load %arg21[%get3A_251, %get3A_252] {strides = array<i32>} : memref<160x128xf32, #tpu.memory_space<vmem>>, vector<16xf32>,
              %add3A_254 = arith.addf %get3A_253, %get3A_222 : vector<16xf32>
              %swap3A_255 = arith.index_cast %sub3A_175 : i32 to index
              %swap3A_256 = arith.constant 16 : index
              %swap3A_257 = tpu.vector_load %arg21[%swap3A_255, %swap3A_256] {strides = array<i32>} : memref<160x128xf32, #tpu.memory_space<vmem>>, vector<16xf32>,
              tpu.vector_store %arg21[%swap3A_255, %swap3A_256], %add3A_254 {strides = array<i32>} : memref<160x128xf32, #tpu.memory_space<vmem>>, vector<16xf32>,
              %eq3A_258 = arith.constant 1 : i32
              %eq3A_259 = vector.broadcast %eq3A_258 : i32 to vector<16xi32>
              %eq3A_260 = arith.cmpi eq, %iota3A, %eq3A_259 : vector<16xi32>
              %select_n3A_261 = arith.select %eq3A_260, %exp3A_242, %select_n3A_216 : vector<16xi1>, vector<16xf32>
              %get3A_262 = arith.index_cast %scan3A_166 : i32 to index
              %get3A_263 = arith.constant 32 : index
              %get3A_264 = tpu.vector_load %arg16[%get3A_262, %get3A_263] {strides = array<i32>} : memref<64x128xf32, #tpu.memory_space<vmem>>, vector<16xf32>,
              %get3A_265 = arith.index_cast %scan3A_166 : i32 to index
              %get3A_266 = arith.constant 32 : index
              %get3A_267 = tpu.vector_load %arg18[%get3A_265, %get3A_266] {strides = array<i32>} : memref<64x128xf32, #tpu.memory_space<vmem>>, vector<16xf32>,
              %get3A_268 = arith.index_cast %scan3A_166 : i32 to index
              %get3A_269 = arith.constant 32 : index
              %get3A_270 = tpu.vector_load %arg17[%get3A_268, %get3A_269] {strides = array<i32>} : memref<64x128xf32, #tpu.memory_space<vmem>>, vector<16xf32>,
              %add3A_271 = arith.addf %get3A_264, %get3A_270 : vector<16xf32>
              %add3A_272 = arith.addf %add3A_271, %get3A_267 : vector<16xf32>
              %mul3A_273 = arith.constant 2.000000e-01 : f32
              %mul3A_274 = vector.broadcast %mul3A_273 : f32 to vector<16xf32>
              %mul3A_275 = arith.mulf %mul3A_274, %add3A_272 : vector<16xf32>
              %max3A_276 = arith.maximumf %add3A_272, %mul3A_275 : vector<16xf32>
              %get3A_277 = arith.constant 2 : i32
              %get3A_278 = arith.index_cast %get3A_277 : i32 to index
              %get3A_279 = arith.constant 0 : index
              %get3A_280 = tpu.vector_load %arg22[%get3A_278, %get3A_279] {strides = array<i32>} : memref<8x16xf32, #tpu.memory_space<vmem>>, vector<16xf32>,
              %mul3A_281 = arith.mulf %max3A_276, %get3A_280 : vector<16xf32>
              %reduce_sum3A_282 = arith.constant true
              %reduce_sum3A_283 = vector.broadcast %reduce_sum3A_282 : i1 to vector<16xi1>
              %reduce_sum3A_284 = tpu.scan <sum>, %mul3A_281 masked %reduce_sum3A_283 : vector<16xf32>, vector<16xi1> -> vector<16xf32>
              %reduce_sum3A_285 = vector.extract %reduce_sum3A_284[15] : f32 from vector<16xf32>
              %broadcast_in_dim3A_286 = vector.broadcast %reduce_sum3A_285 : f32 to vector<16xf32>
              %exp3A_287 = math.exp %broadcast_in_dim3A_286 : vector<16xf32>
              %get3A_288 = arith.index_cast %sub3A_175 : i32 to index
              %get3A_289 = arith.constant 32 : index
              %get3A_290 = tpu.vector_load %arg19[%get3A_288, %get3A_289] {strides = array<i32>} : memref<160x128xf32, #tpu.memory_space<vmem>>, vector<16xf32>,
              %mul3A_291 = arith.mulf %get3A_264, %exp3A_287 : vector<16xf32>
              %add3A_292 = arith.addf %get3A_290, %mul3A_291 : vector<16xf32>
              %swap3A_293 = arith.index_cast %sub3A_175 : i32 to index
              %swap3A_294 = arith.constant 32 : index
              %swap3A_295 = tpu.vector_load %arg19[%swap3A_293, %swap3A_294] {strides = array<i32>} : memref<160x128xf32, #tpu.memory_space<vmem>>, vector<16xf32>,
              tpu.vector_store %arg19[%swap3A_293, %swap3A_294], %add3A_292 {strides = array<i32>} : memref<160x128xf32, #tpu.memory_space<vmem>>, vector<16xf32>,
              %get3A_296 = arith.index_cast %sub3A_175 : i32 to index
              %get3A_297 = arith.constant 32 : index
              %get3A_298 = tpu.vector_load %arg21[%get3A_296, %get3A_297] {strides = array<i32>} : memref<160x128xf32, #tpu.memory_space<vmem>>, vector<16xf32>,
              %add3A_299 = arith.addf %get3A_298, %get3A_267 : vector<16xf32>
              %swap3A_300 = arith.index_cast %sub3A_175 : i32 to index
              %swap3A_301 = arith.constant 32 : index
              %swap3A_302 = tpu.vector_load %arg21[%swap3A_300, %swap3A_301] {strides = array<i32>} : memref<160x128xf32, #tpu.memory_space<vmem>>, vector<16xf32>,
              tpu.vector_store %arg21[%swap3A_300, %swap3A_301], %add3A_299 {strides = array<i32>} : memref<160x128xf32, #tpu.memory_space<vmem>>, vector<16xf32>,
              %eq3A_303 = arith.constant 2 : i32
              %eq3A_304 = vector.broadcast %eq3A_303 : i32 to vector<16xi32>
              %eq3A_305 = arith.cmpi eq, %iota3A, %eq3A_304 : vector<16xi32>
              %select_n3A_306 = arith.select %eq3A_305, %exp3A_287, %select_n3A_261 : vector<16xi1>, vector<16xf32>
              %get3A_307 = arith.index_cast %scan3A_166 : i32 to index
              %get3A_308 = arith.constant 48 : index
              %get3A_309 = tpu.vector_load %arg16[%get3A_307, %get3A_308] {strides = array<i32>} : memref<64x128xf32, #tpu.memory_space<vmem>>, vector<16xf32>,
              %get3A_310 = arith.index_cast %scan3A_166 : i32 to index
              %get3A_311 = arith.constant 48 : index
              %get3A_312 = tpu.vector_load %arg18[%get3A_310, %get3A_311] {strides = array<i32>} : memref<64x128xf32, #tpu.memory_space<vmem>>, vector<16xf32>,
              %get3A_313 = arith.index_cast %scan3A_166 : i32 to index
              %get3A_314 = arith.constant 48 : index
              %get3A_315 = tpu.vector_load %arg17[%get3A_313, %get3A_314] {strides = array<i32>} : memref<64x128xf32, #tpu.memory_space<vmem>>, vector<16xf32>,
              %add3A_316 = arith.addf %get3A_309, %get3A_315 : vector<16xf32>
              %add3A_317 = arith.addf %add3A_316, %get3A_312 : vector<16xf32>
              %mul3A_318 = arith.constant 2.000000e-01 : f32
              %mul3A_319 = vector.broadcast %mul3A_318 : f32 to vector<16xf32>
              %mul3A_320 = arith.mulf %mul3A_319, %add3A_317 : vector<16xf32>
              %max3A_321 = arith.maximumf %add3A_317, %mul3A_320 : vector<16xf32>
              %get3A_322 = arith.constant 3 : i32
              %get3A_323 = arith.index_cast %get3A_322 : i32 to index
              %get3A_324 = arith.constant 0 : index
              %get3A_325 = tpu.vector_load %arg22[%get3A_323, %get3A_324] {strides = array<i32>} : memref<8x16xf32, #tpu.memory_space<vmem>>, vector<16xf32>,
              %mul3A_326 = arith.mulf %max3A_321, %get3A_325 : vector<16xf32>
              %reduce_sum3A_327 = arith.constant true
              %reduce_sum3A_328 = vector.broadcast %reduce_sum3A_327 : i1 to vector<16xi1>
              %reduce_sum3A_329 = tpu.scan <sum>, %mul3A_326 masked %reduce_sum3A_328 : vector<16xf32>, vector<16xi1> -> vector<16xf32>
              %reduce_sum3A_330 = vector.extract %reduce_sum3A_329[15] : f32 from vector<16xf32>
              %broadcast_in_dim3A_331 = vector.broadcast %reduce_sum3A_330 : f32 to vector<16xf32>
              %exp3A_332 = math.exp %broadcast_in_dim3A_331 : vector<16xf32>
              %get3A_333 = arith.index_cast %sub3A_175 : i32 to index
              %get3A_334 = arith.constant 48 : index
              %get3A_335 = tpu.vector_load %arg19[%get3A_333, %get3A_334] {strides = array<i32>} : memref<160x128xf32, #tpu.memory_space<vmem>>, vector<16xf32>,
              %mul3A_336 = arith.mulf %get3A_309, %exp3A_332 : vector<16xf32>
              %add3A_337 = arith.addf %get3A_335, %mul3A_336 : vector<16xf32>
              %swap3A_338 = arith.index_cast %sub3A_175 : i32 to index
              %swap3A_339 = arith.constant 48 : index
              %swap3A_340 = tpu.vector_load %arg19[%swap3A_338, %swap3A_339] {strides = array<i32>} : memref<160x128xf32, #tpu.memory_space<vmem>>, vector<16xf32>,
              tpu.vector_store %arg19[%swap3A_338, %swap3A_339], %add3A_337 {strides = array<i32>} : memref<160x128xf32, #tpu.memory_space<vmem>>, vector<16xf32>,
              %get3A_341 = arith.index_cast %sub3A_175 : i32 to index
              %get3A_342 = arith.constant 48 : index
              %get3A_343 = tpu.vector_load %arg21[%get3A_341, %get3A_342] {strides = array<i32>} : memref<160x128xf32, #tpu.memory_space<vmem>>, vector<16xf32>,
              %add3A_344 = arith.addf %get3A_343, %get3A_312 : vector<16xf32>
              %swap3A_345 = arith.index_cast %sub3A_175 : i32 to index
              %swap3A_346 = arith.constant 48 : index
              %swap3A_347 = tpu.vector_load %arg21[%swap3A_345, %swap3A_346] {strides = array<i32>} : memref<160x128xf32, #tpu.memory_space<vmem>>, vector<16xf32>,
              tpu.vector_store %arg21[%swap3A_345, %swap3A_346], %add3A_344 {strides = array<i32>} : memref<160x128xf32, #tpu.memory_space<vmem>>, vector<16xf32>,
              %eq3A_348 = arith.constant 3 : i32
              %eq3A_349 = vector.broadcast %eq3A_348 : i32 to vector<16xi32>
              %eq3A_350 = arith.cmpi eq, %iota3A, %eq3A_349 : vector<16xi32>
              %select_n3A_351 = arith.select %eq3A_350, %exp3A_332, %select_n3A_306 : vector<16xi1>, vector<16xf32>
              %get3A_352 = arith.index_cast %scan3A_166 : i32 to index
              %get3A_353 = arith.constant 64 : index
              %get3A_354 = tpu.vector_load %arg16[%get3A_352, %get3A_353] {strides = array<i32>} : memref<64x128xf32, #tpu.memory_space<vmem>>, vector<16xf32>,
              %get3A_355 = arith.index_cast %scan3A_166 : i32 to index
              %get3A_356 = arith.constant 64 : index
              %get3A_357 = tpu.vector_load %arg18[%get3A_355, %get3A_356] {strides = array<i32>} : memref<64x128xf32, #tpu.memory_space<vmem>>, vector<16xf32>,
              %get3A_358 = arith.index_cast %scan3A_166 : i32 to index
              %get3A_359 = arith.constant 64 : index
              %get3A_360 = tpu.vector_load %arg17[%get3A_358, %get3A_359] {strides = array<i32>} : memref<64x128xf32, #tpu.memory_space<vmem>>, vector<16xf32>,
              %add3A_361 = arith.addf %get3A_354, %get3A_360 : vector<16xf32>
              %add3A_362 = arith.addf %add3A_361, %get3A_357 : vector<16xf32>
              %mul3A_363 = arith.constant 2.000000e-01 : f32
              %mul3A_364 = vector.broadcast %mul3A_363 : f32 to vector<16xf32>
              %mul3A_365 = arith.mulf %mul3A_364, %add3A_362 : vector<16xf32>
              %max3A_366 = arith.maximumf %add3A_362, %mul3A_365 : vector<16xf32>
              %get3A_367 = arith.constant 4 : i32
              %get3A_368 = arith.index_cast %get3A_367 : i32 to index
              %get3A_369 = arith.constant 0 : index
              %get3A_370 = tpu.vector_load %arg22[%get3A_368, %get3A_369] {strides = array<i32>} : memref<8x16xf32, #tpu.memory_space<vmem>>, vector<16xf32>,
              %mul3A_371 = arith.mulf %max3A_366, %get3A_370 : vector<16xf32>
              %reduce_sum3A_372 = arith.constant true
              %reduce_sum3A_373 = vector.broadcast %reduce_sum3A_372 : i1 to vector<16xi1>
              %reduce_sum3A_374 = tpu.scan <sum>, %mul3A_371 masked %reduce_sum3A_373 : vector<16xf32>, vector<16xi1> -> vector<16xf32>
              %reduce_sum3A_375 = vector.extract %reduce_sum3A_374[15] : f32 from vector<16xf32>
              %broadcast_in_dim3A_376 = vector.broadcast %reduce_sum3A_375 : f32 to vector<16xf32>
              %exp3A_377 = math.exp %broadcast_in_dim3A_376 : vector<16xf32>
              %get3A_378 = arith.index_cast %sub3A_175 : i32 to index
              %get3A_379 = arith.constant 64 : index
              %get3A_380 = tpu.vector_load %arg19[%get3A_378, %get3A_379] {strides = array<i32>} : memref<160x128xf32, #tpu.memory_space<vmem>>, vector<16xf32>,
              %mul3A_381 = arith.mulf %get3A_354, %exp3A_377 : vector<16xf32>
              %add3A_382 = arith.addf %get3A_380, %mul3A_381 : vector<16xf32>
              %swap3A_383 = arith.index_cast %sub3A_175 : i32 to index
              %swap3A_384 = arith.constant 64 : index
              %swap3A_385 = tpu.vector_load %arg19[%swap3A_383, %swap3A_384] {strides = array<i32>} : memref<160x128xf32, #tpu.memory_space<vmem>>, vector<16xf32>,
              tpu.vector_store %arg19[%swap3A_383, %swap3A_384], %add3A_382 {strides = array<i32>} : memref<160x128xf32, #tpu.memory_space<vmem>>, vector<16xf32>,
              %get3A_386 = arith.index_cast %sub3A_175 : i32 to index
              %get3A_387 = arith.constant 64 : index
              %get3A_388 = tpu.vector_load %arg21[%get3A_386, %get3A_387] {strides = array<i32>} : memref<160x128xf32, #tpu.memory_space<vmem>>, vector<16xf32>,
              %add3A_389 = arith.addf %get3A_388, %get3A_357 : vector<16xf32>
              %swap3A_390 = arith.index_cast %sub3A_175 : i32 to index
              %swap3A_391 = arith.constant 64 : index
              %swap3A_392 = tpu.vector_load %arg21[%swap3A_390, %swap3A_391] {strides = array<i32>} : memref<160x128xf32, #tpu.memory_space<vmem>>, vector<16xf32>,
              tpu.vector_store %arg21[%swap3A_390, %swap3A_391], %add3A_389 {strides = array<i32>} : memref<160x128xf32, #tpu.memory_space<vmem>>, vector<16xf32>,
              %eq3A_393 = arith.constant 4 : i32
              %eq3A_394 = vector.broadcast %eq3A_393 : i32 to vector<16xi32>
              %eq3A_395 = arith.cmpi eq, %iota3A, %eq3A_394 : vector<16xi32>
              %select_n3A_396 = arith.select %eq3A_395, %exp3A_377, %select_n3A_351 : vector<16xi1>, vector<16xf32>
              %get3A_397 = arith.index_cast %scan3A_166 : i32 to index
              %get3A_398 = arith.constant 80 : index
              %get3A_399 = tpu.vector_load %arg16[%get3A_397, %get3A_398] {strides = array<i32>} : memref<64x128xf32, #tpu.memory_space<vmem>>, vector<16xf32>,
              %get3A_400 = arith.index_cast %scan3A_166 : i32 to index
              %get3A_401 = arith.constant 80 : index
              %get3A_402 = tpu.vector_load %arg18[%get3A_400, %get3A_401] {strides = array<i32>} : memref<64x128xf32, #tpu.memory_space<vmem>>, vector<16xf32>,
              %get3A_403 = arith.index_cast %scan3A_166 : i32 to index
              %get3A_404 = arith.constant 80 : index
              %get3A_405 = tpu.vector_load %arg17[%get3A_403, %get3A_404] {strides = array<i32>} : memref<64x128xf32, #tpu.memory_space<vmem>>, vector<16xf32>,
              %add3A_406 = arith.addf %get3A_399, %get3A_405 : vector<16xf32>
              %add3A_407 = arith.addf %add3A_406, %get3A_402 : vector<16xf32>
              %mul3A_408 = arith.constant 2.000000e-01 : f32
              %mul3A_409 = vector.broadcast %mul3A_408 : f32 to vector<16xf32>
              %mul3A_410 = arith.mulf %mul3A_409, %add3A_407 : vector<16xf32>
              %max3A_411 = arith.maximumf %add3A_407, %mul3A_410 : vector<16xf32>
              %get3A_412 = arith.constant 5 : i32
              %get3A_413 = arith.index_cast %get3A_412 : i32 to index
              %get3A_414 = arith.constant 0 : index
              %get3A_415 = tpu.vector_load %arg22[%get3A_413, %get3A_414] {strides = array<i32>} : memref<8x16xf32, #tpu.memory_space<vmem>>, vector<16xf32>,
              %mul3A_416 = arith.mulf %max3A_411, %get3A_415 : vector<16xf32>
              %reduce_sum3A_417 = arith.constant true
              %reduce_sum3A_418 = vector.broadcast %reduce_sum3A_417 : i1 to vector<16xi1>
              %reduce_sum3A_419 = tpu.scan <sum>, %mul3A_416 masked %reduce_sum3A_418 : vector<16xf32>, vector<16xi1> -> vector<16xf32>
              %reduce_sum3A_420 = vector.extract %reduce_sum3A_419[15] : f32 from vector<16xf32>
              %broadcast_in_dim3A_421 = vector.broadcast %reduce_sum3A_420 : f32 to vector<16xf32>
              %exp3A_422 = math.exp %broadcast_in_dim3A_421 : vector<16xf32>
              %get3A_423 = arith.index_cast %sub3A_175 : i32 to index
              %get3A_424 = arith.constant 80 : index
              %get3A_425 = tpu.vector_load %arg19[%get3A_423, %get3A_424] {strides = array<i32>} : memref<160x128xf32, #tpu.memory_space<vmem>>, vector<16xf32>,
              %mul3A_426 = arith.mulf %get3A_399, %exp3A_422 : vector<16xf32>
              %add3A_427 = arith.addf %get3A_425, %mul3A_426 : vector<16xf32>
              %swap3A_428 = arith.index_cast %sub3A_175 : i32 to index
              %swap3A_429 = arith.constant 80 : index
              %swap3A_430 = tpu.vector_load %arg19[%swap3A_428, %swap3A_429] {strides = array<i32>} : memref<160x128xf32, #tpu.memory_space<vmem>>, vector<16xf32>,
              tpu.vector_store %arg19[%swap3A_428, %swap3A_429], %add3A_427 {strides = array<i32>} : memref<160x128xf32, #tpu.memory_space<vmem>>, vector<16xf32>,
              %get3A_431 = arith.index_cast %sub3A_175 : i32 to index
              %get3A_432 = arith.constant 80 : index
              %get3A_433 = tpu.vector_load %arg21[%get3A_431, %get3A_432] {strides = array<i32>} : memref<160x128xf32, #tpu.memory_space<vmem>>, vector<16xf32>,
              %add3A_434 = arith.addf %get3A_433, %get3A_402 : vector<16xf32>
              %swap3A_435 = arith.index_cast %sub3A_175 : i32 to index
              %swap3A_436 = arith.constant 80 : index
              %swap3A_437 = tpu.vector_load %arg21[%swap3A_435, %swap3A_436] {strides = array<i32>} : memref<160x128xf32, #tpu.memory_space<vmem>>, vector<16xf32>,
              tpu.vector_store %arg21[%swap3A_435, %swap3A_436], %add3A_434 {strides = array<i32>} : memref<160x128xf32, #tpu.memory_space<vmem>>, vector<16xf32>,
              %eq3A_438 = arith.constant 5 : i32
              %eq3A_439 = vector.broadcast %eq3A_438 : i32 to vector<16xi32>
              %eq3A_440 = arith.cmpi eq, %iota3A, %eq3A_439 : vector<16xi32>
              %select_n3A_441 = arith.select %eq3A_440, %exp3A_422, %select_n3A_396 : vector<16xi1>, vector<16xf32>
              %get3A_442 = arith.index_cast %scan3A_166 : i32 to index
              %get3A_443 = arith.constant 96 : index
              %get3A_444 = tpu.vector_load %arg16[%get3A_442, %get3A_443] {strides = array<i32>} : memref<64x128xf32, #tpu.memory_space<vmem>>, vector<16xf32>,
              %get3A_445 = arith.index_cast %scan3A_166 : i32 to index
              %get3A_446 = arith.constant 96 : index
              %get3A_447 = tpu.vector_load %arg18[%get3A_445, %get3A_446] {strides = array<i32>} : memref<64x128xf32, #tpu.memory_space<vmem>>, vector<16xf32>,
              %get3A_448 = arith.index_cast %scan3A_166 : i32 to index
              %get3A_449 = arith.constant 96 : index
              %get3A_450 = tpu.vector_load %arg17[%get3A_448, %get3A_449] {strides = array<i32>} : memref<64x128xf32, #tpu.memory_space<vmem>>, vector<16xf32>,
              %add3A_451 = arith.addf %get3A_444, %get3A_450 : vector<16xf32>
              %add3A_452 = arith.addf %add3A_451, %get3A_447 : vector<16xf32>
              %mul3A_453 = arith.constant 2.000000e-01 : f32
              %mul3A_454 = vector.broadcast %mul3A_453 : f32 to vector<16xf32>
              %mul3A_455 = arith.mulf %mul3A_454, %add3A_452 : vector<16xf32>
              %max3A_456 = arith.maximumf %add3A_452, %mul3A_455 : vector<16xf32>
              %get3A_457 = arith.constant 6 : i32
              %get3A_458 = arith.index_cast %get3A_457 : i32 to index
              %get3A_459 = arith.constant 0 : index
              %get3A_460 = tpu.vector_load %arg22[%get3A_458, %get3A_459] {strides = array<i32>} : memref<8x16xf32, #tpu.memory_space<vmem>>, vector<16xf32>,
              %mul3A_461 = arith.mulf %max3A_456, %get3A_460 : vector<16xf32>
              %reduce_sum3A_462 = arith.constant true
              %reduce_sum3A_463 = vector.broadcast %reduce_sum3A_462 : i1 to vector<16xi1>
              %reduce_sum3A_464 = tpu.scan <sum>, %mul3A_461 masked %reduce_sum3A_463 : vector<16xf32>, vector<16xi1> -> vector<16xf32>
              %reduce_sum3A_465 = vector.extract %reduce_sum3A_464[15] : f32 from vector<16xf32>
              %broadcast_in_dim3A_466 = vector.broadcast %reduce_sum3A_465 : f32 to vector<16xf32>
              %exp3A_467 = math.exp %broadcast_in_dim3A_466 : vector<16xf32>
              %get3A_468 = arith.index_cast %sub3A_175 : i32 to index
              %get3A_469 = arith.constant 96 : index
              %get3A_470 = tpu.vector_load %arg19[%get3A_468, %get3A_469] {strides = array<i32>} : memref<160x128xf32, #tpu.memory_space<vmem>>, vector<16xf32>,
              %mul3A_471 = arith.mulf %get3A_444, %exp3A_467 : vector<16xf32>
              %add3A_472 = arith.addf %get3A_470, %mul3A_471 : vector<16xf32>
              %swap3A_473 = arith.index_cast %sub3A_175 : i32 to index
              %swap3A_474 = arith.constant 96 : index
              %swap3A_475 = tpu.vector_load %arg19[%swap3A_473, %swap3A_474] {strides = array<i32>} : memref<160x128xf32, #tpu.memory_space<vmem>>, vector<16xf32>,
              tpu.vector_store %arg19[%swap3A_473, %swap3A_474], %add3A_472 {strides = array<i32>} : memref<160x128xf32, #tpu.memory_space<vmem>>, vector<16xf32>,
              %get3A_476 = arith.index_cast %sub3A_175 : i32 to index
              %get3A_477 = arith.constant 96 : index
              %get3A_478 = tpu.vector_load %arg21[%get3A_476, %get3A_477] {strides = array<i32>} : memref<160x128xf32, #tpu.memory_space<vmem>>, vector<16xf32>,
              %add3A_479 = arith.addf %get3A_478, %get3A_447 : vector<16xf32>
              %swap3A_480 = arith.index_cast %sub3A_175 : i32 to index
              %swap3A_481 = arith.constant 96 : index
              %swap3A_482 = tpu.vector_load %arg21[%swap3A_480, %swap3A_481] {strides = array<i32>} : memref<160x128xf32, #tpu.memory_space<vmem>>, vector<16xf32>,
              tpu.vector_store %arg21[%swap3A_480, %swap3A_481], %add3A_479 {strides = array<i32>} : memref<160x128xf32, #tpu.memory_space<vmem>>, vector<16xf32>,
              %eq3A_483 = arith.constant 6 : i32
              %eq3A_484 = vector.broadcast %eq3A_483 : i32 to vector<16xi32>
              %eq3A_485 = arith.cmpi eq, %iota3A, %eq3A_484 : vector<16xi32>
              %select_n3A_486 = arith.select %eq3A_485, %exp3A_467, %select_n3A_441 : vector<16xi1>, vector<16xf32>
              %get3A_487 = arith.index_cast %scan3A_166 : i32 to index
              %get3A_488 = arith.constant 112 : index
              %get3A_489 = tpu.vector_load %arg16[%get3A_487, %get3A_488] {strides = array<i32>} : memref<64x128xf32, #tpu.memory_space<vmem>>, vector<16xf32>,
              %get3A_490 = arith.index_cast %scan3A_166 : i32 to index
              %get3A_491 = arith.constant 112 : index
              %get3A_492 = tpu.vector_load %arg18[%get3A_490, %get3A_491] {strides = array<i32>} : memref<64x128xf32, #tpu.memory_space<vmem>>, vector<16xf32>,
              %get3A_493 = arith.index_cast %scan3A_166 : i32 to index
              %get3A_494 = arith.constant 112 : index
              %get3A_495 = tpu.vector_load %arg17[%get3A_493, %get3A_494] {strides = array<i32>} : memref<64x128xf32, #tpu.memory_space<vmem>>, vector<16xf32>,
              %add3A_496 = arith.addf %get3A_489, %get3A_495 : vector<16xf32>
              %add3A_497 = arith.addf %add3A_496, %get3A_492 : vector<16xf32>
              %mul3A_498 = arith.constant 2.000000e-01 : f32
              %mul3A_499 = vector.broadcast %mul3A_498 : f32 to vector<16xf32>
              %mul3A_500 = arith.mulf %mul3A_499, %add3A_497 : vector<16xf32>
              %max3A_501 = arith.maximumf %add3A_497, %mul3A_500 : vector<16xf32>
              %get3A_502 = arith.constant 7 : i32
              %get3A_503 = arith.index_cast %get3A_502 : i32 to index
              %get3A_504 = arith.constant 0 : index
              %get3A_505 = tpu.vector_load %arg22[%get3A_503, %get3A_504] {strides = array<i32>} : memref<8x16xf32, #tpu.memory_space<vmem>>, vector<16xf32>,
              %mul3A_506 = arith.mulf %max3A_501, %get3A_505 : vector<16xf32>
              %reduce_sum3A_507 = arith.constant true
              %reduce_sum3A_508 = vector.broadcast %reduce_sum3A_507 : i1 to vector<16xi1>
              %reduce_sum3A_509 = tpu.scan <sum>, %mul3A_506 masked %reduce_sum3A_508 : vector<16xf32>, vector<16xi1> -> vector<16xf32>
              %reduce_sum3A_510 = vector.extract %reduce_sum3A_509[15] : f32 from vector<16xf32>
              %broadcast_in_dim3A_511 = vector.broadcast %reduce_sum3A_510 : f32 to vector<16xf32>
              %exp3A_512 = math.exp %broadcast_in_dim3A_511 : vector<16xf32>
              %get3A_513 = arith.index_cast %sub3A_175 : i32 to index
              %get3A_514 = arith.constant 112 : index
              %get3A_515 = tpu.vector_load %arg19[%get3A_513, %get3A_514] {strides = array<i32>} : memref<160x128xf32, #tpu.memory_space<vmem>>, vector<16xf32>,
              %mul3A_516 = arith.mulf %get3A_489, %exp3A_512 : vector<16xf32>
              %add3A_517 = arith.addf %get3A_515, %mul3A_516 : vector<16xf32>
              %swap3A_518 = arith.index_cast %sub3A_175 : i32 to index
              %swap3A_519 = arith.constant 112 : index
              %swap3A_520 = tpu.vector_load %arg19[%swap3A_518, %swap3A_519] {strides = array<i32>} : memref<160x128xf32, #tpu.memory_space<vmem>>, vector<16xf32>,
              tpu.vector_store %arg19[%swap3A_518, %swap3A_519], %add3A_517 {strides = array<i32>} : memref<160x128xf32, #tpu.memory_space<vmem>>, vector<16xf32>,
              %get3A_521 = arith.index_cast %sub3A_175 : i32 to index
              %get3A_522 = arith.constant 112 : index
              %get3A_523 = tpu.vector_load %arg21[%get3A_521, %get3A_522] {strides = array<i32>} : memref<160x128xf32, #tpu.memory_space<vmem>>, vector<16xf32>,
              %add3A_524 = arith.addf %get3A_523, %get3A_492 : vector<16xf32>
              %swap3A_525 = arith.index_cast %sub3A_175 : i32 to index
              %swap3A_526 = arith.constant 112 : index
              %swap3A_527 = tpu.vector_load %arg21[%swap3A_525, %swap3A_526] {strides = array<i32>} : memref<160x128xf32, #tpu.memory_space<vmem>>, vector<16xf32>,
              tpu.vector_store %arg21[%swap3A_525, %swap3A_526], %add3A_524 {strides = array<i32>} : memref<160x128xf32, #tpu.memory_space<vmem>>, vector<16xf32>,
              %eq3A_528 = arith.constant 7 : i32
              %eq3A_529 = vector.broadcast %eq3A_528 : i32 to vector<16xi32>
              %eq3A_530 = arith.cmpi eq, %iota3A, %eq3A_529 : vector<16xi32>
              %select_n3A_531 = arith.select %eq3A_530, %exp3A_512, %select_n3A_486 : vector<16xi1>, vector<16xf32>
              %get3A_532 = arith.index_cast %sub3A_175 : i32 to index
              %get3A_533 = arith.constant 0 : index
              %get3A_534 = tpu.vector_load %arg20[%get3A_532, %get3A_533] {strides = array<i32>} : memref<160x16xf32, #tpu.memory_space<vmem>>, vector<16xf32>,
              %add3A_535 = arith.addf %get3A_534, %select_n3A_531 : vector<16xf32>
              %swap3A_536 = arith.index_cast %sub3A_175 : i32 to index
              %swap3A_537 = arith.constant 0 : index
              %swap3A_538 = tpu.vector_load %arg20[%swap3A_536, %swap3A_537] {strides = array<i32>} : memref<160x16xf32, #tpu.memory_space<vmem>>, vector<16xf32>,
              tpu.vector_store %arg20[%swap3A_536, %swap3A_537], %add3A_535 {strides = array<i32>} : memref<160x16xf32, #tpu.memory_space<vmem>>, vector<16xf32>,
            } else {
            }
          }
          %scan3A_153 = arith.constant 64 : i32
          %get3A_154 = arith.constant 64 : index
          %get3A_155 = tpu.vector_load %arg13[%get3A_154] {strides = array<i32>} : memref<96xi32, #tpu.memory_space<vmem>>, vector<16xi32>,
          %swap3A_156 = arith.constant 0 : index
          %swap3A_157 = tpu.vector_load %arg13[%swap3A_156] {strides = array<i32>} : memref<96xi32, #tpu.memory_space<vmem>>, vector<16xi32>,
          tpu.vector_store %arg13[%swap3A_156], %get3A_155 {strides = array<i32>} : memref<96xi32, #tpu.memory_space<vmem>>, vector<16xi32>,
          %get3A_158 = arith.constant 64 : index
          %get3A_159 = tpu.vector_load %arg14[%get3A_158] {strides = array<i32>} : memref<96xi32, #tpu.memory_space<vmem>>, vector<16xi32>,
          %swap3A_160 = arith.constant 0 : index
          %swap3A_161 = tpu.vector_load %arg14[%swap3A_160] {strides = array<i32>} : memref<96xi32, #tpu.memory_space<vmem>>, vector<16xi32>,
          tpu.vector_store %arg14[%swap3A_160], %get3A_159 {strides = array<i32>} : memref<96xi32, #tpu.memory_space<vmem>>, vector<16xi32>,
          %get3A_162 = arith.constant 64 : index
          %get3A_163 = tpu.vector_load %arg15[%get3A_162] {strides = array<i32>} : memref<96xi32, #tpu.memory_space<vmem>>, vector<16xi32>,
          %swap3A_164 = arith.constant 0 : index
          %swap3A_165 = tpu.vector_load %arg15[%swap3A_164] {strides = array<i32>} : memref<96xi32, #tpu.memory_space<vmem>>, vector<16xi32>,
          tpu.vector_store %arg15[%swap3A_164], %get3A_163 {strides = array<i32>} : memref<96xi32, #tpu.memory_space<vmem>>, vector<16xi32>,
        } else {
        }
        %sub3A = arith.constant 64 : i32
        %sub3A_117 = arith.subi %add3A_111, %sub3A : i32
        %select_n3A_118 = arith.select %ge3A_113, %sub3A_117, %add3A_111 : i32
        scf.yield %select_n3A_118 : i32
      }
      %scan3A_95 = arith.constant 400 : i32
      scf.yield %scan3A_94 : i32
    }
    %scan3A_80 = arith.constant 50 : i32
    %gt3A_81 = arith.constant 0 : i32
    %gt3A_82 = arith.cmpi sgt, %scan3A_79, %gt3A_81 : i32
    %convert_element_type3A_83 = arith.extui %gt3A_82 : i1 to i32
    %cond3A_84 = arith.constant 0 : i32
    %cond3A_85 = arith.cmpi ne, %convert_element_type3A_83, %cond3A_84 : i32
    scf.if %cond3A_85 {
      %dma_start3A = arith.constant 0 : i32
      %dma_start3A_86 = tpu.memref_slice %arg14[%dma_start3A] : memref<96xi32, #tpu.memory_space<vmem>> -> memref<64xi32, #tpu.memory_space<vmem>>
      %dma_start3A_87 = arith.constant 0 : i32
      %dma_start3A_88 = arith.constant 0 : i32
      %dma_start3A_89 = tpu.memref_slice %arg4[%dma_start3A_87, %dma_start3A_88] : memref<10000x128xf32, #tpu.memory_space<hbm>> -> memref<10000x128xf32, #tpu.memory_space<hbm>>
      tpu.enqueue_indirect_dma source(%dma_start3A_89 : memref<10000x128xf32, #tpu.memory_space<hbm>>) target(%arg16 : memref<64x128xf32, #tpu.memory_space<vmem>>) offsets(%dma_start3A_86 : memref<64xi32, #tpu.memory_space<vmem>>) semaphore(%arg23 : memref<!tpu.dma_semaphore, #tpu.memory_space<semaphore_mem>>)
      %dma_start3A_90 = arith.constant 0 : i32
      %dma_start3A_91 = tpu.memref_slice %arg13[%dma_start3A_90] : memref<96xi32, #tpu.memory_space<vmem>> -> memref<64xi32, #tpu.memory_space<vmem>>
      %dma_start3A_92 = arith.constant 0 : i32
      %dma_start3A_93 = arith.constant 0 : i32
      %dma_start3A_94 = tpu.memref_slice %arg5[%dma_start3A_92, %dma_start3A_93] : memref<10000x128xf32, #tpu.memory_space<hbm>> -> memref<10000x128xf32, #tpu.memory_space<hbm>>
      tpu.enqueue_indirect_dma source(%dma_start3A_94 : memref<10000x128xf32, #tpu.memory_space<hbm>>) target(%arg17 : memref<64x128xf32, #tpu.memory_space<vmem>>) offsets(%dma_start3A_91 : memref<64xi32, #tpu.memory_space<vmem>>) semaphore(%arg23 : memref<!tpu.dma_semaphore, #tpu.memory_space<semaphore_mem>>)
      %dma_start3A_95 = arith.constant 0 : i32
      %dma_start3A_96 = tpu.memref_slice %arg15[%dma_start3A_95] : memref<96xi32, #tpu.memory_space<vmem>> -> memref<64xi32, #tpu.memory_space<vmem>>
      %dma_start3A_97 = arith.constant 0 : i32
      %dma_start3A_98 = arith.constant 0 : i32
      %dma_start3A_99 = tpu.memref_slice %arg6[%dma_start3A_97, %dma_start3A_98] : memref<320000x128xf32, #tpu.memory_space<hbm>> -> memref<320000x128xf32, #tpu.memory_space<hbm>>
      tpu.enqueue_indirect_dma source(%dma_start3A_99 : memref<320000x128xf32, #tpu.memory_space<hbm>>) target(%arg18 : memref<64x128xf32, #tpu.memory_space<vmem>>) offsets(%dma_start3A_96 : memref<64xi32, #tpu.memory_space<vmem>>) semaphore(%arg23 : memref<!tpu.dma_semaphore, #tpu.memory_space<semaphore_mem>>)
      %dma_wait3A = arith.constant 0 : i32
      %dma_wait3A_100 = tpu.memref_slice %arg14[%dma_wait3A] : memref<96xi32, #tpu.memory_space<vmem>> -> memref<64xi32, #tpu.memory_space<vmem>>
      %dma_wait3A_101 = arith.constant 0 : i32
      %dma_wait3A_102 = arith.constant 0 : i32
      %dma_wait3A_103 = tpu.memref_slice %arg4[%dma_wait3A_101, %dma_wait3A_102] : memref<10000x128xf32, #tpu.memory_space<hbm>> -> memref<10000x128xf32, #tpu.memory_space<hbm>>
      tpu.wait_indirect_dma semaphore(%arg23 : memref<!tpu.dma_semaphore, #tpu.memory_space<semaphore_mem>>) src(%dma_wait3A_103 : memref<10000x128xf32, #tpu.memory_space<hbm>>) dst(%arg16 : memref<64x128xf32, #tpu.memory_space<vmem>>)
      %dma_wait3A_104 = arith.constant 0 : i32
      %dma_wait3A_105 = tpu.memref_slice %arg13[%dma_wait3A_104] : memref<96xi32, #tpu.memory_space<vmem>> -> memref<64xi32, #tpu.memory_space<vmem>>
      %dma_wait3A_106 = arith.constant 0 : i32
      %dma_wait3A_107 = arith.constant 0 : i32
      %dma_wait3A_108 = tpu.memref_slice %arg5[%dma_wait3A_106, %dma_wait3A_107] : memref<10000x128xf32, #tpu.memory_space<hbm>> -> memref<10000x128xf32, #tpu.memory_space<hbm>>
      tpu.wait_indirect_dma semaphore(%arg23 : memref<!tpu.dma_semaphore, #tpu.memory_space<semaphore_mem>>) src(%dma_wait3A_108 : memref<10000x128xf32, #tpu.memory_space<hbm>>) dst(%arg17 : memref<64x128xf32, #tpu.memory_space<vmem>>)
      %dma_wait3A_109 = arith.constant 0 : i32
      %dma_wait3A_110 = tpu.memref_slice %arg15[%dma_wait3A_109] : memref<96xi32, #tpu.memory_space<vmem>> -> memref<64xi32, #tpu.memory_space<vmem>>
      %dma_wait3A_111 = arith.constant 0 : i32
      %dma_wait3A_112 = arith.constant 0 : i32
      %dma_wait3A_113 = tpu.memref_slice %arg6[%dma_wait3A_111, %dma_wait3A_112] : memref<320000x128xf32, #tpu.memory_space<hbm>> -> memref<320000x128xf32, #tpu.memory_space<hbm>>
      tpu.wait_indirect_dma semaphore(%arg23 : memref<!tpu.dma_semaphore, #tpu.memory_space<semaphore_mem>>) src(%dma_wait3A_113 : memref<320000x128xf32, #tpu.memory_space<hbm>>) dst(%arg18 : memref<64x128xf32, #tpu.memory_space<vmem>>)
      %scan3A_114 = arith.constant 0 : i32
      %scan3A_115 = arith.constant 0 : i32
      %scan3A_116 = arith.constant 64 : i32
      %scan3A_117 = arith.addi %scan3A_115, %scan3A_116 : i32
      %scan3A_118 = arith.constant 1 : i32
      scf.for %scan3A_120 = %scan3A_115 to %scan3A_117 step %scan3A_118  : i32 {
        %lt3A = arith.cmpi slt, %scan3A_120, %scan3A_79 : i32
        %convert_element_type3A_121 = arith.extui %lt3A : i1 to i32
        %cond3A_122 = arith.constant 0 : i32
        %cond3A_123 = arith.cmpi ne, %convert_element_type3A_121, %cond3A_122 : i32
        scf.if %cond3A_123 {
          %get3A = arith.index_cast %scan3A_120 : i32 to index
          %get3A_124 = tpu.vector_load %arg13[%get3A] {strides = array<i32>} : memref<96xi32, #tpu.memory_space<vmem>>, vector<16xi32>,
          %slice3A = vector.extract_strided_slice %get3A_124 {offsets = [0], sizes = [1], strides = [1]} : vector<16xi32> to vector<1xi32>
          %squeeze3A = vector.extract %slice3A[0] : i32 from vector<1xi32>
          %sub3A = arith.subi %squeeze3A, %add3A_67 : i32
          %get3A_125 = arith.index_cast %scan3A_120 : i32 to index
          %get3A_126 = arith.constant 0 : index
          %get3A_127 = tpu.vector_load %arg16[%get3A_125, %get3A_126] {strides = array<i32>} : memref<64x128xf32, #tpu.memory_space<vmem>>, vector<16xf32>,
          %get3A_128 = arith.index_cast %scan3A_120 : i32 to index
          %get3A_129 = arith.constant 0 : index
          %get3A_130 = tpu.vector_load %arg18[%get3A_128, %get3A_129] {strides = array<i32>} : memref<64x128xf32, #tpu.memory_space<vmem>>, vector<16xf32>,
          %get3A_131 = arith.index_cast %scan3A_120 : i32 to index
          %get3A_132 = arith.constant 0 : index
          %get3A_133 = tpu.vector_load %arg17[%get3A_131, %get3A_132] {strides = array<i32>} : memref<64x128xf32, #tpu.memory_space<vmem>>, vector<16xf32>,
          %add3A_134 = arith.addf %get3A_127, %get3A_133 : vector<16xf32>
          %add3A_135 = arith.addf %add3A_134, %get3A_130 : vector<16xf32>
          %mul3A_136 = arith.constant 2.000000e-01 : f32
          %mul3A_137 = vector.broadcast %mul3A_136 : f32 to vector<16xf32>
          %mul3A_138 = arith.mulf %mul3A_137, %add3A_135 : vector<16xf32>
          %max3A = arith.maximumf %add3A_135, %mul3A_138 : vector<16xf32>
          %get3A_139 = arith.constant 0 : i32
          %get3A_140 = arith.index_cast %get3A_139 : i32 to index
          %get3A_141 = arith.constant 0 : index
          %get3A_142 = tpu.vector_load %arg22[%get3A_140, %get3A_141] {strides = array<i32>} : memref<8x16xf32, #tpu.memory_space<vmem>>, vector<16xf32>,
          %mul3A_143 = arith.mulf %max3A, %get3A_142 : vector<16xf32>
          %reduce_sum3A = arith.constant true
          %reduce_sum3A_144 = vector.broadcast %reduce_sum3A : i1 to vector<16xi1>
          %reduce_sum3A_145 = tpu.scan <sum>, %mul3A_143 masked %reduce_sum3A_144 : vector<16xf32>, vector<16xi1> -> vector<16xf32>
          %reduce_sum3A_146 = vector.extract %reduce_sum3A_145[15] : f32 from vector<16xf32>
          %broadcast_in_dim3A_147 = vector.broadcast %reduce_sum3A_146 : f32 to vector<16xf32>
          %exp3A = math.exp %broadcast_in_dim3A_147 : vector<16xf32>
          %get3A_148 = arith.index_cast %sub3A : i32 to index
          %get3A_149 = arith.constant 0 : index
          %get3A_150 = tpu.vector_load %arg19[%get3A_148, %get3A_149] {strides = array<i32>} : memref<160x128xf32, #tpu.memory_space<vmem>>, vector<16xf32>,
          %mul3A_151 = arith.mulf %get3A_127, %exp3A : vector<16xf32>
          %add3A_152 = arith.addf %get3A_150, %mul3A_151 : vector<16xf32>
          %swap3A_153 = arith.index_cast %sub3A : i32 to index
          %swap3A_154 = arith.constant 0 : index
          %swap3A_155 = tpu.vector_load %arg19[%swap3A_153, %swap3A_154] {strides = array<i32>} : memref<160x128xf32, #tpu.memory_space<vmem>>, vector<16xf32>,
          tpu.vector_store %arg19[%swap3A_153, %swap3A_154], %add3A_152 {strides = array<i32>} : memref<160x128xf32, #tpu.memory_space<vmem>>, vector<16xf32>,
          %get3A_156 = arith.index_cast %sub3A : i32 to index
          %get3A_157 = arith.constant 0 : index
          %get3A_158 = tpu.vector_load %arg21[%get3A_156, %get3A_157] {strides = array<i32>} : memref<160x128xf32, #tpu.memory_space<vmem>>, vector<16xf32>,
          %add3A_159 = arith.addf %get3A_158, %get3A_130 : vector<16xf32>
          %swap3A_160 = arith.index_cast %sub3A : i32 to index
          %swap3A_161 = arith.constant 0 : index
          %swap3A_162 = tpu.vector_load %arg21[%swap3A_160, %swap3A_161] {strides = array<i32>} : memref<160x128xf32, #tpu.memory_space<vmem>>, vector<16xf32>,
          tpu.vector_store %arg21[%swap3A_160, %swap3A_161], %add3A_159 {strides = array<i32>} : memref<160x128xf32, #tpu.memory_space<vmem>>, vector<16xf32>,
          %eq3A = arith.constant 0 : i32
          %eq3A_163 = vector.broadcast %eq3A : i32 to vector<16xi32>
          %eq3A_164 = arith.cmpi eq, %iota3A, %eq3A_163 : vector<16xi32>
          %select_n3A_165 = arith.select %eq3A_164, %exp3A, %select_n3A : vector<16xi1>, vector<16xf32>
          %get3A_166 = arith.index_cast %scan3A_120 : i32 to index
          %get3A_167 = arith.constant 16 : index
          %get3A_168 = tpu.vector_load %arg16[%get3A_166, %get3A_167] {strides = array<i32>} : memref<64x128xf32, #tpu.memory_space<vmem>>, vector<16xf32>,
          %get3A_169 = arith.index_cast %scan3A_120 : i32 to index
          %get3A_170 = arith.constant 16 : index
          %get3A_171 = tpu.vector_load %arg18[%get3A_169, %get3A_170] {strides = array<i32>} : memref<64x128xf32, #tpu.memory_space<vmem>>, vector<16xf32>,
          %get3A_172 = arith.index_cast %scan3A_120 : i32 to index
          %get3A_173 = arith.constant 16 : index
          %get3A_174 = tpu.vector_load %arg17[%get3A_172, %get3A_173] {strides = array<i32>} : memref<64x128xf32, #tpu.memory_space<vmem>>, vector<16xf32>,
          %add3A_175 = arith.addf %get3A_168, %get3A_174 : vector<16xf32>
          %add3A_176 = arith.addf %add3A_175, %get3A_171 : vector<16xf32>
          %mul3A_177 = arith.constant 2.000000e-01 : f32
          %mul3A_178 = vector.broadcast %mul3A_177 : f32 to vector<16xf32>
          %mul3A_179 = arith.mulf %mul3A_178, %add3A_176 : vector<16xf32>
          %max3A_180 = arith.maximumf %add3A_176, %mul3A_179 : vector<16xf32>
          %get3A_181 = arith.constant 1 : i32
          %get3A_182 = arith.index_cast %get3A_181 : i32 to index
          %get3A_183 = arith.constant 0 : index
          %get3A_184 = tpu.vector_load %arg22[%get3A_182, %get3A_183] {strides = array<i32>} : memref<8x16xf32, #tpu.memory_space<vmem>>, vector<16xf32>,
          %mul3A_185 = arith.mulf %max3A_180, %get3A_184 : vector<16xf32>
          %reduce_sum3A_186 = arith.constant true
          %reduce_sum3A_187 = vector.broadcast %reduce_sum3A_186 : i1 to vector<16xi1>
          %reduce_sum3A_188 = tpu.scan <sum>, %mul3A_185 masked %reduce_sum3A_187 : vector<16xf32>, vector<16xi1> -> vector<16xf32>
          %reduce_sum3A_189 = vector.extract %reduce_sum3A_188[15] : f32 from vector<16xf32>
          %broadcast_in_dim3A_190 = vector.broadcast %reduce_sum3A_189 : f32 to vector<16xf32>
          %exp3A_191 = math.exp %broadcast_in_dim3A_190 : vector<16xf32>
          %get3A_192 = arith.index_cast %sub3A : i32 to index
          %get3A_193 = arith.constant 16 : index
          %get3A_194 = tpu.vector_load %arg19[%get3A_192, %get3A_193] {strides = array<i32>} : memref<160x128xf32, #tpu.memory_space<vmem>>, vector<16xf32>,
          %mul3A_195 = arith.mulf %get3A_168, %exp3A_191 : vector<16xf32>
          %add3A_196 = arith.addf %get3A_194, %mul3A_195 : vector<16xf32>
          %swap3A_197 = arith.index_cast %sub3A : i32 to index
          %swap3A_198 = arith.constant 16 : index
          %swap3A_199 = tpu.vector_load %arg19[%swap3A_197, %swap3A_198] {strides = array<i32>} : memref<160x128xf32, #tpu.memory_space<vmem>>, vector<16xf32>,
          tpu.vector_store %arg19[%swap3A_197, %swap3A_198], %add3A_196 {strides = array<i32>} : memref<160x128xf32, #tpu.memory_space<vmem>>, vector<16xf32>,
          %get3A_200 = arith.index_cast %sub3A : i32 to index
          %get3A_201 = arith.constant 16 : index
          %get3A_202 = tpu.vector_load %arg21[%get3A_200, %get3A_201] {strides = array<i32>} : memref<160x128xf32, #tpu.memory_space<vmem>>, vector<16xf32>,
          %add3A_203 = arith.addf %get3A_202, %get3A_171 : vector<16xf32>
          %swap3A_204 = arith.index_cast %sub3A : i32 to index
          %swap3A_205 = arith.constant 16 : index
          %swap3A_206 = tpu.vector_load %arg21[%swap3A_204, %swap3A_205] {strides = array<i32>} : memref<160x128xf32, #tpu.memory_space<vmem>>, vector<16xf32>,
          tpu.vector_store %arg21[%swap3A_204, %swap3A_205], %add3A_203 {strides = array<i32>} : memref<160x128xf32, #tpu.memory_space<vmem>>, vector<16xf32>,
          %eq3A_207 = arith.constant 1 : i32
          %eq3A_208 = vector.broadcast %eq3A_207 : i32 to vector<16xi32>
          %eq3A_209 = arith.cmpi eq, %iota3A, %eq3A_208 : vector<16xi32>
          %select_n3A_210 = arith.select %eq3A_209, %exp3A_191, %select_n3A_165 : vector<16xi1>, vector<16xf32>
          %get3A_211 = arith.index_cast %scan3A_120 : i32 to index
          %get3A_212 = arith.constant 32 : index
          %get3A_213 = tpu.vector_load %arg16[%get3A_211, %get3A_212] {strides = array<i32>} : memref<64x128xf32, #tpu.memory_space<vmem>>, vector<16xf32>,
          %get3A_214 = arith.index_cast %scan3A_120 : i32 to index
          %get3A_215 = arith.constant 32 : index
          %get3A_216 = tpu.vector_load %arg18[%get3A_214, %get3A_215] {strides = array<i32>} : memref<64x128xf32, #tpu.memory_space<vmem>>, vector<16xf32>,
          %get3A_217 = arith.index_cast %scan3A_120 : i32 to index
          %get3A_218 = arith.constant 32 : index
          %get3A_219 = tpu.vector_load %arg17[%get3A_217, %get3A_218] {strides = array<i32>} : memref<64x128xf32, #tpu.memory_space<vmem>>, vector<16xf32>,
          %add3A_220 = arith.addf %get3A_213, %get3A_219 : vector<16xf32>
          %add3A_221 = arith.addf %add3A_220, %get3A_216 : vector<16xf32>
          %mul3A_222 = arith.constant 2.000000e-01 : f32
          %mul3A_223 = vector.broadcast %mul3A_222 : f32 to vector<16xf32>
          %mul3A_224 = arith.mulf %mul3A_223, %add3A_221 : vector<16xf32>
          %max3A_225 = arith.maximumf %add3A_221, %mul3A_224 : vector<16xf32>
          %get3A_226 = arith.constant 2 : i32
          %get3A_227 = arith.index_cast %get3A_226 : i32 to index
          %get3A_228 = arith.constant 0 : index
          %get3A_229 = tpu.vector_load %arg22[%get3A_227, %get3A_228] {strides = array<i32>} : memref<8x16xf32, #tpu.memory_space<vmem>>, vector<16xf32>,
          %mul3A_230 = arith.mulf %max3A_225, %get3A_229 : vector<16xf32>
          %reduce_sum3A_231 = arith.constant true
          %reduce_sum3A_232 = vector.broadcast %reduce_sum3A_231 : i1 to vector<16xi1>
          %reduce_sum3A_233 = tpu.scan <sum>, %mul3A_230 masked %reduce_sum3A_232 : vector<16xf32>, vector<16xi1> -> vector<16xf32>
          %reduce_sum3A_234 = vector.extract %reduce_sum3A_233[15] : f32 from vector<16xf32>
          %broadcast_in_dim3A_235 = vector.broadcast %reduce_sum3A_234 : f32 to vector<16xf32>
          %exp3A_236 = math.exp %broadcast_in_dim3A_235 : vector<16xf32>
          %get3A_237 = arith.index_cast %sub3A : i32 to index
          %get3A_238 = arith.constant 32 : index
          %get3A_239 = tpu.vector_load %arg19[%get3A_237, %get3A_238] {strides = array<i32>} : memref<160x128xf32, #tpu.memory_space<vmem>>, vector<16xf32>,
          %mul3A_240 = arith.mulf %get3A_213, %exp3A_236 : vector<16xf32>
          %add3A_241 = arith.addf %get3A_239, %mul3A_240 : vector<16xf32>
          %swap3A_242 = arith.index_cast %sub3A : i32 to index
          %swap3A_243 = arith.constant 32 : index
          %swap3A_244 = tpu.vector_load %arg19[%swap3A_242, %swap3A_243] {strides = array<i32>} : memref<160x128xf32, #tpu.memory_space<vmem>>, vector<16xf32>,
          tpu.vector_store %arg19[%swap3A_242, %swap3A_243], %add3A_241 {strides = array<i32>} : memref<160x128xf32, #tpu.memory_space<vmem>>, vector<16xf32>,
          %get3A_245 = arith.index_cast %sub3A : i32 to index
          %get3A_246 = arith.constant 32 : index
          %get3A_247 = tpu.vector_load %arg21[%get3A_245, %get3A_246] {strides = array<i32>} : memref<160x128xf32, #tpu.memory_space<vmem>>, vector<16xf32>,
          %add3A_248 = arith.addf %get3A_247, %get3A_216 : vector<16xf32>
          %swap3A_249 = arith.index_cast %sub3A : i32 to index
          %swap3A_250 = arith.constant 32 : index
          %swap3A_251 = tpu.vector_load %arg21[%swap3A_249, %swap3A_250] {strides = array<i32>} : memref<160x128xf32, #tpu.memory_space<vmem>>, vector<16xf32>,
          tpu.vector_store %arg21[%swap3A_249, %swap3A_250], %add3A_248 {strides = array<i32>} : memref<160x128xf32, #tpu.memory_space<vmem>>, vector<16xf32>,
          %eq3A_252 = arith.constant 2 : i32
          %eq3A_253 = vector.broadcast %eq3A_252 : i32 to vector<16xi32>
          %eq3A_254 = arith.cmpi eq, %iota3A, %eq3A_253 : vector<16xi32>
          %select_n3A_255 = arith.select %eq3A_254, %exp3A_236, %select_n3A_210 : vector<16xi1>, vector<16xf32>
          %get3A_256 = arith.index_cast %scan3A_120 : i32 to index
          %get3A_257 = arith.constant 48 : index
          %get3A_258 = tpu.vector_load %arg16[%get3A_256, %get3A_257] {strides = array<i32>} : memref<64x128xf32, #tpu.memory_space<vmem>>, vector<16xf32>,
          %get3A_259 = arith.index_cast %scan3A_120 : i32 to index
          %get3A_260 = arith.constant 48 : index
          %get3A_261 = tpu.vector_load %arg18[%get3A_259, %get3A_260] {strides = array<i32>} : memref<64x128xf32, #tpu.memory_space<vmem>>, vector<16xf32>,
          %get3A_262 = arith.index_cast %scan3A_120 : i32 to index
          %get3A_263 = arith.constant 48 : index
          %get3A_264 = tpu.vector_load %arg17[%get3A_262, %get3A_263] {strides = array<i32>} : memref<64x128xf32, #tpu.memory_space<vmem>>, vector<16xf32>,
          %add3A_265 = arith.addf %get3A_258, %get3A_264 : vector<16xf32>
          %add3A_266 = arith.addf %add3A_265, %get3A_261 : vector<16xf32>
          %mul3A_267 = arith.constant 2.000000e-01 : f32
          %mul3A_268 = vector.broadcast %mul3A_267 : f32 to vector<16xf32>
          %mul3A_269 = arith.mulf %mul3A_268, %add3A_266 : vector<16xf32>
          %max3A_270 = arith.maximumf %add3A_266, %mul3A_269 : vector<16xf32>
          %get3A_271 = arith.constant 3 : i32
          %get3A_272 = arith.index_cast %get3A_271 : i32 to index
          %get3A_273 = arith.constant 0 : index
          %get3A_274 = tpu.vector_load %arg22[%get3A_272, %get3A_273] {strides = array<i32>} : memref<8x16xf32, #tpu.memory_space<vmem>>, vector<16xf32>,
          %mul3A_275 = arith.mulf %max3A_270, %get3A_274 : vector<16xf32>
          %reduce_sum3A_276 = arith.constant true
          %reduce_sum3A_277 = vector.broadcast %reduce_sum3A_276 : i1 to vector<16xi1>
          %reduce_sum3A_278 = tpu.scan <sum>, %mul3A_275 masked %reduce_sum3A_277 : vector<16xf32>, vector<16xi1> -> vector<16xf32>
          %reduce_sum3A_279 = vector.extract %reduce_sum3A_278[15] : f32 from vector<16xf32>
          %broadcast_in_dim3A_280 = vector.broadcast %reduce_sum3A_279 : f32 to vector<16xf32>
          %exp3A_281 = math.exp %broadcast_in_dim3A_280 : vector<16xf32>
          %get3A_282 = arith.index_cast %sub3A : i32 to index
          %get3A_283 = arith.constant 48 : index
          %get3A_284 = tpu.vector_load %arg19[%get3A_282, %get3A_283] {strides = array<i32>} : memref<160x128xf32, #tpu.memory_space<vmem>>, vector<16xf32>,
          %mul3A_285 = arith.mulf %get3A_258, %exp3A_281 : vector<16xf32>
          %add3A_286 = arith.addf %get3A_284, %mul3A_285 : vector<16xf32>
          %swap3A_287 = arith.index_cast %sub3A : i32 to index
          %swap3A_288 = arith.constant 48 : index
          %swap3A_289 = tpu.vector_load %arg19[%swap3A_287, %swap3A_288] {strides = array<i32>} : memref<160x128xf32, #tpu.memory_space<vmem>>, vector<16xf32>,
          tpu.vector_store %arg19[%swap3A_287, %swap3A_288], %add3A_286 {strides = array<i32>} : memref<160x128xf32, #tpu.memory_space<vmem>>, vector<16xf32>,
          %get3A_290 = arith.index_cast %sub3A : i32 to index
          %get3A_291 = arith.constant 48 : index
          %get3A_292 = tpu.vector_load %arg21[%get3A_290, %get3A_291] {strides = array<i32>} : memref<160x128xf32, #tpu.memory_space<vmem>>, vector<16xf32>,
          %add3A_293 = arith.addf %get3A_292, %get3A_261 : vector<16xf32>
          %swap3A_294 = arith.index_cast %sub3A : i32 to index
          %swap3A_295 = arith.constant 48 : index
          %swap3A_296 = tpu.vector_load %arg21[%swap3A_294, %swap3A_295] {strides = array<i32>} : memref<160x128xf32, #tpu.memory_space<vmem>>, vector<16xf32>,
          tpu.vector_store %arg21[%swap3A_294, %swap3A_295], %add3A_293 {strides = array<i32>} : memref<160x128xf32, #tpu.memory_space<vmem>>, vector<16xf32>,
          %eq3A_297 = arith.constant 3 : i32
          %eq3A_298 = vector.broadcast %eq3A_297 : i32 to vector<16xi32>
          %eq3A_299 = arith.cmpi eq, %iota3A, %eq3A_298 : vector<16xi32>
          %select_n3A_300 = arith.select %eq3A_299, %exp3A_281, %select_n3A_255 : vector<16xi1>, vector<16xf32>
          %get3A_301 = arith.index_cast %scan3A_120 : i32 to index
          %get3A_302 = arith.constant 64 : index
          %get3A_303 = tpu.vector_load %arg16[%get3A_301, %get3A_302] {strides = array<i32>} : memref<64x128xf32, #tpu.memory_space<vmem>>, vector<16xf32>,
          %get3A_304 = arith.index_cast %scan3A_120 : i32 to index
          %get3A_305 = arith.constant 64 : index
          %get3A_306 = tpu.vector_load %arg18[%get3A_304, %get3A_305] {strides = array<i32>} : memref<64x128xf32, #tpu.memory_space<vmem>>, vector<16xf32>,
          %get3A_307 = arith.index_cast %scan3A_120 : i32 to index
          %get3A_308 = arith.constant 64 : index
          %get3A_309 = tpu.vector_load %arg17[%get3A_307, %get3A_308] {strides = array<i32>} : memref<64x128xf32, #tpu.memory_space<vmem>>, vector<16xf32>,
          %add3A_310 = arith.addf %get3A_303, %get3A_309 : vector<16xf32>
          %add3A_311 = arith.addf %add3A_310, %get3A_306 : vector<16xf32>
          %mul3A_312 = arith.constant 2.000000e-01 : f32
          %mul3A_313 = vector.broadcast %mul3A_312 : f32 to vector<16xf32>
          %mul3A_314 = arith.mulf %mul3A_313, %add3A_311 : vector<16xf32>
          %max3A_315 = arith.maximumf %add3A_311, %mul3A_314 : vector<16xf32>
          %get3A_316 = arith.constant 4 : i32
          %get3A_317 = arith.index_cast %get3A_316 : i32 to index
          %get3A_318 = arith.constant 0 : index
          %get3A_319 = tpu.vector_load %arg22[%get3A_317, %get3A_318] {strides = array<i32>} : memref<8x16xf32, #tpu.memory_space<vmem>>, vector<16xf32>,
          %mul3A_320 = arith.mulf %max3A_315, %get3A_319 : vector<16xf32>
          %reduce_sum3A_321 = arith.constant true
          %reduce_sum3A_322 = vector.broadcast %reduce_sum3A_321 : i1 to vector<16xi1>
          %reduce_sum3A_323 = tpu.scan <sum>, %mul3A_320 masked %reduce_sum3A_322 : vector<16xf32>, vector<16xi1> -> vector<16xf32>
          %reduce_sum3A_324 = vector.extract %reduce_sum3A_323[15] : f32 from vector<16xf32>
          %broadcast_in_dim3A_325 = vector.broadcast %reduce_sum3A_324 : f32 to vector<16xf32>
          %exp3A_326 = math.exp %broadcast_in_dim3A_325 : vector<16xf32>
          %get3A_327 = arith.index_cast %sub3A : i32 to index
          %get3A_328 = arith.constant 64 : index
          %get3A_329 = tpu.vector_load %arg19[%get3A_327, %get3A_328] {strides = array<i32>} : memref<160x128xf32, #tpu.memory_space<vmem>>, vector<16xf32>,
          %mul3A_330 = arith.mulf %get3A_303, %exp3A_326 : vector<16xf32>
          %add3A_331 = arith.addf %get3A_329, %mul3A_330 : vector<16xf32>
          %swap3A_332 = arith.index_cast %sub3A : i32 to index
          %swap3A_333 = arith.constant 64 : index
          %swap3A_334 = tpu.vector_load %arg19[%swap3A_332, %swap3A_333] {strides = array<i32>} : memref<160x128xf32, #tpu.memory_space<vmem>>, vector<16xf32>,
          tpu.vector_store %arg19[%swap3A_332, %swap3A_333], %add3A_331 {strides = array<i32>} : memref<160x128xf32, #tpu.memory_space<vmem>>, vector<16xf32>,
          %get3A_335 = arith.index_cast %sub3A : i32 to index
          %get3A_336 = arith.constant 64 : index
          %get3A_337 = tpu.vector_load %arg21[%get3A_335, %get3A_336] {strides = array<i32>} : memref<160x128xf32, #tpu.memory_space<vmem>>, vector<16xf32>,
          %add3A_338 = arith.addf %get3A_337, %get3A_306 : vector<16xf32>
          %swap3A_339 = arith.index_cast %sub3A : i32 to index
          %swap3A_340 = arith.constant 64 : index
          %swap3A_341 = tpu.vector_load %arg21[%swap3A_339, %swap3A_340] {strides = array<i32>} : memref<160x128xf32, #tpu.memory_space<vmem>>, vector<16xf32>,
          tpu.vector_store %arg21[%swap3A_339, %swap3A_340], %add3A_338 {strides = array<i32>} : memref<160x128xf32, #tpu.memory_space<vmem>>, vector<16xf32>,
          %eq3A_342 = arith.constant 4 : i32
          %eq3A_343 = vector.broadcast %eq3A_342 : i32 to vector<16xi32>
          %eq3A_344 = arith.cmpi eq, %iota3A, %eq3A_343 : vector<16xi32>
          %select_n3A_345 = arith.select %eq3A_344, %exp3A_326, %select_n3A_300 : vector<16xi1>, vector<16xf32>
          %get3A_346 = arith.index_cast %scan3A_120 : i32 to index
          %get3A_347 = arith.constant 80 : index
          %get3A_348 = tpu.vector_load %arg16[%get3A_346, %get3A_347] {strides = array<i32>} : memref<64x128xf32, #tpu.memory_space<vmem>>, vector<16xf32>,
          %get3A_349 = arith.index_cast %scan3A_120 : i32 to index
          %get3A_350 = arith.constant 80 : index
          %get3A_351 = tpu.vector_load %arg18[%get3A_349, %get3A_350] {strides = array<i32>} : memref<64x128xf32, #tpu.memory_space<vmem>>, vector<16xf32>,
          %get3A_352 = arith.index_cast %scan3A_120 : i32 to index
          %get3A_353 = arith.constant 80 : index
          %get3A_354 = tpu.vector_load %arg17[%get3A_352, %get3A_353] {strides = array<i32>} : memref<64x128xf32, #tpu.memory_space<vmem>>, vector<16xf32>,
          %add3A_355 = arith.addf %get3A_348, %get3A_354 : vector<16xf32>
          %add3A_356 = arith.addf %add3A_355, %get3A_351 : vector<16xf32>
          %mul3A_357 = arith.constant 2.000000e-01 : f32
          %mul3A_358 = vector.broadcast %mul3A_357 : f32 to vector<16xf32>
          %mul3A_359 = arith.mulf %mul3A_358, %add3A_356 : vector<16xf32>
          %max3A_360 = arith.maximumf %add3A_356, %mul3A_359 : vector<16xf32>
          %get3A_361 = arith.constant 5 : i32
          %get3A_362 = arith.index_cast %get3A_361 : i32 to index
          %get3A_363 = arith.constant 0 : index
          %get3A_364 = tpu.vector_load %arg22[%get3A_362, %get3A_363] {strides = array<i32>} : memref<8x16xf32, #tpu.memory_space<vmem>>, vector<16xf32>,
          %mul3A_365 = arith.mulf %max3A_360, %get3A_364 : vector<16xf32>
          %reduce_sum3A_366 = arith.constant true
          %reduce_sum3A_367 = vector.broadcast %reduce_sum3A_366 : i1 to vector<16xi1>
          %reduce_sum3A_368 = tpu.scan <sum>, %mul3A_365 masked %reduce_sum3A_367 : vector<16xf32>, vector<16xi1> -> vector<16xf32>
          %reduce_sum3A_369 = vector.extract %reduce_sum3A_368[15] : f32 from vector<16xf32>
          %broadcast_in_dim3A_370 = vector.broadcast %reduce_sum3A_369 : f32 to vector<16xf32>
          %exp3A_371 = math.exp %broadcast_in_dim3A_370 : vector<16xf32>
          %get3A_372 = arith.index_cast %sub3A : i32 to index
          %get3A_373 = arith.constant 80 : index
          %get3A_374 = tpu.vector_load %arg19[%get3A_372, %get3A_373] {strides = array<i32>} : memref<160x128xf32, #tpu.memory_space<vmem>>, vector<16xf32>,
          %mul3A_375 = arith.mulf %get3A_348, %exp3A_371 : vector<16xf32>
          %add3A_376 = arith.addf %get3A_374, %mul3A_375 : vector<16xf32>
          %swap3A_377 = arith.index_cast %sub3A : i32 to index
          %swap3A_378 = arith.constant 80 : index
          %swap3A_379 = tpu.vector_load %arg19[%swap3A_377, %swap3A_378] {strides = array<i32>} : memref<160x128xf32, #tpu.memory_space<vmem>>, vector<16xf32>,
          tpu.vector_store %arg19[%swap3A_377, %swap3A_378], %add3A_376 {strides = array<i32>} : memref<160x128xf32, #tpu.memory_space<vmem>>, vector<16xf32>,
          %get3A_380 = arith.index_cast %sub3A : i32 to index
          %get3A_381 = arith.constant 80 : index
          %get3A_382 = tpu.vector_load %arg21[%get3A_380, %get3A_381] {strides = array<i32>} : memref<160x128xf32, #tpu.memory_space<vmem>>, vector<16xf32>,
          %add3A_383 = arith.addf %get3A_382, %get3A_351 : vector<16xf32>
          %swap3A_384 = arith.index_cast %sub3A : i32 to index
          %swap3A_385 = arith.constant 80 : index
          %swap3A_386 = tpu.vector_load %arg21[%swap3A_384, %swap3A_385] {strides = array<i32>} : memref<160x128xf32, #tpu.memory_space<vmem>>, vector<16xf32>,
          tpu.vector_store %arg21[%swap3A_384, %swap3A_385], %add3A_383 {strides = array<i32>} : memref<160x128xf32, #tpu.memory_space<vmem>>, vector<16xf32>,
          %eq3A_387 = arith.constant 5 : i32
          %eq3A_388 = vector.broadcast %eq3A_387 : i32 to vector<16xi32>
          %eq3A_389 = arith.cmpi eq, %iota3A, %eq3A_388 : vector<16xi32>
          %select_n3A_390 = arith.select %eq3A_389, %exp3A_371, %select_n3A_345 : vector<16xi1>, vector<16xf32>
          %get3A_391 = arith.index_cast %scan3A_120 : i32 to index
          %get3A_392 = arith.constant 96 : index
          %get3A_393 = tpu.vector_load %arg16[%get3A_391, %get3A_392] {strides = array<i32>} : memref<64x128xf32, #tpu.memory_space<vmem>>, vector<16xf32>,
          %get3A_394 = arith.index_cast %scan3A_120 : i32 to index
          %get3A_395 = arith.constant 96 : index
          %get3A_396 = tpu.vector_load %arg18[%get3A_394, %get3A_395] {strides = array<i32>} : memref<64x128xf32, #tpu.memory_space<vmem>>, vector<16xf32>,
          %get3A_397 = arith.index_cast %scan3A_120 : i32 to index
          %get3A_398 = arith.constant 96 : index
          %get3A_399 = tpu.vector_load %arg17[%get3A_397, %get3A_398] {strides = array<i32>} : memref<64x128xf32, #tpu.memory_space<vmem>>, vector<16xf32>,
          %add3A_400 = arith.addf %get3A_393, %get3A_399 : vector<16xf32>
          %add3A_401 = arith.addf %add3A_400, %get3A_396 : vector<16xf32>
          %mul3A_402 = arith.constant 2.000000e-01 : f32
          %mul3A_403 = vector.broadcast %mul3A_402 : f32 to vector<16xf32>
          %mul3A_404 = arith.mulf %mul3A_403, %add3A_401 : vector<16xf32>
          %max3A_405 = arith.maximumf %add3A_401, %mul3A_404 : vector<16xf32>
          %get3A_406 = arith.constant 6 : i32
          %get3A_407 = arith.index_cast %get3A_406 : i32 to index
          %get3A_408 = arith.constant 0 : index
          %get3A_409 = tpu.vector_load %arg22[%get3A_407, %get3A_408] {strides = array<i32>} : memref<8x16xf32, #tpu.memory_space<vmem>>, vector<16xf32>,
          %mul3A_410 = arith.mulf %max3A_405, %get3A_409 : vector<16xf32>
          %reduce_sum3A_411 = arith.constant true
          %reduce_sum3A_412 = vector.broadcast %reduce_sum3A_411 : i1 to vector<16xi1>
          %reduce_sum3A_413 = tpu.scan <sum>, %mul3A_410 masked %reduce_sum3A_412 : vector<16xf32>, vector<16xi1> -> vector<16xf32>
          %reduce_sum3A_414 = vector.extract %reduce_sum3A_413[15] : f32 from vector<16xf32>
          %broadcast_in_dim3A_415 = vector.broadcast %reduce_sum3A_414 : f32 to vector<16xf32>
          %exp3A_416 = math.exp %broadcast_in_dim3A_415 : vector<16xf32>
          %get3A_417 = arith.index_cast %sub3A : i32 to index
          %get3A_418 = arith.constant 96 : index
          %get3A_419 = tpu.vector_load %arg19[%get3A_417, %get3A_418] {strides = array<i32>} : memref<160x128xf32, #tpu.memory_space<vmem>>, vector<16xf32>,
          %mul3A_420 = arith.mulf %get3A_393, %exp3A_416 : vector<16xf32>
          %add3A_421 = arith.addf %get3A_419, %mul3A_420 : vector<16xf32>
          %swap3A_422 = arith.index_cast %sub3A : i32 to index
          %swap3A_423 = arith.constant 96 : index
          %swap3A_424 = tpu.vector_load %arg19[%swap3A_422, %swap3A_423] {strides = array<i32>} : memref<160x128xf32, #tpu.memory_space<vmem>>, vector<16xf32>,
          tpu.vector_store %arg19[%swap3A_422, %swap3A_423], %add3A_421 {strides = array<i32>} : memref<160x128xf32, #tpu.memory_space<vmem>>, vector<16xf32>,
          %get3A_425 = arith.index_cast %sub3A : i32 to index
          %get3A_426 = arith.constant 96 : index
          %get3A_427 = tpu.vector_load %arg21[%get3A_425, %get3A_426] {strides = array<i32>} : memref<160x128xf32, #tpu.memory_space<vmem>>, vector<16xf32>,
          %add3A_428 = arith.addf %get3A_427, %get3A_396 : vector<16xf32>
          %swap3A_429 = arith.index_cast %sub3A : i32 to index
          %swap3A_430 = arith.constant 96 : index
          %swap3A_431 = tpu.vector_load %arg21[%swap3A_429, %swap3A_430] {strides = array<i32>} : memref<160x128xf32, #tpu.memory_space<vmem>>, vector<16xf32>,
          tpu.vector_store %arg21[%swap3A_429, %swap3A_430], %add3A_428 {strides = array<i32>} : memref<160x128xf32, #tpu.memory_space<vmem>>, vector<16xf32>,
          %eq3A_432 = arith.constant 6 : i32
          %eq3A_433 = vector.broadcast %eq3A_432 : i32 to vector<16xi32>
          %eq3A_434 = arith.cmpi eq, %iota3A, %eq3A_433 : vector<16xi32>
          %select_n3A_435 = arith.select %eq3A_434, %exp3A_416, %select_n3A_390 : vector<16xi1>, vector<16xf32>
          %get3A_436 = arith.index_cast %scan3A_120 : i32 to index
          %get3A_437 = arith.constant 112 : index
          %get3A_438 = tpu.vector_load %arg16[%get3A_436, %get3A_437] {strides = array<i32>} : memref<64x128xf32, #tpu.memory_space<vmem>>, vector<16xf32>,
          %get3A_439 = arith.index_cast %scan3A_120 : i32 to index
          %get3A_440 = arith.constant 112 : index
          %get3A_441 = tpu.vector_load %arg18[%get3A_439, %get3A_440] {strides = array<i32>} : memref<64x128xf32, #tpu.memory_space<vmem>>, vector<16xf32>,
          %get3A_442 = arith.index_cast %scan3A_120 : i32 to index
          %get3A_443 = arith.constant 112 : index
          %get3A_444 = tpu.vector_load %arg17[%get3A_442, %get3A_443] {strides = array<i32>} : memref<64x128xf32, #tpu.memory_space<vmem>>, vector<16xf32>,
          %add3A_445 = arith.addf %get3A_438, %get3A_444 : vector<16xf32>
          %add3A_446 = arith.addf %add3A_445, %get3A_441 : vector<16xf32>
          %mul3A_447 = arith.constant 2.000000e-01 : f32
          %mul3A_448 = vector.broadcast %mul3A_447 : f32 to vector<16xf32>
          %mul3A_449 = arith.mulf %mul3A_448, %add3A_446 : vector<16xf32>
          %max3A_450 = arith.maximumf %add3A_446, %mul3A_449 : vector<16xf32>
          %get3A_451 = arith.constant 7 : i32
          %get3A_452 = arith.index_cast %get3A_451 : i32 to index
          %get3A_453 = arith.constant 0 : index
          %get3A_454 = tpu.vector_load %arg22[%get3A_452, %get3A_453] {strides = array<i32>} : memref<8x16xf32, #tpu.memory_space<vmem>>, vector<16xf32>,
          %mul3A_455 = arith.mulf %max3A_450, %get3A_454 : vector<16xf32>
          %reduce_sum3A_456 = arith.constant true
          %reduce_sum3A_457 = vector.broadcast %reduce_sum3A_456 : i1 to vector<16xi1>
          %reduce_sum3A_458 = tpu.scan <sum>, %mul3A_455 masked %reduce_sum3A_457 : vector<16xf32>, vector<16xi1> -> vector<16xf32>
          %reduce_sum3A_459 = vector.extract %reduce_sum3A_458[15] : f32 from vector<16xf32>
          %broadcast_in_dim3A_460 = vector.broadcast %reduce_sum3A_459 : f32 to vector<16xf32>
          %exp3A_461 = math.exp %broadcast_in_dim3A_460 : vector<16xf32>
          %get3A_462 = arith.index_cast %sub3A : i32 to index
          %get3A_463 = arith.constant 112 : index
          %get3A_464 = tpu.vector_load %arg19[%get3A_462, %get3A_463] {strides = array<i32>} : memref<160x128xf32, #tpu.memory_space<vmem>>, vector<16xf32>,
          %mul3A_465 = arith.mulf %get3A_438, %exp3A_461 : vector<16xf32>
          %add3A_466 = arith.addf %get3A_464, %mul3A_465 : vector<16xf32>
          %swap3A_467 = arith.index_cast %sub3A : i32 to index
          %swap3A_468 = arith.constant 112 : index
          %swap3A_469 = tpu.vector_load %arg19[%swap3A_467, %swap3A_468] {strides = array<i32>} : memref<160x128xf32, #tpu.memory_space<vmem>>, vector<16xf32>,
          tpu.vector_store %arg19[%swap3A_467, %swap3A_468], %add3A_466 {strides = array<i32>} : memref<160x128xf32, #tpu.memory_space<vmem>>, vector<16xf32>,
          %get3A_470 = arith.index_cast %sub3A : i32 to index
          %get3A_471 = arith.constant 112 : index
          %get3A_472 = tpu.vector_load %arg21[%get3A_470, %get3A_471] {strides = array<i32>} : memref<160x128xf32, #tpu.memory_space<vmem>>, vector<16xf32>,
          %add3A_473 = arith.addf %get3A_472, %get3A_441 : vector<16xf32>
          %swap3A_474 = arith.index_cast %sub3A : i32 to index
          %swap3A_475 = arith.constant 112 : index
          %swap3A_476 = tpu.vector_load %arg21[%swap3A_474, %swap3A_475] {strides = array<i32>} : memref<160x128xf32, #tpu.memory_space<vmem>>, vector<16xf32>,
          tpu.vector_store %arg21[%swap3A_474, %swap3A_475], %add3A_473 {strides = array<i32>} : memref<160x128xf32, #tpu.memory_space<vmem>>, vector<16xf32>,
          %eq3A_477 = arith.constant 7 : i32
          %eq3A_478 = vector.broadcast %eq3A_477 : i32 to vector<16xi32>
          %eq3A_479 = arith.cmpi eq, %iota3A, %eq3A_478 : vector<16xi32>
          %select_n3A_480 = arith.select %eq3A_479, %exp3A_461, %select_n3A_435 : vector<16xi1>, vector<16xf32>
          %get3A_481 = arith.index_cast %sub3A : i32 to index
          %get3A_482 = arith.constant 0 : index
          %get3A_483 = tpu.vector_load %arg20[%get3A_481, %get3A_482] {strides = array<i32>} : memref<160x16xf32, #tpu.memory_space<vmem>>, vector<16xf32>,
          %add3A_484 = arith.addf %get3A_483, %select_n3A_480 : vector<16xf32>
          %swap3A_485 = arith.index_cast %sub3A : i32 to index
          %swap3A_486 = arith.constant 0 : index
          %swap3A_487 = tpu.vector_load %arg20[%swap3A_485, %swap3A_486] {strides = array<i32>} : memref<160x16xf32, #tpu.memory_space<vmem>>, vector<16xf32>,
          tpu.vector_store %arg20[%swap3A_485, %swap3A_486], %add3A_484 {strides = array<i32>} : memref<160x16xf32, #tpu.memory_space<vmem>>, vector<16xf32>,
        } else {
        }
      }
      %scan3A_119 = arith.constant 64 : i32
    } else {
    }
    "tpu.region"() ({
      %run_scoped3A = tpu.sem_alloc : memref<!tpu.dma_semaphore, #tpu.memory_space<semaphore_mem>>
      %dma_start3A = arith.constant 0 : i32
      %dma_start3A_86 = tpu.memref_slice %arg8[%add3A_67, %dma_start3A] : memref<10240x128xf32, #tpu.memory_space<hbm>> -> memref<160x128xf32, #tpu.memory_space<hbm>>
      %dma_start3A_87 = arith.constant 0 : i32
      %dma_start3A_88 = tpu.memref_slice %arg8[%add3A_67, %dma_start3A_87] : memref<10240x128xf32, #tpu.memory_space<hbm>> -> memref<160x128xf32, #tpu.memory_space<hbm>>
      tpu.enqueue_dma source(%arg19 : memref<160x128xf32, #tpu.memory_space<vmem>>) target(%dma_start3A_88 : memref<160x128xf32, #tpu.memory_space<hbm>>) target_semaphore(%run_scoped3A : memref<!tpu.dma_semaphore, #tpu.memory_space<semaphore_mem>>)
      %dma_wait3A = arith.constant 0 : i32
      %dma_wait3A_89 = tpu.memref_slice %arg8[%add3A_67, %dma_wait3A] : memref<10240x128xf32, #tpu.memory_space<hbm>> -> memref<160x128xf32, #tpu.memory_space<hbm>>
      %dma_wait3A_90 = arith.constant 0 : i32
      %dma_wait3A_91 = tpu.memref_slice %arg8[%add3A_67, %dma_wait3A_90] : memref<10240x128xf32, #tpu.memory_space<hbm>> -> memref<160x128xf32, #tpu.memory_space<hbm>>
      tpu.wait_dma2 semaphore(%run_scoped3A : memref<!tpu.dma_semaphore, #tpu.memory_space<semaphore_mem>>) src(%arg19 : memref<160x128xf32, #tpu.memory_space<vmem>>) dst(%dma_wait3A_91 : memref<160x128xf32, #tpu.memory_space<hbm>>)
      tpu.yield
    }) : () -> ()
    "tpu.region"() ({
      %run_scoped3A = tpu.sem_alloc : memref<!tpu.dma_semaphore, #tpu.memory_space<semaphore_mem>>
      %dma_start3A = arith.constant 0 : i32
      %dma_start3A_86 = tpu.memref_slice %arg9[%add3A_67, %dma_start3A] : memref<10240x16xf32, #tpu.memory_space<hbm>> -> memref<160x16xf32, #tpu.memory_space<hbm>>
      %dma_start3A_87 = arith.constant 0 : i32
      %dma_start3A_88 = tpu.memref_slice %arg9[%add3A_67, %dma_start3A_87] : memref<10240x16xf32, #tpu.memory_space<hbm>> -> memref<160x16xf32, #tpu.memory_space<hbm>>
      tpu.enqueue_dma source(%arg20 : memref<160x16xf32, #tpu.memory_space<vmem>>) target(%dma_start3A_88 : memref<160x16xf32, #tpu.memory_space<hbm>>) target_semaphore(%run_scoped3A : memref<!tpu.dma_semaphore, #tpu.memory_space<semaphore_mem>>)
      %dma_wait3A = arith.constant 0 : i32
      %dma_wait3A_89 = tpu.memref_slice %arg9[%add3A_67, %dma_wait3A] : memref<10240x16xf32, #tpu.memory_space<hbm>> -> memref<160x16xf32, #tpu.memory_space<hbm>>
      %dma_wait3A_90 = arith.constant 0 : i32
      %dma_wait3A_91 = tpu.memref_slice %arg9[%add3A_67, %dma_wait3A_90] : memref<10240x16xf32, #tpu.memory_space<hbm>> -> memref<160x16xf32, #tpu.memory_space<hbm>>
      tpu.wait_dma2 semaphore(%run_scoped3A : memref<!tpu.dma_semaphore, #tpu.memory_space<semaphore_mem>>) src(%arg20 : memref<160x16xf32, #tpu.memory_space<vmem>>) dst(%dma_wait3A_91 : memref<160x16xf32, #tpu.memory_space<hbm>>)
      tpu.yield
    }) : () -> ()
    "tpu.region"() ({
      %run_scoped3A = tpu.sem_alloc : memref<!tpu.dma_semaphore, #tpu.memory_space<semaphore_mem>>
      %dma_start3A = arith.constant 0 : i32
      %dma_start3A_86 = tpu.memref_slice %arg10[%add3A_67, %dma_start3A] : memref<10240x128xf32, #tpu.memory_space<hbm>> -> memref<160x128xf32, #tpu.memory_space<hbm>>
      %dma_start3A_87 = arith.constant 0 : i32
      %dma_start3A_88 = tpu.memref_slice %arg10[%add3A_67, %dma_start3A_87] : memref<10240x128xf32, #tpu.memory_space<hbm>> -> memref<160x128xf32, #tpu.memory_space<hbm>>
      tpu.enqueue_dma source(%arg21 : memref<160x128xf32, #tpu.memory_space<vmem>>) target(%dma_start3A_88 : memref<160x128xf32, #tpu.memory_space<hbm>>) target_semaphore(%run_scoped3A : memref<!tpu.dma_semaphore, #tpu.memory_space<semaphore_mem>>)
      %dma_wait3A = arith.constant 0 : i32
      %dma_wait3A_89 = tpu.memref_slice %arg10[%add3A_67, %dma_wait3A] : memref<10240x128xf32, #tpu.memory_space<hbm>> -> memref<160x128xf32, #tpu.memory_space<hbm>>
      %dma_wait3A_90 = arith.constant 0 : i32
      %dma_wait3A_91 = tpu.memref_slice %arg10[%add3A_67, %dma_wait3A_90] : memref<10240x128xf32, #tpu.memory_space<hbm>> -> memref<160x128xf32, #tpu.memory_space<hbm>>
      tpu.wait_dma2 semaphore(%run_scoped3A : memref<!tpu.dma_semaphore, #tpu.memory_space<semaphore_mem>>) src(%arg21 : memref<160x128xf32, #tpu.memory_space<vmem>>) dst(%dma_wait3A_91 : memref<160x128xf32, #tpu.memory_space<hbm>>)
      tpu.yield
    }) : () -> ()
    return
  }
}

module attributes {stable_mosaic.version = 14 : i64} {
  func.func @body(%arg0: i32, %arg1: memref<1000x128xf32, #tpu.memory_space<vmem>>, %arg2: memref<128x128xf32, #tpu.memory_space<vmem>>, %arg3: memref<128xf32, #tpu.memory_space<vmem>>, %arg4: memref<128x128xf32, #tpu.memory_space<vmem>>, %arg5: memref<128xf32, #tpu.memory_space<vmem>>, %arg6: memref<1000x128xf32, #tpu.memory_space<vmem>>, %arg7: memref<1000x128xf32, #tpu.memory_space<vmem>>) attributes {dimension_semantics = [#tpu.dimension_semantics<arbitrary>], iteration_bounds = array<i64: 10>, scalar_prefetch = 0 : i64, scratch_operands = 0 : i64, tpu.core_type = #tpu.core_type<tc>, window_params = [{transform_indices = @transform_0, window_bounds = array<i64: 1000, 128>}, {pipeline_mode = #tpu.pipeline_mode<synchronous>, transform_indices = @transform_1, window_bounds = array<i64: 128, 128>}, {pipeline_mode = #tpu.pipeline_mode<synchronous>, transform_indices = @transform_2, window_bounds = array<i64: 128>}, {pipeline_mode = #tpu.pipeline_mode<synchronous>, transform_indices = @transform_3, window_bounds = array<i64: 128, 128>}, {pipeline_mode = #tpu.pipeline_mode<synchronous>, transform_indices = @transform_4, window_bounds = array<i64: 128>}, {transform_indices = @transform_5, window_bounds = array<i64: 1000, 128>}, {transform_indices = @transform_6, window_bounds = array<i64: 1000, 128>}]} {
    %get3A = arith.constant 0 : index
    %get3A_0 = arith.constant 0 : index
    %get3A_1 = vector.load %arg1[%get3A, %get3A_0] : memref<1000x128xf32, #tpu.memory_space<vmem>>, vector<1000x128xf32>
    %get3A_2 = arith.constant 0 : index
    %get3A_3 = arith.constant 0 : index
    %get3A_4 = vector.load %arg2[%get3A_2, %get3A_3] : memref<128x128xf32, #tpu.memory_space<vmem>>, vector<128x128xf32>
    %dot_general3A = arith.constant dense<0.000000e+00> : vector<1000x128xf32>
    %dot_general3A_5 = tpu.matmul %get3A_1, %get3A_4, %dot_general3A {dimension_numbers = #tpu.dot_dimension_numbers<[1], [0], [0], [1], [0, 0, 1, 1], [], []>, transpose_lhs_hint = false} : vector<1000x128xf32>, vector<128x128xf32>, vector<1000x128xf32> -> vector<1000x128xf32>
    %get3A_6 = arith.constant 0 : index
    %get3A_7 = vector.load %arg3[%get3A_6] : memref<128xf32, #tpu.memory_space<vmem>>, vector<128xf32>
    %broadcast_in_dim3A = vector.shape_cast %get3A_7 : vector<128xf32> to vector<1x128xf32>
    %add3A = vector.broadcast %broadcast_in_dim3A : vector<1x128xf32> to vector<1000x128xf32>
    %add3A_8 = arith.addf %dot_general3A_5, %add3A : vector<1000x128xf32>
    %swap3A = arith.constant 0 : index
    %swap3A_9 = arith.constant 0 : index
    %swap3A_10 = vector.load %arg6[%swap3A, %swap3A_9] : memref<1000x128xf32, #tpu.memory_space<vmem>>, vector<1000x128xf32>
    tpu.vector_store %arg6[%swap3A, %swap3A_9], %add3A_8 {strides = array<i32>} : memref<1000x128xf32, #tpu.memory_space<vmem>>, vector<1000x128xf32>,
    %get3A_11 = arith.constant 0 : index
    %get3A_12 = arith.constant 0 : index
    %get3A_13 = vector.load %arg4[%get3A_11, %get3A_12] : memref<128x128xf32, #tpu.memory_space<vmem>>, vector<128x128xf32>
    %dot_general3A_14 = arith.constant dense<0.000000e+00> : vector<1000x128xf32>
    %dot_general3A_15 = tpu.matmul %get3A_1, %get3A_13, %dot_general3A_14 {dimension_numbers = #tpu.dot_dimension_numbers<[1], [0], [0], [1], [0, 0, 1, 1], [], []>, transpose_lhs_hint = false} : vector<1000x128xf32>, vector<128x128xf32>, vector<1000x128xf32> -> vector<1000x128xf32>
    %get3A_16 = arith.constant 0 : index
    %get3A_17 = vector.load %arg5[%get3A_16] : memref<128xf32, #tpu.memory_space<vmem>>, vector<128xf32>
    %broadcast_in_dim3A_18 = vector.shape_cast %get3A_17 : vector<128xf32> to vector<1x128xf32>
    %add3A_19 = vector.broadcast %broadcast_in_dim3A_18 : vector<1x128xf32> to vector<1000x128xf32>
    %add3A_20 = arith.addf %dot_general3A_15, %add3A_19 : vector<1000x128xf32>
    %swap3A_21 = arith.constant 0 : index
    %swap3A_22 = arith.constant 0 : index
    %swap3A_23 = vector.load %arg7[%swap3A_21, %swap3A_22] : memref<1000x128xf32, #tpu.memory_space<vmem>>, vector<1000x128xf32>
    tpu.vector_store %arg7[%swap3A_21, %swap3A_22], %add3A_20 {strides = array<i32>} : memref<1000x128xf32, #tpu.memory_space<vmem>>, vector<1000x128xf32>,
    return
  }
  func.func @transform_0(%arg0: i32) -> (i32, i32) {
    %c0_i32 = arith.constant 0 : i32
    %c0_i32_0 = arith.constant 0 : i32
    return %arg0, %c0_i32 : i32, i32
  }
  func.func @transform_1(%arg0: i32) -> (i32, i32) {
    %c0_i32 = arith.constant 0 : i32
    %c0_i32_0 = arith.constant 0 : i32
    %c0_i32_1 = arith.constant 0 : i32
    return %c0_i32, %c0_i32_0 : i32, i32
  }
  func.func @transform_2(%arg0: i32) -> i32 {
    %c0_i32 = arith.constant 0 : i32
    %c0_i32_0 = arith.constant 0 : i32
    return %c0_i32 : i32
  }
  func.func @transform_3(%arg0: i32) -> (i32, i32) {
    %c0_i32 = arith.constant 0 : i32
    %c0_i32_0 = arith.constant 0 : i32
    %c0_i32_1 = arith.constant 0 : i32
    return %c0_i32, %c0_i32_0 : i32, i32
  }
  func.func @transform_4(%arg0: i32) -> i32 {
    %c0_i32 = arith.constant 0 : i32
    %c0_i32_0 = arith.constant 0 : i32
    return %c0_i32 : i32
  }
  func.func @transform_5(%arg0: i32) -> (i32, i32) {
    %c0_i32 = arith.constant 0 : i32
    %c0_i32_0 = arith.constant 0 : i32
    return %arg0, %c0_i32 : i32, i32
  }
  func.func @transform_6(%arg0: i32) -> (i32, i32) {
    %c0_i32 = arith.constant 0 : i32
    %c0_i32_0 = arith.constant 0 : i32
    return %arg0, %c0_i32 : i32, i32
  }
}

module attributes {stable_mosaic.version = 14 : i64} {
  func.func @body(%arg0: i32, %arg1: memref<4000x16xf32, #tpu.memory_space<vmem>>, %arg2: memref<16x128xf32, #tpu.memory_space<vmem>>, %arg3: memref<4000x128xf32, #tpu.memory_space<vmem>>) attributes {dimension_semantics = [#tpu.dimension_semantics<arbitrary>], iteration_bounds = array<i64: 80>, scalar_prefetch = 0 : i64, scratch_operands = 0 : i64, tpu.core_type = #tpu.core_type<tc>, window_params = [{transform_indices = @transform_0, window_bounds = array<i64: 4000, 16>}, {pipeline_mode = #tpu.pipeline_mode<synchronous>, transform_indices = @transform_1, window_bounds = array<i64: 16, 128>}, {transform_indices = @transform_2, window_bounds = array<i64: 4000, 128>}]} {
    %get3A = arith.constant 0 : index
    %get3A_0 = arith.constant 0 : index
    %get3A_1 = vector.load %arg1[%get3A, %get3A_0] : memref<4000x16xf32, #tpu.memory_space<vmem>>, vector<4000x16xf32>
    %get3A_2 = arith.constant 0 : index
    %get3A_3 = arith.constant 0 : index
    %get3A_4 = vector.load %arg2[%get3A_2, %get3A_3] : memref<16x128xf32, #tpu.memory_space<vmem>>, vector<16x128xf32>
    %dot_general3A = arith.constant dense<0.000000e+00> : vector<4000x128xf32>
    %dot_general3A_5 = tpu.matmul %get3A_1, %get3A_4, %dot_general3A {dimension_numbers = #tpu.dot_dimension_numbers<[1], [0], [0], [1], [0, 0, 1, 1], [], []>, transpose_lhs_hint = false} : vector<4000x16xf32>, vector<16x128xf32>, vector<4000x128xf32> -> vector<4000x128xf32>
    %swap3A = arith.constant 0 : index
    %swap3A_6 = arith.constant 0 : index
    %swap3A_7 = vector.load %arg3[%swap3A, %swap3A_6] : memref<4000x128xf32, #tpu.memory_space<vmem>>, vector<4000x128xf32>
    tpu.vector_store %arg3[%swap3A, %swap3A_6], %dot_general3A_5 {strides = array<i32>} : memref<4000x128xf32, #tpu.memory_space<vmem>>, vector<4000x128xf32>,
    return
  }
  func.func @transform_0(%arg0: i32) -> (i32, i32) {
    %c0_i32 = arith.constant 0 : i32
    %c0_i32_0 = arith.constant 0 : i32
    return %arg0, %c0_i32 : i32, i32
  }
  func.func @transform_1(%arg0: i32) -> (i32, i32) {
    %c0_i32 = arith.constant 0 : i32
    %c0_i32_0 = arith.constant 0 : i32
    %c0_i32_1 = arith.constant 0 : i32
    return %c0_i32, %c0_i32_0 : i32, i32
  }
  func.func @transform_2(%arg0: i32) -> (i32, i32) {
    %c0_i32 = arith.constant 0 : i32
    %c0_i32_0 = arith.constant 0 : i32
    return %arg0, %c0_i32 : i32, i32
  }
}

module attributes {stable_mosaic.version = 14 : i64} {
  func.func @body(%arg0: i32, %arg1: memref<1000x128xf32, #tpu.memory_space<vmem>>, %arg2: memref<1000x16xf32, #tpu.memory_space<vmem>>, %arg3: memref<1000x128xf32, #tpu.memory_space<vmem>>, %arg4: memref<1000x128xf32, #tpu.memory_space<vmem>>, %arg5: memref<1000x128xf32, #tpu.memory_space<vmem>>, %arg6: memref<128x8xf32, #tpu.memory_space<vmem>>, %arg7: memref<8x128xf32, #tpu.memory_space<vmem>>, %arg8: memref<16x8xf32, #tpu.memory_space<vmem>>, %arg9: memref<16x128xf32, #tpu.memory_space<vmem>>, %arg10: memref<128xf32, #tpu.memory_space<vmem>>, %arg11: memref<128xf32, #tpu.memory_space<vmem>>, %arg12: memref<128xf32, #tpu.memory_space<vmem>>, %arg13: memref<1000x128xf32, #tpu.memory_space<vmem>>) attributes {dimension_semantics = [#tpu.dimension_semantics<arbitrary>], iteration_bounds = array<i64: 10>, scalar_prefetch = 0 : i64, scratch_operands = 0 : i64, tpu.core_type = #tpu.core_type<tc>, window_params = [{transform_indices = @transform_0, window_bounds = array<i64: 1000, 128>}, {transform_indices = @transform_1, window_bounds = array<i64: 1000, 16>}, {transform_indices = @transform_2, window_bounds = array<i64: 1000, 128>}, {transform_indices = @transform_3, window_bounds = array<i64: 1000, 128>}, {transform_indices = @transform_4, window_bounds = array<i64: 1000, 128>}, {pipeline_mode = #tpu.pipeline_mode<synchronous>, transform_indices = @transform_5, window_bounds = array<i64: 128, 8>}, {pipeline_mode = #tpu.pipeline_mode<synchronous>, transform_indices = @transform_6, window_bounds = array<i64: 8, 128>}, {pipeline_mode = #tpu.pipeline_mode<synchronous>, transform_indices = @transform_7, window_bounds = array<i64: 16, 8>}, {pipeline_mode = #tpu.pipeline_mode<synchronous>, transform_indices = @transform_8, window_bounds = array<i64: 16, 128>}, {pipeline_mode = #tpu.pipeline_mode<synchronous>, transform_indices = @transform_9, window_bounds = array<i64: 128>}, {pipeline_mode = #tpu.pipeline_mode<synchronous>, transform_indices = @transform_10, window_bounds = array<i64: 128>}, {pipeline_mode = #tpu.pipeline_mode<synchronous>, transform_indices = @transform_11, window_bounds = array<i64: 128>}, {transform_indices = @transform_12, window_bounds = array<i64: 1000, 128>}]} {
    %get3A = arith.constant 0 : index
    %get3A_0 = arith.constant 0 : index
    %get3A_1 = vector.load %arg1[%get3A, %get3A_0] : memref<1000x128xf32, #tpu.memory_space<vmem>>, vector<1000x128xf32>
    %get3A_2 = arith.constant 0 : index
    %get3A_3 = arith.constant 0 : index
    %get3A_4 = vector.load %arg2[%get3A_2, %get3A_3] : memref<1000x16xf32, #tpu.memory_space<vmem>>, vector<1000x16xf32>
    %get3A_5 = arith.constant 0 : index
    %get3A_6 = arith.constant 0 : index
    %get3A_7 = vector.load %arg8[%get3A_5, %get3A_6] : memref<16x8xf32, #tpu.memory_space<vmem>>, vector<16x8xf32>
    %dot_general3A = arith.constant dense<0.000000e+00> : vector<1000x8xf32>
    %dot_general3A_8 = tpu.matmul %get3A_4, %get3A_7, %dot_general3A {dimension_numbers = #tpu.dot_dimension_numbers<[1], [0], [0], [1], [0, 0, 1, 1], [], []>, transpose_lhs_hint = false} : vector<1000x16xf32>, vector<16x8xf32>, vector<1000x8xf32> -> vector<1000x8xf32>
    %get3A_9 = arith.constant 0 : index
    %get3A_10 = arith.constant 0 : index
    %get3A_11 = vector.load %arg9[%get3A_9, %get3A_10] : memref<16x128xf32, #tpu.memory_space<vmem>>, vector<16x128xf32>
    %dot_general3A_12 = arith.constant dense<0.000000e+00> : vector<1000x128xf32>
    %dot_general3A_13 = tpu.matmul %get3A_4, %get3A_11, %dot_general3A_12 {dimension_numbers = #tpu.dot_dimension_numbers<[1], [0], [0], [1], [0, 0, 1, 1], [], []>, transpose_lhs_hint = false} : vector<1000x16xf32>, vector<16x128xf32>, vector<1000x128xf32> -> vector<1000x128xf32>
    %get3A_14 = arith.constant 0 : index
    %get3A_15 = arith.constant 0 : index
    %get3A_16 = vector.load %arg3[%get3A_14, %get3A_15] : memref<1000x128xf32, #tpu.memory_space<vmem>>, vector<1000x128xf32>
    %max3A = arith.constant 1.000000e+00 : f32
    %max3A_17 = vector.broadcast %max3A : f32 to vector<1000x128xf32>
    %max3A_18 = arith.maximumf %dot_general3A_13, %max3A_17 : vector<1000x128xf32>
    %div3A = arith.divf %get3A_16, %max3A_18 : vector<1000x128xf32>
    %get3A_19 = arith.constant 0 : index
    %get3A_20 = arith.constant 0 : index
    %get3A_21 = vector.load %arg4[%get3A_19, %get3A_20] : memref<1000x128xf32, #tpu.memory_space<vmem>>, vector<1000x128xf32>
    %get3A_22 = arith.constant 0 : index
    %get3A_23 = arith.constant 0 : index
    %get3A_24 = vector.load %arg5[%get3A_22, %get3A_23] : memref<1000x128xf32, #tpu.memory_space<vmem>>, vector<1000x128xf32>
    %add3A = arith.addf %get3A_21, %get3A_24 : vector<1000x128xf32>
    %add3A_25 = arith.addf %add3A, %div3A : vector<1000x128xf32>
    %mul3A = arith.constant 2.000000e-01 : f32
    %mul3A_26 = vector.broadcast %mul3A : f32 to vector<1000x128xf32>
    %mul3A_27 = arith.mulf %mul3A_26, %add3A_25 : vector<1000x128xf32>
    %max3A_28 = arith.maximumf %add3A_25, %mul3A_27 : vector<1000x128xf32>
    %get3A_29 = arith.constant 0 : index
    %get3A_30 = arith.constant 0 : index
    %get3A_31 = vector.load %arg6[%get3A_29, %get3A_30] : memref<128x8xf32, #tpu.memory_space<vmem>>, vector<128x8xf32>
    %dot_general3A_32 = arith.constant dense<0.000000e+00> : vector<1000x8xf32>
    %dot_general3A_33 = tpu.matmul %max3A_28, %get3A_31, %dot_general3A_32 {dimension_numbers = #tpu.dot_dimension_numbers<[1], [0], [0], [1], [0, 0, 1, 1], [], []>, transpose_lhs_hint = false} : vector<1000x128xf32>, vector<128x8xf32>, vector<1000x8xf32> -> vector<1000x8xf32>
    %exp3A = math.exp %dot_general3A_33 : vector<1000x8xf32>
    %add3A_34 = arith.addf %dot_general3A_8, %exp3A : vector<1000x8xf32>
    %get3A_35 = arith.constant 0 : index
    %get3A_36 = arith.constant 0 : index
    %get3A_37 = vector.load %arg7[%get3A_35, %get3A_36] : memref<8x128xf32, #tpu.memory_space<vmem>>, vector<8x128xf32>
    %dot_general3A_38 = arith.constant dense<0.000000e+00> : vector<1000x128xf32>
    %dot_general3A_39 = tpu.matmul %exp3A, %get3A_37, %dot_general3A_38 {dimension_numbers = #tpu.dot_dimension_numbers<[1], [0], [0], [1], [0, 0, 1, 1], [], []>, transpose_lhs_hint = false} : vector<1000x8xf32>, vector<8x128xf32>, vector<1000x128xf32> -> vector<1000x128xf32>
    %get3A_40 = arith.constant 0 : index
    %get3A_41 = arith.constant 0 : index
    %get3A_42 = vector.load %arg7[%get3A_40, %get3A_41] : memref<8x128xf32, #tpu.memory_space<vmem>>, vector<8x128xf32>
    %dot_general3A_43 = arith.constant dense<0.000000e+00> : vector<1000x128xf32>
    %dot_general3A_44 = tpu.matmul %add3A_34, %get3A_42, %dot_general3A_43 {dimension_numbers = #tpu.dot_dimension_numbers<[1], [0], [0], [1], [0, 0, 1, 1], [], []>, transpose_lhs_hint = false} : vector<1000x8xf32>, vector<8x128xf32>, vector<1000x128xf32> -> vector<1000x128xf32>
    %mul3A_45 = arith.mulf %get3A_21, %dot_general3A_39 : vector<1000x128xf32>
    %add3A_46 = arith.addf %get3A_1, %mul3A_45 : vector<1000x128xf32>
    %div3A_47 = arith.divf %add3A_46, %dot_general3A_44 : vector<1000x128xf32>
    %get3A_48 = arith.constant 0 : index
    %get3A_49 = vector.load %arg10[%get3A_48] : memref<128xf32, #tpu.memory_space<vmem>>, vector<128xf32>
    %broadcast_in_dim3A = vector.shape_cast %get3A_49 : vector<128xf32> to vector<1x128xf32>
    %add3A_50 = vector.broadcast %broadcast_in_dim3A : vector<1x128xf32> to vector<1000x128xf32>
    %add3A_51 = arith.addf %div3A_47, %add3A_50 : vector<1000x128xf32>
    %reduce_sum3A = arith.constant dense<0.000000e+00> : vector<1000xf32>
    %reduce_sum3A_52 = vector.multi_reduction <add>, %add3A_51, %reduce_sum3A [1] : vector<1000x128xf32> to vector<1000xf32>
    %broadcast_in_dim3A_53 = vector.shape_cast %reduce_sum3A_52 : vector<1000xf32> to vector<1000x1xf32>
    %div3A_54 = arith.constant 1.280000e+02 : f32
    %div3A_55 = vector.broadcast %div3A_54 : f32 to vector<1000x1xf32>
    %div3A_56 = arith.divf %broadcast_in_dim3A_53, %div3A_55 : vector<1000x1xf32>
    %sub3A = vector.broadcast %div3A_56 : vector<1000x1xf32> to vector<1000x128xf32>
    %sub3A_57 = arith.subf %add3A_51, %sub3A : vector<1000x128xf32>
    %integer_pow3A = arith.mulf %sub3A_57, %sub3A_57 : vector<1000x128xf32>
    %reduce_sum3A_58 = arith.constant dense<0.000000e+00> : vector<1000xf32>
    %reduce_sum3A_59 = vector.multi_reduction <add>, %integer_pow3A, %reduce_sum3A_58 [1] : vector<1000x128xf32> to vector<1000xf32>
    %broadcast_in_dim3A_60 = vector.shape_cast %reduce_sum3A_59 : vector<1000xf32> to vector<1000x1xf32>
    %div3A_61 = arith.constant 1.280000e+02 : f32
    %div3A_62 = vector.broadcast %div3A_61 : f32 to vector<1000x1xf32>
    %div3A_63 = arith.divf %broadcast_in_dim3A_60, %div3A_62 : vector<1000x1xf32>
    %sub3A_64 = vector.broadcast %div3A_56 : vector<1000x1xf32> to vector<1000x128xf32>
    %sub3A_65 = arith.subf %add3A_51, %sub3A_64 : vector<1000x128xf32>
    %add3A_66 = arith.constant 9.99999974E-6 : f32
    %add3A_67 = vector.broadcast %add3A_66 : f32 to vector<1000x1xf32>
    %add3A_68 = arith.addf %div3A_63, %add3A_67 : vector<1000x1xf32>
    %sqrt3A = math.sqrt %add3A_68 : vector<1000x1xf32>
    %div3A_69 = vector.broadcast %sqrt3A : vector<1000x1xf32> to vector<1000x128xf32>
    %div3A_70 = arith.divf %sub3A_65, %div3A_69 : vector<1000x128xf32>
    %get3A_71 = arith.constant 0 : index
    %get3A_72 = vector.load %arg11[%get3A_71] : memref<128xf32, #tpu.memory_space<vmem>>, vector<128xf32>
    %broadcast_in_dim3A_73 = vector.shape_cast %get3A_72 : vector<128xf32> to vector<1x128xf32>
    %mul3A_74 = vector.broadcast %broadcast_in_dim3A_73 : vector<1x128xf32> to vector<1000x128xf32>
    %mul3A_75 = arith.mulf %div3A_70, %mul3A_74 : vector<1000x128xf32>
    %get3A_76 = arith.constant 0 : index
    %get3A_77 = vector.load %arg12[%get3A_76] : memref<128xf32, #tpu.memory_space<vmem>>, vector<128xf32>
    %broadcast_in_dim3A_78 = vector.shape_cast %get3A_77 : vector<128xf32> to vector<1x128xf32>
    %add3A_79 = vector.broadcast %broadcast_in_dim3A_78 : vector<1x128xf32> to vector<1000x128xf32>
    %add3A_80 = arith.addf %mul3A_75, %add3A_79 : vector<1000x128xf32>
    %gt3A = arith.constant 0.000000e+00 : f32
    %gt3A_81 = vector.broadcast %gt3A : f32 to vector<1000x128xf32>
    %gt3A_82 = arith.cmpf ogt, %add3A_80, %gt3A_81 : vector<1000x128xf32>
    %min3A = arith.constant 0.000000e+00 : f32
    %min3A_83 = vector.broadcast %min3A : f32 to vector<1000x128xf32>
    %min3A_84 = arith.minimumf %add3A_80, %min3A_83 : vector<1000x128xf32>
    %exp3A_85 = math.exp %min3A_84 : vector<1000x128xf32>
    %sub3A_86 = arith.constant 1.000000e+00 : f32
    %sub3A_87 = vector.broadcast %sub3A_86 : f32 to vector<1000x128xf32>
    %sub3A_88 = arith.subf %exp3A_85, %sub3A_87 : vector<1000x128xf32>
    %select_n3A = arith.select %gt3A_82, %add3A_80, %sub3A_88 : vector<1000x128xi1>, vector<1000x128xf32>
    %swap3A = arith.constant 0 : index
    %swap3A_89 = arith.constant 0 : index
    %swap3A_90 = vector.load %arg13[%swap3A, %swap3A_89] : memref<1000x128xf32, #tpu.memory_space<vmem>>, vector<1000x128xf32>
    tpu.vector_store %arg13[%swap3A, %swap3A_89], %select_n3A {strides = array<i32>} : memref<1000x128xf32, #tpu.memory_space<vmem>>, vector<1000x128xf32>,
    return
  }
  func.func @transform_0(%arg0: i32) -> (i32, i32) {
    %c0_i32 = arith.constant 0 : i32
    %c0_i32_0 = arith.constant 0 : i32
    return %arg0, %c0_i32 : i32, i32
  }
  func.func @transform_1(%arg0: i32) -> (i32, i32) {
    %c0_i32 = arith.constant 0 : i32
    %c0_i32_0 = arith.constant 0 : i32
    return %arg0, %c0_i32 : i32, i32
  }
  func.func @transform_2(%arg0: i32) -> (i32, i32) {
    %c0_i32 = arith.constant 0 : i32
    %c0_i32_0 = arith.constant 0 : i32
    return %arg0, %c0_i32 : i32, i32
  }
  func.func @transform_3(%arg0: i32) -> (i32, i32) {
    %c0_i32 = arith.constant 0 : i32
    %c0_i32_0 = arith.constant 0 : i32
    return %arg0, %c0_i32 : i32, i32
  }
  func.func @transform_4(%arg0: i32) -> (i32, i32) {
    %c0_i32 = arith.constant 0 : i32
    %c0_i32_0 = arith.constant 0 : i32
    return %arg0, %c0_i32 : i32, i32
  }
  func.func @transform_5(%arg0: i32) -> (i32, i32) {
    %c0_i32 = arith.constant 0 : i32
    %c0_i32_0 = arith.constant 0 : i32
    %c0_i32_1 = arith.constant 0 : i32
    return %c0_i32, %c0_i32_0 : i32, i32
  }
  func.func @transform_6(%arg0: i32) -> (i32, i32) {
    %c0_i32 = arith.constant 0 : i32
    %c0_i32_0 = arith.constant 0 : i32
    %c0_i32_1 = arith.constant 0 : i32
    return %c0_i32, %c0_i32_0 : i32, i32
  }
  func.func @transform_7(%arg0: i32) -> (i32, i32) {
    %c0_i32 = arith.constant 0 : i32
    %c0_i32_0 = arith.constant 0 : i32
    %c0_i32_1 = arith.constant 0 : i32
    return %c0_i32, %c0_i32_0 : i32, i32
  }
  func.func @transform_8(%arg0: i32) -> (i32, i32) {
    %c0_i32 = arith.constant 0 : i32
    %c0_i32_0 = arith.constant 0 : i32
    %c0_i32_1 = arith.constant 0 : i32
    return %c0_i32, %c0_i32_0 : i32, i32
  }
  func.func @transform_9(%arg0: i32) -> i32 {
    %c0_i32 = arith.constant 0 : i32
    %c0_i32_0 = arith.constant 0 : i32
    return %c0_i32 : i32
  }
  func.func @transform_10(%arg0: i32) -> i32 {
    %c0_i32 = arith.constant 0 : i32
    %c0_i32_0 = arith.constant 0 : i32
    return %c0_i32 : i32
  }
  func.func @transform_11(%arg0: i32) -> i32 {
    %c0_i32 = arith.constant 0 : i32
    %c0_i32_0 = arith.constant 0 : i32
    return %c0_i32 : i32
  }
  func.func @transform_12(%arg0: i32) -> (i32, i32) {
    %c0_i32 = arith.constant 0 : i32
    %c0_i32_0 = arith.constant 0 : i32
    return %arg0, %c0_i32 : i32, i32
  }
}

</mosaic_0001>

<sc_bundles>
// kernel: kernel.6.cloned.1.call-start
scs
__scs_entry_jumppad:
0x0: {  	(pc) =	sbr.rel $0x88, $3  }
0x1: {  	(tag) =	ssettag $0x0;
	lr =	simm.s32 $0x1  }
0x2: {  	[smem:$0x3F95] =	sst lr;
	_ =	strace $0xD0000000  }
0x3: {  	_ = 	snop  }
0x4: {  	_ = 	snop  }
0x5: {  	_ = 	snop  }
0x6: {  	_ = 	snop  }
0x7: {  	_ = 	snop  }
__scs_overlays_trampoline_lowered:
0x8: {  	[smem:$0x3FA4] =	sst s0  }
0x9: {  	[smem:$0x3FA5] =	sst s1  }
0xa: {  	[smem:$0x3FA6] =	sst s2  }
0xb: {  	[smem:$0x3FA7] =	sst s3  }
0xc: {  	[smem:$0x3FA8] =	sst s4  }
0xd: {  	[smem:$0x3FA9] =	sst s5  }
0xe: {  	[smem:$0x3FAA] =	sst s6  }
0xf: {  	[smem:$0x3FAB] =	sst s7  }
0x10: {  	[smem:$0x3FAC] =	sst s8  }
0x11: {  	[smem:$0x3FAD] =	sst s9;
	s0 =	simm.s32 @!p0 $0x0  }
0x12: {  	s1 =	sld [smem:$0x3F93];
	s0 =	simm.s32 @p0 $0x1  }
0x13: {  	[smem:$0x3FAE] =	sst s0;
	s0 =	simm.s32 @!p1 $0x0  }
0x14: {  	s2 =	sld [smem:$0x3F92];
	s0 =	simm.s32 @p1 $0x1  }
0x15: {  	[smem:$0x3FAF] =	sst s0;
	s0 =	simm.s32 @!p2 $0x0  }
0x16: {  	s3 =	sld [smem:$0x3FDB];
	s0 =	simm.s32 @p2 $0x1  }
0x17: {  	s4 =	simm.s32 $0x1BF5;
	[smem:$0x3FB1] =	sst s0  }
0x18: {  	s0 =	sld [smem:$0x3F94];
	_ =	swait.ge [sflag:s4], $0x0  }
0x19: {  	s7 =	sld [smem:$0x3F95]  }
0x1a: {  	s8 =	sadd.s32 $0xFFFFE003, lr  }
0x1b: {  	s9 =	sadd.s32 $0xFFFFFEF7, lr;
	s5 =	simm.s32 $0xFFFFFFFF;
	p2 =	slt.u32 s8, $0xFFFFF086  }
0x1c: {  	p1 =	slt.u32 s9, $0xF7A;
	s5 =	simm.s32 @!p2 $0x0  }
0x1d: {  	s5 =	simm.s32 @p1 $0x1;
	p0 =	seq.s32 s7, s2  }
0x1e: {  	s7 =	smul.u32 @!p0 $0xF7A, s2;
	p2 =	seq.s32 @!p0 s5, $0x0  }
0x1f: {  	s9 =	smul.u32 $0xF7A, s1;
	s8 =	simm.s32 @!p0 $0x1BF5;
	p2 =	por !p2, p0  }
0x20: {  	[sflag:s8] =	ssyncset.s32 @!p0 $0xFFFFF086;
	s6 =	sadd.s32 @!p0 s3, s7;
	s7 =	simm.s32 @!p0 $0x108  }
0x21: {  	s3 =	sadd.s32 s3, s9;
	s6 =	sadd.s32 @!p0 $0x88, s6;
	s7 =	simm.s32 @p2 $0x1082  }
0x22: {  	[simem:s7], [sflag:s8] =	dma.local @!p0 [hbm:s6], $0xF7A  }
0x23: {  	s9 =	sor.u32 $0xD0000000, s2;
	s6 =	simm.s32 $0x108;
	_ =	swait.ge @!p0 [sflag:s8], $0x0  }
0x24: {  	s3 =	sadd.s32 $0x88, s3;
	s6 =	simm.s32 @!p1 $0x1082;
	[sflag:s4] =	ssyncset.s32 $0xFFFFF086  }
0x25: {  	[simem:s6], [sflag:s4] =	dma.local [hbm:s3], $0xF7A  }
0x26: {  	[smem:$0x3F95] =	sst s1;
	(tag) =	ssettag s2;
	_ =	strace s9  }
0x27: {  	s1 =	sld [smem:$0x3FA5]  }
0x28: {  	s2 =	sld [smem:$0x3FA6]  }
0x29: {  	s4 =	sld [smem:$0x3FA8]  }
0x2a: {  	p0 =	seq.s32 s5, $0x0;
	s5 =	sld [smem:$0x3FA9]  }
0x2b: {  	s6 =	sld [smem:$0x3FAA]  }
0x2c: {  	s7 =	sld [smem:$0x3FAB]  }
0x2d: {  	s3 =	simm.s32 $0x108;
	s8 =	sld [smem:$0x3FAC]  }
0x2e: {  	s3 =	simm.s32 @!p0 $0x1082;
	s9 =	sld [smem:$0x3FAD]  }
0x2f: {  	lr =	sadd.s32 s0, s3;
	s0 =	sld [smem:$0x3FA4]  }
0x30: {  	s3 =	sld [smem:$0x3FA7]  }
0x31: {  	[smem:$0x3FB0] =	sst s10  }
0x32: {  	s10 =	sld [smem:$0x3FAE];
	_ =	sdelay $0x3  }
0x33: {  	p0 =	seq.s32 s10, $0x1;
	s10 =	sld [smem:$0x3FB0];
	_ =	sdelay $0x3  }
0x34: {  	[smem:$0x3FB0] =	sst s10  }
0x35: {  	s10 =	sld [smem:$0x3FAF];
	_ =	sdelay $0x3  }
0x36: {  	p1 =	seq.s32 s10, $0x1;
	s10 =	sld [smem:$0x3FB0];
	_ =	sdelay $0x3  }
0x37: {  	[smem:$0x3FB0] =	sst s10  }
0x38: {  	s10 =	sld [smem:$0x3FB1]  }
0x39: {  	_ = 	snop;
	(pc) =	sbr.ind lr, $3  }
0x3a: {  	_ = 	snop  }
0x3b: {  	_ = 	snop  }
0x3c: {  	p2 =	seq.s32 s10, $0x1;
	s10 =	sld [smem:$0x3FB0]  }
0x3d: {  	_ =	shalt  }
0x3e: {  	_ =	shalt  }
0x3f: {  	_ =	shalt  }
0x40: {  	_ =	shalt  }
0x41: {  	_ =	shalt  }
0x42: {  	_ =	shalt  }
0x43: {  	_ =	shalt  }
0x44: {  	_ =	shalt  }
0x45: {  	_ =	shalt  }
0x46: {  	_ =	shalt  }
0x47: {  	_ =	shalt  }
0x48: {  	_ =	shalt  }
0x49: {  	_ =	shalt  }
0x4a: {  	_ =	shalt  }
0x4b: {  	_ =	shalt  }
0x4c: {  	_ =	shalt  }
0x4d: {  	_ =	shalt  }
0x4e: {  	_ =	shalt  }
0x4f: {  	_ =	shalt  }
0x50: {  	_ =	shalt  }
0x51: {  	_ =	shalt  }
0x52: {  	_ =	shalt  }
0x53: {  	_ =	shalt  }
0x54: {  	_ =	shalt  }
0x55: {  	_ =	shalt  }
0x56: {  	_ =	shalt  }
0x57: {  	_ =	shalt  }
0x58: {  	_ =	shalt  }
0x59: {  	_ =	shalt  }
0x5a: {  	_ =	shalt  }
0x5b: {  	_ =	shalt  }
0x5c: {  	_ =	shalt  }
0x5d: {  	_ =	shalt  }
0x5e: {  	_ =	shalt  }
0x5f: {  	_ =	shalt  }
0x60: {  	_ =	shalt  }
0x61: {  	_ =	shalt  }
0x62: {  	_ =	shalt  }
0x63: {  	_ =	shalt  }
0x64: {  	_ =	shalt  }
0x65: {  	_ =	shalt  }
0x66: {  	_ =	shalt  }
0x67: {  	_ =	shalt  }
0x68: {  	_ =	shalt  }
0x69: {  	_ =	shalt  }
0x6a: {  	_ =	shalt  }
0x6b: {  	_ =	shalt  }
0x6c: {  	_ =	shalt  }
0x6d: {  	_ =	shalt  }
0x6e: {  	_ =	shalt  }
0x6f: {  	_ =	shalt  }
0x70: {  	_ =	shalt  }
0x71: {  	_ =	shalt  }
0x72: {  	_ =	shalt  }
0x73: {  	_ =	shalt  }
0x74: {  	_ =	shalt  }
0x75: {  	_ =	shalt  }
0x76: {  	_ =	shalt  }
0x77: {  	_ =	shalt  }
0x78: {  	_ =	shalt  }
0x79: {  	_ =	shalt  }
0x7a: {  	_ =	shalt  }
0x7b: {  	_ =	shalt  }
0x7c: {  	_ =	shalt  }
0x7d: {  	_ =	shalt  }
0x7e: {  	_ =	shalt  }
0x7f: {  	_ =	shalt  }
0x80: {  	_ =	shalt  }
0x81: {  	_ =	shalt  }
0x82: {  	_ =	shalt  }
0x83: {  	_ =	shalt  }
0x84: {  	_ =	shalt  }
0x85: {  	_ =	shalt  }
0x86: {  	_ =	shalt  }
0x87: {  	_ =	shalt  }
.Lfunc_end0:
.L_simem_size_0:
called_computation_lowered:
.L_overlay_start_0:
0x88: {  	s2 =	sld [smem:$0x3FD9]  }
0x89: {  	s3 =	sld [smem:$0x3FFE];
	_ =	sdelay $0x1  }
0x8a: {  	s1 =	srdreg.scid  }
0x8b: {  	s0 =	sand.u32 $0x1, s1  }
0x8c: {  	s17 =	sshll.u32 s0, $0xA;
	s2 =	sadd.s32 s3, s2  }
0x8d: {  	s2 =	sadd.s32 s2, s17  }
0x8e: {  	[smem:$0x3FBC] =	sst s2  }
0x8f: {  	_ = 	snop  }
0x90: {  	s2 =	sld [smem:$0x3FC1]  }
0x91: {  	s18 =	sld [smem:$0x3FD0];
	(tm) =	ssettm $0x1  }
0x92: {  	s4 =	sld [smem:$0x3FFB];
	_ =	sdelay $0x3  }
0x93: {  	_ =	strace s4  }
0x94: {  	s4 =	sld [smem:$0x3FFC];
	_ =	sdelay $0x3  }
0x95: {  	_ =	strace s4  }
0x96: {  	s4 =	sld [smem:$0x3FFD];
	_ =	sdelay $0x3  }
0x97: {  	_ =	strace s4  }
0x98: {  	_ =	strace $0x8FFFFFFF  }
0x99: {  	s19 =	sld [smem:$0x3FDB];
	_ =	sdelay $0x1  }
0x9a: {  	s5 =	simm.s32 $_scs_section_size  }
0x9b: {  	s6 =	simm.s32 $_size__tile_overlayer_lowered;
	s7 =	simm.s32 $_tile_overlayer_lowered  }
0x9c: {  	s22 =	simm.s32 $0x1BFF;
	s21 =	sshll.u32 s7, $0x1;
	s4 =	sadd.s32 s5, s19  }
0x9d: {  	s8 =	simm.s32 $0x0;
	s20 =	sshll.u32 s6, $0x1;
	s6 =	sadd.s32 s21, s4  }
0x9e: {  	[timem:s8], [sflag:s22] =	dma.local [hbm:s6], s20  }
0x9f: {  	_ =	swait.ge [sflag:s22], s20  }
0xa0: {  	s5 =	ssub.s32 $0x0, s20;
	[sflag:s22] =	ssyncset.done $0x0  }
0xa1: {  	[sflag:s22] =	ssyncadd.s32 s5;
	_ =	sdelay $0x1  }
0xa2: {  	s23 =	simm.s32 $0x1B8B  }
0xa3: {  	_ =	swait.ge [sflag:s23], $0x1  }
0xa4: {  	[sflag:s23] =	ssyncset.done $0x0  }
0xa5: {  	s25 =	simm.s32 $0x1B8E;
	s24 =	sld [smem:$0x3FFE];
	[sflag:s23] =	ssyncadd.s32 $0xFFFFFFFF  }
0xa6: {  	s26 =	simm.s32 $execute0_lowered;
	[smem:$0x3FD2] =	sst s25  }
0xa7: {  	s6 =	sshll.u32 s26, $0x1;
	_ =	strace $0x80000046;
	[dreg:$0x1] =	wrdreg $0xFFFFFFFF  }
0xa8: {  	s28 =	simm.s32 $_size_execute0_lowered;
	s4 =	sadd.s32 s4, s6;
	[dreg:$0x0] =	wrdreg $0x0  }
0xa9: {  	s6 =	sshll.u32 s28, $0x1;
	[dreg:$0x2] =	wrdreg s4  }
0xaa: {  	[dreg:$0x3] =	wrdreg s6  }
0xab: {  	[dreg:$0x4] =	wrdreg $0xC0  }
0xac: {  	_ =	task [dreg:s8], $0x5FFFF  }
0xad: {  	[dreg:$0x1] =	wrdreg $0xFFFFFFFF  }
0xae: {  	[dreg:$0x0] =	wrdreg $0x60  }
0xaf: {  	[dreg:$0x2] =	wrdreg s24  }
0xb0: {  	[dreg:$0x3] =	wrdreg s18  }
0xb1: {  	[dreg:$0x4] =	wrdreg s2  }
0xb2: {  	[dreg:$0x5] =	wrdreg $0x9  }
0xb3: {  	_ =	task.clear_ibuf [dreg:s8], $0x6FFFF;
	_ =	strace $0x90000046  }
0xb4: {  	s29 =	simm.s32 $0x9;
	_ =	strace $0x80000048  }
0xb5: {  	_ =	swait.ge [sflag:s29], $0x1  }
0xb6: {  	[sflag:s29] =	ssyncadd.s32 $0xFFFFFFFF  }
0xb7: {  	_ =	strace $0x90000048  }
0xb8: {  	_ =	sfence  }
0xb9: {  	s30 =	sld [smem:$0x0];
	_ =	sdelay $0x2  }
0xba: {  	s31 =	sshll.u32 s1, $0xD;
	s1 =	sshrl.u32 s1, $0x2  }
0xbb: {  	s3 =	sand.u32 $0x4000, s31;
	s1 =	sadd.s32 s1, s30  }
0xbc: {  	s0 =	sor.u32 s3, s0;
	s1 =	sshll.u32 s1, $0x11  }
0xbd: {  	s0 =	sor.u32 s1, s0  }
0xbe: {  	s0 =	sadd.s32 $0x8F2B, s0  }
0xbf: {  	[sflag:s0] =	ssyncadd.remote.s32 $0x1  }
0xc0: {  	_ =	sfence.sel $0xFFFF  }
0xc1: {  	[dreg:$0x0] =	wrdreg $0xFFFFFFFF;
	(pc) =	sbr.abs _section_cstart, $3  }
0xc2: {  	[dreg:$0x1] =	wrdreg $0xFFFFFFFF  }
0xc3: {  	_ =	task.clear_ibuf [dreg:s8], $0x2FFFF;
	_ =	strace $0x9FFFFFFF  }
0xc4: {  	(tm) =	ssettm $0x7FFFFFFF  }
0xc5: {  	_ =	shalt  }
tec
execute0_lowered:
.L_overlay_start_1:
0x0: {  	(tag) =	ssettag $0x1  }
0x1: {  	s0 =	rddreg [dreg:$0x0]  }
0x2: {  	s1 =	rddreg [dreg:$0x1];
	s4 =	simm.s32 $0x0;
	s2 =	srdreg.scid  }
0x3: {  	s3 =	stileid.u32;
	s19 =	simm.s32 $0x2;
	s20 =	simm.s32 $0x1900  }
0x4: {  	s21 =	simm.s32 $0x40;
	s22 =	simm.s32 $0x3280;
	s28 =	simm.s32 $0x1  }
0x5: {  	s29 =	simm.s32 $0x9380;
	s30 =	simm.s32 $0xE380;
	s31 =	simm.s32 $0x13380  }
0x6: {  	[smem:$0x7FF] =	sst s4;
	s5 =	sadd.s32 $0xCC00, s0;
	s2 =	sand.u32 $0x1, s2  }
0x7: {  	s3 =	sshll.u32 s3, $0x1;
	s6 =	sadd.s32 $0x2E00, s0;
	s7 =	sadd.s32 $0x16A00, s0  }
0x8: {  	s8 =	sadd.s32 $0x4F8A00, s0;
	s11 =	sadd.s32 $0x8DC00, s0;
	s3 =	sor.u32 s2, s3  }
0x9: {  	s12 =	sadd.s32 $0x3DC00, s0;
	s2 =	ssub.s32 $0x2, s2;
	s9 =	smul.u32 $0x140, s3  }
0xa: {  	s0 =	sadd.s32 $0x65C00, s0;
	s10 =	sshrl.u32 s2, $0x1;
	s3 =	smul.u32 $0x1400, s3  }
0xb: {  	_ =	strace $0x80000047;
	s2 =	ssub.s32 s2, s10;
	s10 =	sadd.s32 $0xA0, s9  }
0xc: {  	s13 =	sadd.s32 s11, s3;
	s23 =	sadd.s32 s12, s3;
	s3 =	sadd.s32 s0, s3  }
0xd: {  	s24 =	sadd.s32 $0x140, s9;
	s17 =	smax.u32 s2, $0x1;
	[dreg:$0x4] =	wrdreg s13  }
.Ltmp0:
0xe: {  	v3 =	vimm.s32 $0x0;
	[dreg:$0x5] =	wrdreg s23;
	s25 =	sshll.u32 s10, $0x4;
	(pc) =	sbr.rel .LBB2_1-.Ltmp0, $4  }
0xf: {  	v4 =	vimm.f32 $0.0e+00;
	vm0 =	vmmov $0x1;
	vm1 =	vcmask $0x320;
	[dreg:$0x6] =	wrdreg s3;
	s23 =	simm.s32 $0x3380;
	s11 =	sadd.s32 s11, s25  }
0x10: {  	vm2 =	vcmask $0x720;
	vm3 =	vcmask $0xB20;
	v2 =	vmov s24;
	s24 =	simm.s32 $0x5380;
	s26 =	sadd.s32 s12, s25;
	[dreg:$0x7] =	wrdreg s11  }
0x11: {  	vm4 =	vcmask $0xF20;
	vm5 =	vcmask $0x1320;
	vm6 =	vcmask $0x1720;
	s0 =	sadd.s32 s0, s25;
	s25 =	simm.s32 $0x3300;
	[dreg:$0x8] =	wrdreg s26  }
0x12: {  	vm7 =	vcmask $0x1B20;
	v0 =	vmov s9;
	v1 =	vmov s10;
	[dreg:$0x9] =	wrdreg s0;
	s26 =	simm.s32 $0x7380;
	s0 =	simm.s32 $0x0  }
.LBB2_31:
0x13: {  	s2 =	rddreg [dreg:$0x7]  }
0x14: {  	[hbm4b:s2+s4] =	stream.linear.scatter [tilespmem:s29], [sflag:$0x2], $0x5000, $0x38;
	[tilespmem:$0x18780] =	vst v63  }
0x15: {  	_ =	swait.ge [sflag:s19], $0x5000  }
0x16: {  	[sflag:s19] =	ssyncset.done $0x0  }
0x17: {  	s16 =	rddreg [dreg:$0x8];
	[sflag:s19] =	ssyncadd.s32 $0xFFFFB000  }
0x18: {  	[hbm4b:s16+s4] =	stream.linear.scatter [tilespmem:s30], [sflag:$0x2], $0x5000, $0x38;
	[tilespmem:$0x18780] =	vst v63  }
0x19: {  	s0 =	sadd.s32 $0x1, s0;
	_ =	swait.ge [sflag:s19], $0x5000  }
0x1a: {  	p0 =	sne.s32 s0, s17;
	[sflag:s19] =	ssyncset.done $0x0  }
.Ltmp1:
0x1b: {  	s18 =	rddreg [dreg:$0x9];
	[sflag:s19] =	ssyncadd.s32 $0xFFFFB000;
	(pc) =	sbr.rel @!p0 .LBB2_32-.Ltmp1, $4  }
0x1c: {  	[hbm4b:s18+s4] =	stream.linear.scatter [tilespmem:s31], [sflag:$0x2], $0x5000, $0x38;
	[tilespmem:$0x18780] =	vst v63  }
0x1d: {  	_ =	swait.ge [sflag:s19], $0x5000  }
0x1e: {  	[sflag:s19] =	ssyncset.done $0x0  }
0x1f: {  	[sflag:s19] =	ssyncadd.s32 $0xFFFFB000  }
.LBB2_1:
0x20: {  	[tilespmem:$0x3200] =	vst v3  }
0x21: {  	[tilespmem:$0x3280] =	vst v3  }
0x22: {  	[tilespmem:$0x3300] =	vst v3  }
0x23: {  	[tilespmem:$0x3210] =	vst v3  }
0x24: {  	[tilespmem:$0x3290] =	vst v3  }
0x25: {  	[tilespmem:$0x3310] =	vst v3  }
0x26: {  	[tilespmem:$0x3220] =	vst v3  }
0x27: {  	[tilespmem:$0x32A0] =	vst v3  }
0x28: {  	[tilespmem:$0x3320] =	vst v3  }
0x29: {  	[tilespmem:$0x3230] =	vst v3  }
0x2a: {  	[tilespmem:$0x32B0] =	vst v3  }
0x2b: {  	[tilespmem:$0x3330] =	vst v3  }
0x2c: {  	[tilespmem:$0x3240] =	vst v3  }
0x2d: {  	[tilespmem:$0x32C0] =	vst v3  }
0x2e: {  	[tilespmem:$0x3340] =	vst v3  }
0x2f: {  	[tilespmem:$0x3250] =	vst v3  }
0x30: {  	[tilespmem:$0x32D0] =	vst v3  }
0x31: {  	[tilespmem:$0x3350] =	vst v3;
	s2 =	rddreg [dreg:$0x2];
	s3 =	simm.s32 $0x18380  }
0x32: {  	[tilespmem:s3], [sflag:$0x2] =	stream.linear.gather [hbm4b:s2+s4], $0x400, $0x38;
	[tilespmem:$0x18780] =	vst v63  }
0x33: {  	_ =	swait.ge [sflag:s19], $0x400  }
0x34: {  	[sflag:s19] =	ssyncset.done $0x0  }
0x35: {  	s3 =	simm.s32 $0x0;
	s2 =	simm.s32 $0x200;
	[sflag:s19] =	ssyncadd.s32 $0xFFFFFC00  }
.LBB2_2:
0x36: {  	p0 =	sne.s32 s2, $0x13E00;
	[tilespmem:s3+$0xE380] =	vst v4  }
0x37: {  	[tilespmem:s3+$0x9380] =	vst v4  }
0x38: {  	[tilespmem:s3+$0x13380] =	vst v4  }
0x39: {  	[tilespmem:s3+$0x9390] =	vst v4  }
0x3a: {  	[tilespmem:s3+$0x13390] =	vst v4  }
0x3b: {  	[tilespmem:s3+$0x93A0] =	vst v4  }
0x3c: {  	[tilespmem:s3+$0x133A0] =	vst v4  }
0x3d: {  	[tilespmem:s3+$0x93B0] =	vst v4  }
0x3e: {  	[tilespmem:s3+$0x133B0] =	vst v4  }
0x3f: {  	[tilespmem:s3+$0x93C0] =	vst v4  }
0x40: {  	[tilespmem:s3+$0x133C0] =	vst v4  }
0x41: {  	[tilespmem:s3+$0x93D0] =	vst v4  }
.Ltmp2:
0x42: {  	[tilespmem:s3+$0x133D0] =	vst v4;
	(pc) =	sbr.rel @p0 .LBB2_2-.Ltmp2, $4  }
0x43: {  	[tilespmem:s3+$0x93E0] =	vst v4  }
0x44: {  	[tilespmem:s3+$0x133E0] =	vst v4  }
0x45: {  	[tilespmem:s3+$0x93F0] =	vst v4  }
0x46: {  	[tilespmem:s3+$0x133F0] =	vst v4;
	s3 =	sshra.s32 s2, $0x2;
	s2 =	sadd.s32 $0x200, s2  }
0x47: {  	[tilespmem:s3+$0xE380] =	vst v4  }
0x48: {  	[tilespmem:s3+$0x9380] =	vst v4  }
0x49: {  	[tilespmem:s3+$0x13380] =	vst v4  }
0x4a: {  	[tilespmem:s3+$0x9390] =	vst v4  }
0x4b: {  	[tilespmem:s3+$0x13390] =	vst v4  }
0x4c: {  	[tilespmem:s3+$0x93A0] =	vst v4  }
0x4d: {  	[tilespmem:s3+$0x133A0] =	vst v4  }
0x4e: {  	[tilespmem:s3+$0x93B0] =	vst v4  }
0x4f: {  	[tilespmem:s3+$0x133B0] =	vst v4  }
0x50: {  	[tilespmem:s3+$0x93C0] =	vst v4  }
0x51: {  	[tilespmem:s3+$0x133C0] =	vst v4  }
0x52: {  	[tilespmem:s3+$0x93D0] =	vst v4  }
.Ltmp3:
0x53: {  	[tilespmem:s3+$0x133D0] =	vst v4;
	(pc) =	sbr.rel .LBB2_4-.Ltmp3, $4  }
0x54: {  	[tilespmem:s3+$0x93E0] =	vst v4  }
0x55: {  	[tilespmem:s3+$0x133E0] =	vst v4  }
0x56: {  	[tilespmem:s3+$0x93F0] =	vst v4  }
0x57: {  	s2 =	simm.s32 $0x0;
	[tilespmem:s3+$0x133F0] =	vst v4;
	s3 =	simm.s32 $0x0;
	s18 =	simm.s32 $0x0  }
.LBB2_10:
0x58: {  	s18 =	sadd.s32 $0x1, s18  }
0x59: {  	p0 =	sne.s32 s18, $0x32  }
.Ltmp4:
0x5a: {  	_ = 	snop;
	(pc) =	sbr.rel @!p0 .LBB2_11-.Ltmp4, $1  }
0x5b: {  	_ =	sdelay $0x3  }
.LBB2_4:
0x5c: {  	s11 =	smul.u32 $0x1900, s18;
	_ =	sdelay $0x1  }
0x5d: {  	s12 =	sshrl.u32 s11, $0x3  }
0x5e: {  	s13 =	sadd.s32 s6, s12  }
0x5f: {  	[tilespmem:s2], [sflag:$0x2] =	stream.linear.gather [hbm4b:s13+s2], $0x1900, $0x38;
	[tilespmem:$0x18780] =	vst v63  }
0x60: {  	_ =	swait.ge [sflag:s19], $0x1900  }
0x61: {  	[sflag:s19] =	ssyncset.done $0x0  }
.Ltmp5:
0x62: {  	s12 =	sadd.s32 s5, s12;
	[sflag:s19] =	ssyncadd.s32 $0xFFFFE700;
	(pc) =	sbr.rel .LBB2_5-.Ltmp5, $4  }
0x63: {  	[tilespmem:s20], [sflag:$0x2] =	stream.linear.gather [hbm4b:s12+s2], $0x1900, $0x38;
	[tilespmem:$0x18780] =	vst v63  }
0x64: {  	_ =	swait.ge [sflag:s19], $0x1900  }
0x65: {  	[sflag:s19] =	ssyncset.done $0x0  }
0x66: {  	s12 =	simm.s32 $0x0;
	[sflag:s19] =	ssyncadd.s32 $0xFFFFE700  }
.LBB2_9:
0x67: {  	s12 =	sadd.s32 $0x1, s12  }
0x68: {  	p1 =	sne.s32 s12, $0x190  }
.Ltmp6:
0x69: {  	_ = 	snop;
	(pc) =	sbr.rel @!p1 .LBB2_10-.Ltmp6, $3  }
0x6a: {  	_ =	sdelay $0x1  }
0x6b: {  	p0 =	sgt.s32 s3, $0x3F;
	s13 =	sadd.s32 $0xFFFFFFC0, s3  }
0x6c: {  	s3 =	smov.u32 @p0 s13  }
.LBB2_5:
0x6d: {  	s13 =	sshll.u32 s12, $0x4  }
0x6e: {  	v5 =	vld [tilespmem:s13+$0x0];
	_ =	sdelay $0x4  }
0x6f: {  	vm8 =	vge.s32 v5, v0;
	vm9 =	vlt.s32 v5, v1  }
0x70: {  	vm8 =	vmand vm8, vm9  }
0x71: {  	v6 =	vmpcnt.ones.xlane vm8;
	_ =	sdelay $0x1  }
0x72: {  	(v2sf) =	vpush v6, $0x0;
	_ =	sdelay $0xe  }
0x73: {  	s14 =	spop (v2sf)  }
0x74: {  	p0 =	slt.s32 s14, $0x1  }
0x75: {  	[tilespmem:s3+$0x3200] =	vst.msk @!p0 vm8, v5  }
0x76: {  	v5 =	vld @!p0 [tilespmem:s13+$0x1900];
	_ =	sdelay $0x3  }
0x77: {  	v6 =	vlaneseq.u32 @!p0;
	s13 =	sadd.s32 @!p0 s11, s13  }
0x78: {  	[tilespmem:s3+$0x3280] =	vst.msk @!p0 vm8, v5;
	v5 =	vor.u32 @!p0 s13, v6  }
0x79: {  	[tilespmem:s3+$0x3300] =	vst.msk @!p0 vm8, v5;
	s3 =	sadd.s32 s3, s14  }
0x7a: {  	p0 =	slt.s32 s3, $0x40  }
.Ltmp7:
0x7b: {  	_ = 	snop;
	(pc) =	sbr.rel @p0 .LBB2_9-.Ltmp7, $1  }
0x7c: {  	_ =	sdelay $0x3  }
0x7d: {  	[tilespmem:s23], [sflag:$0x1] =	stream.indirect.gather [hbm4b:s1+s21], $0x80, s22, s21, $0xb8;
	[tilespmem:$0x18780] =	vst v63  }
0x7e: {  	s13 =	simm.s32 $0x3200  }
0x7f: {  	[tilespmem:s24], [sflag:$0x1] =	stream.indirect.gather [hbm4b:s7+s21], $0x80, s13, s21, $0xb8;
	[tilespmem:$0x18780] =	vst v63  }
0x80: {  	_ = 	snop  }
0x81: {  	[tilespmem:s26], [sflag:$0x1] =	stream.indirect.gather [hbm4b:s8+s21], $0x80, s25, s21, $0xb8;
	[tilespmem:$0x18780] =	vst v63  }
0x82: {  	_ =	swait.ge [sflag:s28], $0x2000  }
0x83: {  	[sflag:s28] =	ssyncset.done $0x0  }
0x84: {  	[sflag:s28] =	ssyncadd.s32 $0xFFFFE000  }
0x85: {  	_ =	swait.ge [sflag:s28], $0x2000  }
0x86: {  	[sflag:s28] =	ssyncset.done $0x0  }
0x87: {  	[sflag:s28] =	ssyncadd.s32 $0xFFFFE000  }
0x88: {  	_ =	swait.ge [sflag:s28], $0x2000  }
0x89: {  	[sflag:s28] =	ssyncset.done $0x0  }
0x8a: {  	s14 =	simm.s32 $0x0;
	[sflag:s28] =	ssyncadd.s32 $0xFFFFE000  }
.LBB2_7:
0x8b: {  	s16 =	sshra.s32 s14, $0x2  }
0x8c: {  	v6 =	vld [tilespmem:s16+$0x3380]  }
0x8d: {  	v5 =	vld [tilespmem:s16+$0x5380];
	_ =	sdelay $0x1  }
0x8e: {  	v7 =	vld [tilespmem:s16+$0x7380];
	_ =	sdelay $0x2  }
0x8f: {  	v5 =	vadd.f32 v5, v6;
	_ =	sdelay $0x1  }
0x90: {  	v8 =	vld [tilespmem:$0x18380];
	v5 =	vadd.f32 v5, v7;
	_ =	sdelay $0x1  }
0x91: {  	v9 =	vmul.f32 $2.000000030e-01, v5;
	_ =	sdelay $0x1  }
0x92: {  	v5 =	vmax.f32 v5, v9  }
0x93: {  	v22 =	vld [tilespmem:s13+$0x0];
	v5 =	vmul.f32 v5, v8;
	_ =	sdelay $0x1  }
0x94: {  	(xrf2) =	vadd.scan.msk.f32 $0xffff, v5;
	_ =	sdelay $0x2  }
0x95: {  	(v2sf) =	vpush v22, $0x0;
	_ =	sdelay $0x6  }
0x96: {  	v5, _, _ =	vpop (xrf2)  }
0x97: {  	v5 =	vmul.f32 $1.442695020e+00, v5;
	_ =	sdelay $0x1  }
0x98: {  	v5 =	vbroadcast v5, $0xF;
	_ =	sdelay $0x1  }
0x99: {  	(erf) = vpow2.f32 v5;
	_ =	sdelay $0x2  }
0x9a: {  	s15 =	spop (v2sf)  }
0x9b: {  	s15 =	ssub.s32 s15, s9  }
0x9c: {  	s15 =	sshll.u32 s15, $0x7  }
0x9d: {  	v24 =	vld [tilespmem:s15+$0x13380]  }
0x9e: {  	v23 =	vld [tilespmem:s15+$0x9380];
	_ =	sdelay $0x1  }
0x9f: {  	v5 =	vpop (erf)  }
0xa0: {  	v6 =	vmul.f32 v5, v6  }
0xa1: {  	v7 =	vadd.f32 v24, v7  }
0xa2: {  	v6 =	vadd.f32 v6, v23  }
0xa3: {  	[tilespmem:s15+$0x13380] =	vst v7  }
0xa4: {  	[tilespmem:s15+$0x9380] =	vst v6  }
0xa5: {  	v7 =	vld [tilespmem:s16+$0x3390]  }
0xa6: {  	v6 =	vld [tilespmem:s16+$0x5390];
	_ =	sdelay $0x1  }
0xa7: {  	v25 =	vld [tilespmem:s16+$0x7390];
	_ =	sdelay $0x2  }
0xa8: {  	v6 =	vadd.f32 v6, v7;
	_ =	sdelay $0x1  }
0xa9: {  	v26 =	vld [tilespmem:$0x18400];
	v6 =	vadd.f32 v6, v25;
	_ =	sdelay $0x1  }
0xaa: {  	v10 =	vmul.f32 $2.000000030e-01, v6;
	_ =	sdelay $0x1  }
0xab: {  	v6 =	vmax.f32 v6, v10  }
0xac: {  	v6 =	vmul.f32 v6, v26;
	_ =	sdelay $0x1  }
0xad: {  	(xrf2) =	vadd.scan.msk.f32 $0xffff, v6;
	_ =	sdelay $0x9  }
0xae: {  	v6, _, _ =	vpop (xrf2)  }
0xaf: {  	v6 =	vmul.f32 $1.442695020e+00, v6;
	_ =	sdelay $0x1  }
0xb0: {  	v6 =	vbroadcast v6, $0xF;
	_ =	sdelay $0x1  }
0xb1: {  	(erf) = vpow2.f32 v6;
	_ =	sdelay $0x5  }
0xb2: {  	v28 =	vld [tilespmem:s15+$0x13390]  }
0xb3: {  	v27 =	vld [tilespmem:s15+$0x9390];
	_ =	sdelay $0x1  }
0xb4: {  	v6 =	vpop (erf)  }
0xb5: {  	v7 =	vmul.f32 v6, v7  }
0xb6: {  	v8 =	vadd.f32 v28, v25  }
0xb7: {  	v7 =	vadd.f32 v7, v27  }
0xb8: {  	[tilespmem:s15+$0x13390] =	vst v8  }
0xb9: {  	[tilespmem:s15+$0x9390] =	vst v7  }
0xba: {  	v7 =	vld [tilespmem:s16+$0x33A0]  }
0xbb: {  	v8 =	vld [tilespmem:s16+$0x53A0];
	_ =	sdelay $0x1  }
0xbc: {  	v29 =	vld [tilespmem:s16+$0x73A0];
	_ =	sdelay $0x2  }
0xbd: {  	v8 =	vadd.f32 v8, v7;
	_ =	sdelay $0x1  }
0xbe: {  	v30 =	vld [tilespmem:$0x18480];
	v8 =	vadd.f32 v8, v29;
	_ =	sdelay $0x1  }
0xbf: {  	v11 =	vmul.f32 $2.000000030e-01, v8;
	_ =	sdelay $0x1  }
0xc0: {  	v8 =	vmax.f32 v8, v11  }
0xc1: {  	v8 =	vmul.f32 v8, v30;
	_ =	sdelay $0x1  }
0xc2: {  	(xrf2) =	vadd.scan.msk.f32 $0xffff, v8;
	_ =	sdelay $0x9  }
0xc3: {  	v8, _, _ =	vpop (xrf2)  }
0xc4: {  	v8 =	vmul.f32 $1.442695020e+00, v8;
	_ =	sdelay $0x1  }
0xc5: {  	v8 =	vbroadcast v8, $0xF;
	_ =	sdelay $0x1  }
0xc6: {  	(erf) = vpow2.f32 v8;
	_ =	sdelay $0x5  }
0xc7: {  	v32 =	vld [tilespmem:s15+$0x133A0]  }
0xc8: {  	v31 =	vld [tilespmem:s15+$0x93A0];
	_ =	sdelay $0x1  }
0xc9: {  	v33 =	vpop (erf)  }
0xca: {  	v7 =	vmul.f32 v33, v7  }
0xcb: {  	v34 =	vadd.f32 v32, v29  }
0xcc: {  	v7 =	vadd.f32 v7, v31  }
0xcd: {  	[tilespmem:s15+$0x133A0] =	vst v34  }
0xce: {  	[tilespmem:s15+$0x93A0] =	vst v7  }
0xcf: {  	v7 =	vld [tilespmem:s16+$0x33B0]  }
0xd0: {  	v8 =	vld [tilespmem:s16+$0x53B0];
	_ =	sdelay $0x1  }
0xd1: {  	v35 =	vld [tilespmem:s16+$0x73B0];
	_ =	sdelay $0x2  }
0xd2: {  	v8 =	vadd.f32 v8, v7;
	_ =	sdelay $0x1  }
0xd3: {  	v36 =	vld [tilespmem:$0x18500];
	v8 =	vadd.f32 v8, v35;
	_ =	sdelay $0x1  }
0xd4: {  	v12 =	vmul.f32 $2.000000030e-01, v8;
	_ =	sdelay $0x1  }
0xd5: {  	v8 =	vmax.f32 v8, v12  }
0xd6: {  	v8 =	vmul.f32 v8, v36;
	_ =	sdelay $0x1  }
0xd7: {  	(xrf2) =	vadd.scan.msk.f32 $0xffff, v8;
	_ =	sdelay $0x9  }
0xd8: {  	v8, _, _ =	vpop (xrf2)  }
0xd9: {  	v8 =	vmul.f32 $1.442695020e+00, v8;
	_ =	sdelay $0x1  }
0xda: {  	v8 =	vbroadcast v8, $0xF;
	_ =	sdelay $0x1  }
0xdb: {  	(erf) = vpow2.f32 v8;
	_ =	sdelay $0x5  }
0xdc: {  	v38 =	vld [tilespmem:s15+$0x133B0]  }
0xdd: {  	v37 =	vld [tilespmem:s15+$0x93B0];
	_ =	sdelay $0x1  }
0xde: {  	v39 =	vpop (erf)  }
0xdf: {  	v7 =	vmul.f32 v39, v7  }
0xe0: {  	v40 =	vadd.f32 v38, v35  }
0xe1: {  	v7 =	vadd.f32 v7, v37  }
0xe2: {  	[tilespmem:s15+$0x133B0] =	vst v40  }
0xe3: {  	[tilespmem:s15+$0x93B0] =	vst v7  }
0xe4: {  	v7 =	vld [tilespmem:s16+$0x33C0]  }
0xe5: {  	v8 =	vld [tilespmem:s16+$0x53C0];
	_ =	sdelay $0x1  }
0xe6: {  	v41 =	vld [tilespmem:s16+$0x73C0];
	_ =	sdelay $0x2  }
0xe7: {  	v8 =	vadd.f32 v8, v7;
	_ =	sdelay $0x1  }
0xe8: {  	v42 =	vld [tilespmem:$0x18580];
	v8 =	vadd.f32 v8, v41;
	_ =	sdelay $0x1  }
0xe9: {  	v13 =	vmul.f32 $2.000000030e-01, v8;
	_ =	sdelay $0x1  }
0xea: {  	v8 =	vmax.f32 v8, v13  }
0xeb: {  	v8 =	vmul.f32 v8, v42;
	_ =	sdelay $0x1  }
0xec: {  	(xrf2) =	vadd.scan.msk.f32 $0xffff, v8;
	_ =	sdelay $0x9  }
0xed: {  	v8, _, _ =	vpop (xrf2)  }
0xee: {  	v8 =	vmul.f32 $1.442695020e+00, v8;
	_ =	sdelay $0x1  }
0xef: {  	v8 =	vbroadcast v8, $0xF;
	_ =	sdelay $0x1  }
0xf0: {  	(erf) = vpow2.f32 v8;
	_ =	sdelay $0x5  }
0xf1: {  	v44 =	vld [tilespmem:s15+$0x133C0]  }
0xf2: {  	v43 =	vld [tilespmem:s15+$0x93C0];
	_ =	sdelay $0x1  }
0xf3: {  	v45 =	vpop (erf)  }
0xf4: {  	v7 =	vmul.f32 v45, v7  }
0xf5: {  	v46 =	vadd.f32 v44, v41  }
0xf6: {  	v7 =	vadd.f32 v7, v43  }
0xf7: {  	[tilespmem:s15+$0x133C0] =	vst v46  }
0xf8: {  	[tilespmem:s15+$0x93C0] =	vst v7  }
0xf9: {  	v7 =	vld [tilespmem:s16+$0x33D0]  }
0xfa: {  	v8 =	vld [tilespmem:s16+$0x53D0];
	_ =	sdelay $0x1  }
0xfb: {  	v47 =	vld [tilespmem:s16+$0x73D0];
	_ =	sdelay $0x2  }
0xfc: {  	v8 =	vadd.f32 v8, v7;
	_ =	sdelay $0x1  }
0xfd: {  	v48 =	vld [tilespmem:$0x18600];
	v8 =	vadd.f32 v8, v47;
	_ =	sdelay $0x1  }
0xfe: {  	v14 =	vmul.f32 $2.000000030e-01, v8;
	_ =	sdelay $0x1  }
0xff: {  	v8 =	vmax.f32 v8, v14  }
0x100: {  	v8 =	vmul.f32 v8, v48;
	_ =	sdelay $0x1  }
0x101: {  	(xrf2) =	vadd.scan.msk.f32 $0xffff, v8;
	_ =	sdelay $0x9  }
0x102: {  	v8, _, _ =	vpop (xrf2)  }
0x103: {  	v8 =	vmul.f32 $1.442695020e+00, v8;
	_ =	sdelay $0x1  }
0x104: {  	v8 =	vbroadcast v8, $0xF;
	_ =	sdelay $0x1  }
0x105: {  	(erf) = vpow2.f32 v8;
	_ =	sdelay $0x5  }
0x106: {  	v50 =	vld [tilespmem:s15+$0x133D0]  }
0x107: {  	v49 =	vld [tilespmem:s15+$0x93D0];
	_ =	sdelay $0x1  }
0x108: {  	v51 =	vpop (erf)  }
0x109: {  	v7 =	vmul.f32 v51, v7  }
0x10a: {  	v52 =	vadd.f32 v50, v47  }
0x10b: {  	v7 =	vadd.f32 v7, v49  }
0x10c: {  	[tilespmem:s15+$0x133D0] =	vst v52  }
0x10d: {  	[tilespmem:s15+$0x93D0] =	vst v7  }
0x10e: {  	v7 =	vld [tilespmem:s16+$0x33E0]  }
0x10f: {  	v8 =	vld [tilespmem:s16+$0x53E0];
	_ =	sdelay $0x1  }
0x110: {  	v53 =	vld [tilespmem:s16+$0x73E0];
	_ =	sdelay $0x2  }
0x111: {  	v8 =	vadd.f32 v8, v7;
	_ =	sdelay $0x1  }
0x112: {  	v54 =	vld [tilespmem:$0x18680];
	v8 =	vadd.f32 v8, v53;
	_ =	sdelay $0x1  }
0x113: {  	v15 =	vmul.f32 $2.000000030e-01, v8;
	_ =	sdelay $0x1  }
0x114: {  	v8 =	vmax.f32 v8, v15  }
0x115: {  	v8 =	vmul.f32 v8, v54;
	_ =	sdelay $0x1  }
0x116: {  	(xrf2) =	vadd.scan.msk.f32 $0xffff, v8;
	_ =	sdelay $0x9  }
0x117: {  	v8, _, _ =	vpop (xrf2)  }
0x118: {  	v8 =	vmul.f32 $1.442695020e+00, v8;
	_ =	sdelay $0x1  }
0x119: {  	v8 =	vbroadcast v8, $0xF;
	_ =	sdelay $0x1  }
0x11a: {  	(erf) = vpow2.f32 v8;
	_ =	sdelay $0x5  }
0x11b: {  	v56 =	vld [tilespmem:s15+$0x133E0]  }
0x11c: {  	v55 =	vld [tilespmem:s15+$0x93E0];
	_ =	sdelay $0x1  }
0x11d: {  	v57 =	vpop (erf)  }
0x11e: {  	v7 =	vmul.f32 v57, v7  }
0x11f: {  	v58 =	vadd.f32 v56, v53  }
0x120: {  	v7 =	vadd.f32 v7, v55  }
0x121: {  	[tilespmem:s15+$0x133E0] =	vst v58  }
0x122: {  	[tilespmem:s15+$0x93E0] =	vst v7  }
0x123: {  	v7 =	vld [tilespmem:s16+$0x33F0]  }
0x124: {  	v8 =	vld [tilespmem:s16+$0x53F0];
	_ =	sdelay $0x1  }
0x125: {  	v59 =	vld [tilespmem:s16+$0x73F0];
	_ =	sdelay $0x2  }
0x126: {  	v8 =	vadd.f32 v8, v7;
	_ =	sdelay $0x1  }
0x127: {  	v60 =	vld [tilespmem:$0x18700];
	v8 =	vadd.f32 v8, v59;
	_ =	sdelay $0x1  }
0x128: {  	v16 =	vmul.f32 $2.000000030e-01, v8;
	_ =	sdelay $0x1  }
0x129: {  	v8 =	vmax.f32 v8, v16  }
0x12a: {  	v8 =	vmul.f32 v8, v60;
	_ =	sdelay $0x1  }
0x12b: {  	(xrf2) =	vadd.scan.msk.f32 $0xffff, v8;
	_ =	sdelay $0x9  }
0x12c: {  	v8, _, _ =	vpop (xrf2)  }
0x12d: {  	v8 =	vmul.f32 $1.442695020e+00, v8;
	_ =	sdelay $0x1  }
0x12e: {  	v8 =	vbroadcast v8, $0xF;
	_ =	sdelay $0x1  }
0x12f: {  	(erf) = vpow2.f32 v8;
	_ =	sdelay $0x2  }
0x130: {  	v5 =	vnsel vm0, $0x3F800000, v5  }
0x131: {  	v5 =	vsel vm1, v5, v6  }
0x132: {  	v5 =	vsel vm2, v5, v33  }
0x133: {  	v63 =	vld [tilespmem:s15+$0xE380];
	v5 =	vsel vm3, v5, v39  }
0x134: {  	v6 =	vld [tilespmem:s15+$0x93F0];
	v5 =	vsel vm4, v5, v45  }
0x135: {  	v61 =	vld [tilespmem:s15+$0x133F0];
	v5 =	vsel vm5, v5, v51  }
0x136: {  	v5 =	vsel vm6, v5, v57;
	v62 =	vpop (erf)  }
0x137: {  	p0 =	sne.s32 s14, $0x7E00;
	v7 =	vmul.f32 v62, v7;
	v5 =	vsel vm7, v5, v62  }
.Ltmp8:
0x138: {  	v5 =	vadd.f32 v5, v63;
	(pc) =	sbr.rel @p0 .LBB2_7-.Ltmp8, $4  }
0x139: {  	v6 =	vadd.f32 v7, v6  }
0x13a: {  	v7 =	vadd.f32 v61, v59;
	[tilespmem:s15+$0xE380] =	vst v5  }
0x13b: {  	[tilespmem:s15+$0x93F0] =	vst v6  }
0x13c: {  	s13 =	sadd.s32 $0x1, s13;
	s14 =	sadd.s32 $0x200, s14;
	[tilespmem:s15+$0x133F0] =	vst v7  }
0x13d: {  	v5 =	vld [tilespmem:$0x3240]  }
0x13e: {  	v6 =	vld [tilespmem:$0x32C0]  }
0x13f: {  	v7 =	vld [tilespmem:$0x3340]  }
.Ltmp9:
0x140: {  	_ = 	snop;
	(pc) =	sbr.rel .LBB2_9-.Ltmp9, $4  }
0x141: {  	_ = 	snop  }
0x142: {  	[tilespmem:$0x3200] =	vst v5  }
0x143: {  	[tilespmem:$0x3280] =	vst v6  }
0x144: {  	[tilespmem:$0x3300] =	vst v7  }
.LBB2_11:
0x145: {  	p0 =	slt.s32 s3, $0x1  }
.Ltmp10:
0x146: {  	_ = 	snop;
	(pc) =	sbr.rel @p0 .LBB2_16-.Ltmp10, $1  }
0x147: {  	_ =	sdelay $0x3  }
0x148: {  	[tilespmem:s23], [sflag:$0x1] =	stream.indirect.gather [hbm4b:s1+s21], $0x80, s22, s21, $0xb8;
	[tilespmem:$0x18780] =	vst v63  }
0x149: {  	s2 =	simm.s32 $0x3200  }
0x14a: {  	[tilespmem:s24], [sflag:$0x1] =	stream.indirect.gather [hbm4b:s7+s21], $0x80, s2, s21, $0xb8;
	[tilespmem:$0x18780] =	vst v63  }
0x14b: {  	_ = 	snop  }
0x14c: {  	[tilespmem:s26], [sflag:$0x1] =	stream.indirect.gather [hbm4b:s8+s21], $0x80, s25, s21, $0xb8;
	[tilespmem:$0x18780] =	vst v63  }
0x14d: {  	_ =	swait.ge [sflag:s28], $0x2000  }
0x14e: {  	[sflag:s28] =	ssyncset.done $0x0  }
0x14f: {  	[sflag:s28] =	ssyncadd.s32 $0xFFFFE000  }
0x150: {  	_ =	swait.ge [sflag:s28], $0x2000  }
.Ltmp11:
0x151: {  	[sflag:s28] =	ssyncset.done $0x0;
	(pc) =	sbr.rel .LBB2_13-.Ltmp11, $4  }
0x152: {  	[sflag:s28] =	ssyncadd.s32 $0xFFFFE000  }
0x153: {  	_ =	swait.ge [sflag:s28], $0x2000  }
0x154: {  	s11 =	simm.s32 $0x0;
	s12 =	simm.s32 $0x53C0;
	[sflag:s28] =	ssyncset.done $0x0  }
0x155: {  	s13 =	simm.s32 $0x73C0;
	s18 =	simm.s32 $0x33C0;
	[sflag:s28] =	ssyncadd.s32 $0xFFFFE000  }
.LBB2_15:
0x156: {  	s11 =	sadd.s32 $0x1, s11  }
0x157: {  	p0 =	sne.s32 s11, $0x40  }
.Ltmp12:
0x158: {  	_ = 	snop;
	(pc) =	sbr.rel @!p0 .LBB2_16-.Ltmp12, $3  }
0x159: {  	_ =	sdelay $0x1  }
0x15a: {  	s2 =	sadd.s32 $0x1, s2  }
0x15b: {  	s12 =	sadd.s32 $0x80, s12;
	s13 =	sadd.s32 $0x80, s13;
	s18 =	sadd.s32 $0x80, s18  }
.LBB2_13:
0x15c: {  	p0 =	sge.s32 s11, s3  }
.Ltmp13:
0x15d: {  	_ = 	snop;
	(pc) =	sbr.rel @p0 .LBB2_15-.Ltmp13, $1  }
0x15e: {  	_ =	sdelay $0x3  }
0x15f: {  	v6 =	vld [tilespmem:s18+$0xFFFFFFC0]  }
0x160: {  	v5 =	vld [tilespmem:s12+$0xFFFFFFC0];
	_ =	sdelay $0x1  }
0x161: {  	v7 =	vld [tilespmem:s13+$0xFFFFFFC0];
	_ =	sdelay $0x2  }
0x162: {  	v5 =	vadd.f32 v5, v6;
	_ =	sdelay $0x1  }
0x163: {  	v8 =	vld [tilespmem:$0x18380];
	v5 =	vadd.f32 v5, v7;
	_ =	sdelay $0x1  }
0x164: {  	v9 =	vmul.f32 $2.000000030e-01, v5;
	_ =	sdelay $0x1  }
0x165: {  	v5 =	vmax.f32 v5, v9  }
0x166: {  	v22 =	vld [tilespmem:s2+$0x0];
	v5 =	vmul.f32 v5, v8;
	_ =	sdelay $0x1  }
0x167: {  	(xrf2) =	vadd.scan.msk.f32 $0xffff, v5;
	_ =	sdelay $0x2  }
0x168: {  	(v2sf) =	vpush v22, $0x0;
	_ =	sdelay $0x6  }
0x169: {  	v5, _, _ =	vpop (xrf2)  }
0x16a: {  	v5 =	vmul.f32 $1.442695020e+00, v5;
	_ =	sdelay $0x1  }
0x16b: {  	v5 =	vbroadcast v5, $0xF;
	_ =	sdelay $0x1  }
0x16c: {  	(erf) = vpow2.f32 v5;
	_ =	sdelay $0x2  }
0x16d: {  	s14 =	spop (v2sf)  }
0x16e: {  	s14 =	ssub.s32 s14, s9  }
0x16f: {  	s14 =	sshll.u32 s14, $0x7  }
0x170: {  	v24 =	vld [tilespmem:s14+$0x13380]  }
0x171: {  	v23 =	vld [tilespmem:s14+$0x9380];
	_ =	sdelay $0x1  }
0x172: {  	v5 =	vpop (erf)  }
0x173: {  	v6 =	vmul.f32 v5, v6  }
0x174: {  	v7 =	vadd.f32 v24, v7  }
0x175: {  	v6 =	vadd.f32 v6, v23  }
0x176: {  	[tilespmem:s14+$0x13380] =	vst v7  }
0x177: {  	[tilespmem:s14+$0x9380] =	vst v6  }
0x178: {  	v7 =	vld [tilespmem:s18+$0xFFFFFFD0]  }
0x179: {  	v6 =	vld [tilespmem:s12+$0xFFFFFFD0];
	_ =	sdelay $0x1  }
0x17a: {  	v25 =	vld [tilespmem:s13+$0xFFFFFFD0];
	_ =	sdelay $0x2  }
0x17b: {  	v6 =	vadd.f32 v6, v7;
	_ =	sdelay $0x1  }
0x17c: {  	v26 =	vld [tilespmem:$0x18400];
	v6 =	vadd.f32 v6, v25;
	_ =	sdelay $0x1  }
0x17d: {  	v10 =	vmul.f32 $2.000000030e-01, v6;
	_ =	sdelay $0x1  }
0x17e: {  	v6 =	vmax.f32 v6, v10  }
0x17f: {  	v6 =	vmul.f32 v6, v26;
	_ =	sdelay $0x1  }
0x180: {  	(xrf2) =	vadd.scan.msk.f32 $0xffff, v6;
	_ =	sdelay $0x9  }
0x181: {  	v6, _, _ =	vpop (xrf2)  }
0x182: {  	v6 =	vmul.f32 $1.442695020e+00, v6;
	_ =	sdelay $0x1  }
0x183: {  	v6 =	vbroadcast v6, $0xF;
	_ =	sdelay $0x1  }
0x184: {  	(erf) = vpow2.f32 v6;
	_ =	sdelay $0x5  }
0x185: {  	v28 =	vld [tilespmem:s14+$0x13390]  }
0x186: {  	v27 =	vld [tilespmem:s14+$0x9390];
	_ =	sdelay $0x1  }
0x187: {  	v6 =	vpop (erf)  }
0x188: {  	v7 =	vmul.f32 v6, v7  }
0x189: {  	v8 =	vadd.f32 v28, v25  }
0x18a: {  	v7 =	vadd.f32 v7, v27  }
0x18b: {  	[tilespmem:s14+$0x13390] =	vst v8  }
0x18c: {  	[tilespmem:s14+$0x9390] =	vst v7  }
0x18d: {  	v7 =	vld [tilespmem:s18+$0xFFFFFFE0]  }
0x18e: {  	v8 =	vld [tilespmem:s12+$0xFFFFFFE0];
	_ =	sdelay $0x1  }
0x18f: {  	v29 =	vld [tilespmem:s13+$0xFFFFFFE0];
	_ =	sdelay $0x2  }
0x190: {  	v8 =	vadd.f32 v8, v7;
	_ =	sdelay $0x1  }
0x191: {  	v30 =	vld [tilespmem:$0x18480];
	v8 =	vadd.f32 v8, v29;
	_ =	sdelay $0x1  }
0x192: {  	v11 =	vmul.f32 $2.000000030e-01, v8;
	_ =	sdelay $0x1  }
0x193: {  	v8 =	vmax.f32 v8, v11  }
0x194: {  	v8 =	vmul.f32 v8, v30;
	_ =	sdelay $0x1  }
0x195: {  	(xrf2) =	vadd.scan.msk.f32 $0xffff, v8;
	_ =	sdelay $0x9  }
0x196: {  	v8, _, _ =	vpop (xrf2)  }
0x197: {  	v8 =	vmul.f32 $1.442695020e+00, v8;
	_ =	sdelay $0x1  }
0x198: {  	v8 =	vbroadcast v8, $0xF;
	_ =	sdelay $0x1  }
0x199: {  	(erf) = vpow2.f32 v8;
	_ =	sdelay $0x5  }
0x19a: {  	v32 =	vld [tilespmem:s14+$0x133A0]  }
0x19b: {  	v31 =	vld [tilespmem:s14+$0x93A0];
	_ =	sdelay $0x1  }
0x19c: {  	v33 =	vpop (erf)  }
0x19d: {  	v7 =	vmul.f32 v33, v7  }
0x19e: {  	v34 =	vadd.f32 v32, v29  }
0x19f: {  	v7 =	vadd.f32 v7, v31  }
0x1a0: {  	[tilespmem:s14+$0x133A0] =	vst v34  }
0x1a1: {  	[tilespmem:s14+$0x93A0] =	vst v7  }
0x1a2: {  	v7 =	vld [tilespmem:s18+$0xFFFFFFF0]  }
0x1a3: {  	v8 =	vld [tilespmem:s12+$0xFFFFFFF0];
	_ =	sdelay $0x1  }
0x1a4: {  	v35 =	vld [tilespmem:s13+$0xFFFFFFF0];
	_ =	sdelay $0x2  }
0x1a5: {  	v8 =	vadd.f32 v8, v7;
	_ =	sdelay $0x1  }
0x1a6: {  	v36 =	vld [tilespmem:$0x18500];
	v8 =	vadd.f32 v8, v35;
	_ =	sdelay $0x1  }
0x1a7: {  	v12 =	vmul.f32 $2.000000030e-01, v8;
	_ =	sdelay $0x1  }
0x1a8: {  	v8 =	vmax.f32 v8, v12  }
0x1a9: {  	v8 =	vmul.f32 v8, v36;
	_ =	sdelay $0x1  }
0x1aa: {  	(xrf2) =	vadd.scan.msk.f32 $0xffff, v8;
	_ =	sdelay $0x9  }
0x1ab: {  	v8, _, _ =	vpop (xrf2)  }
0x1ac: {  	v8 =	vmul.f32 $1.442695020e+00, v8;
	_ =	sdelay $0x1  }
0x1ad: {  	v8 =	vbroadcast v8, $0xF;
	_ =	sdelay $0x1  }
0x1ae: {  	(erf) = vpow2.f32 v8;
	_ =	sdelay $0x5  }
0x1af: {  	v38 =	vld [tilespmem:s14+$0x133B0]  }
0x1b0: {  	v37 =	vld [tilespmem:s14+$0x93B0];
	_ =	sdelay $0x1  }
0x1b1: {  	v39 =	vpop (erf)  }
0x1b2: {  	v7 =	vmul.f32 v39, v7  }
0x1b3: {  	v40 =	vadd.f32 v38, v35  }
0x1b4: {  	v7 =	vadd.f32 v7, v37  }
0x1b5: {  	[tilespmem:s14+$0x133B0] =	vst v40  }
0x1b6: {  	[tilespmem:s14+$0x93B0] =	vst v7  }
0x1b7: {  	v7 =	vld [tilespmem:s18+$0x0]  }
0x1b8: {  	v8 =	vld [tilespmem:s12+$0x0];
	_ =	sdelay $0x1  }
0x1b9: {  	v41 =	vld [tilespmem:s13+$0x0];
	_ =	sdelay $0x2  }
0x1ba: {  	v8 =	vadd.f32 v8, v7;
	_ =	sdelay $0x1  }
0x1bb: {  	v42 =	vld [tilespmem:$0x18580];
	v8 =	vadd.f32 v8, v41;
	_ =	sdelay $0x1  }
0x1bc: {  	v13 =	vmul.f32 $2.000000030e-01, v8;
	_ =	sdelay $0x1  }
0x1bd: {  	v8 =	vmax.f32 v8, v13  }
0x1be: {  	v8 =	vmul.f32 v8, v42;
	_ =	sdelay $0x1  }
0x1bf: {  	(xrf2) =	vadd.scan.msk.f32 $0xffff, v8;
	_ =	sdelay $0x9  }
0x1c0: {  	v8, _, _ =	vpop (xrf2)  }
0x1c1: {  	v8 =	vmul.f32 $1.442695020e+00, v8;
	_ =	sdelay $0x1  }
0x1c2: {  	v8 =	vbroadcast v8, $0xF;
	_ =	sdelay $0x1  }
0x1c3: {  	(erf) = vpow2.f32 v8;
	_ =	sdelay $0x5  }
0x1c4: {  	v44 =	vld [tilespmem:s14+$0x133C0]  }
0x1c5: {  	v43 =	vld [tilespmem:s14+$0x93C0];
	_ =	sdelay $0x1  }
0x1c6: {  	v45 =	vpop (erf)  }
0x1c7: {  	v7 =	vmul.f32 v45, v7  }
0x1c8: {  	v46 =	vadd.f32 v44, v41  }
0x1c9: {  	v7 =	vadd.f32 v7, v43  }
0x1ca: {  	[tilespmem:s14+$0x133C0] =	vst v46  }
0x1cb: {  	[tilespmem:s14+$0x93C0] =	vst v7  }
0x1cc: {  	v7 =	vld [tilespmem:s18+$0x10]  }
0x1cd: {  	v8 =	vld [tilespmem:s12+$0x10];
	_ =	sdelay $0x1  }
0x1ce: {  	v47 =	vld [tilespmem:s13+$0x10];
	_ =	sdelay $0x2  }
0x1cf: {  	v8 =	vadd.f32 v8, v7;
	_ =	sdelay $0x1  }
0x1d0: {  	v48 =	vld [tilespmem:$0x18600];
	v8 =	vadd.f32 v8, v47;
	_ =	sdelay $0x1  }
0x1d1: {  	v14 =	vmul.f32 $2.000000030e-01, v8;
	_ =	sdelay $0x1  }
0x1d2: {  	v8 =	vmax.f32 v8, v14  }
0x1d3: {  	v8 =	vmul.f32 v8, v48;
	_ =	sdelay $0x1  }
0x1d4: {  	(xrf2) =	vadd.scan.msk.f32 $0xffff, v8;
	_ =	sdelay $0x9  }
0x1d5: {  	v8, _, _ =	vpop (xrf2)  }
0x1d6: {  	v8 =	vmul.f32 $1.442695020e+00, v8;
	_ =	sdelay $0x1  }
0x1d7: {  	v8 =	vbroadcast v8, $0xF;
	_ =	sdelay $0x1  }
0x1d8: {  	(erf) = vpow2.f32 v8;
	_ =	sdelay $0x5  }
0x1d9: {  	v50 =	vld [tilespmem:s14+$0x133D0]  }
0x1da: {  	v49 =	vld [tilespmem:s14+$0x93D0];
	_ =	sdelay $0x1  }
0x1db: {  	v51 =	vpop (erf)  }
0x1dc: {  	v7 =	vmul.f32 v51, v7  }
0x1dd: {  	v52 =	vadd.f32 v50, v47  }
0x1de: {  	v7 =	vadd.f32 v7, v49  }
0x1df: {  	[tilespmem:s14+$0x133D0] =	vst v52  }
0x1e0: {  	[tilespmem:s14+$0x93D0] =	vst v7  }
0x1e1: {  	v7 =	vld [tilespmem:s18+$0x20]  }
0x1e2: {  	v8 =	vld [tilespmem:s12+$0x20];
	_ =	sdelay $0x1  }
0x1e3: {  	v53 =	vld [tilespmem:s13+$0x20];
	_ =	sdelay $0x2  }
0x1e4: {  	v8 =	vadd.f32 v8, v7;
	_ =	sdelay $0x1  }
0x1e5: {  	v54 =	vld [tilespmem:$0x18680];
	v8 =	vadd.f32 v8, v53;
	_ =	sdelay $0x1  }
0x1e6: {  	v15 =	vmul.f32 $2.000000030e-01, v8;
	_ =	sdelay $0x1  }
0x1e7: {  	v8 =	vmax.f32 v8, v15  }
0x1e8: {  	v8 =	vmul.f32 v8, v54;
	_ =	sdelay $0x1  }
0x1e9: {  	(xrf2) =	vadd.scan.msk.f32 $0xffff, v8;
	_ =	sdelay $0x9  }
0x1ea: {  	v8, _, _ =	vpop (xrf2)  }
0x1eb: {  	v8 =	vmul.f32 $1.442695020e+00, v8;
	_ =	sdelay $0x1  }
0x1ec: {  	v8 =	vbroadcast v8, $0xF;
	_ =	sdelay $0x1  }
0x1ed: {  	(erf) = vpow2.f32 v8;
	_ =	sdelay $0x5  }
0x1ee: {  	v56 =	vld [tilespmem:s14+$0x133E0]  }
0x1ef: {  	v55 =	vld [tilespmem:s14+$0x93E0];
	_ =	sdelay $0x1  }
0x1f0: {  	v57 =	vpop (erf)  }
0x1f1: {  	v7 =	vmul.f32 v57, v7  }
0x1f2: {  	v58 =	vadd.f32 v56, v53  }
0x1f3: {  	v7 =	vadd.f32 v7, v55  }
0x1f4: {  	[tilespmem:s14+$0x133E0] =	vst v58  }
0x1f5: {  	[tilespmem:s14+$0x93E0] =	vst v7  }
0x1f6: {  	v7 =	vld [tilespmem:s18+$0x30]  }
0x1f7: {  	v8 =	vld [tilespmem:s12+$0x30];
	_ =	sdelay $0x1  }
0x1f8: {  	v59 =	vld [tilespmem:s13+$0x30];
	_ =	sdelay $0x2  }
0x1f9: {  	v8 =	vadd.f32 v8, v7;
	_ =	sdelay $0x1  }
0x1fa: {  	v60 =	vld [tilespmem:$0x18700];
	v8 =	vadd.f32 v8, v59;
	_ =	sdelay $0x1  }
0x1fb: {  	v16 =	vmul.f32 $2.000000030e-01, v8;
	_ =	sdelay $0x1  }
0x1fc: {  	v8 =	vmax.f32 v8, v16  }
0x1fd: {  	v8 =	vmul.f32 v8, v60;
	_ =	sdelay $0x1  }
0x1fe: {  	(xrf2) =	vadd.scan.msk.f32 $0xffff, v8;
	_ =	sdelay $0x9  }
0x1ff: {  	v8, _, _ =	vpop (xrf2)  }
0x200: {  	v8 =	vmul.f32 $1.442695020e+00, v8;
	_ =	sdelay $0x1  }
0x201: {  	v8 =	vbroadcast v8, $0xF;
	_ =	sdelay $0x1  }
0x202: {  	(erf) = vpow2.f32 v8;
	_ =	sdelay $0x2  }
0x203: {  	v5 =	vnsel vm0, $0x3F800000, v5  }
0x204: {  	v5 =	vsel vm1, v5, v6  }
0x205: {  	v5 =	vsel vm2, v5, v33  }
0x206: {  	v63 =	vld [tilespmem:s14+$0xE380];
	v5 =	vsel vm3, v5, v39  }
0x207: {  	v6 =	vld [tilespmem:s14+$0x93F0];
	v5 =	vsel vm4, v5, v45  }
0x208: {  	v61 =	vld [tilespmem:s14+$0x133F0];
	v5 =	vsel vm5, v5, v51  }
0x209: {  	v5 =	vsel vm6, v5, v57;
	v62 =	vpop (erf)  }
0x20a: {  	v7 =	vmul.f32 v62, v7;
	v5 =	vsel vm7, v5, v62  }
.Ltmp14:
0x20b: {  	v5 =	vadd.f32 v5, v63;
	(pc) =	sbr.rel .LBB2_15-.Ltmp14, $4  }
0x20c: {  	v6 =	vadd.f32 v7, v6  }
0x20d: {  	v7 =	vadd.f32 v61, v59;
	[tilespmem:s14+$0xE380] =	vst v5  }
0x20e: {  	[tilespmem:s14+$0x93F0] =	vst v6  }
0x20f: {  	[tilespmem:s14+$0x133F0] =	vst v7  }
.LBB2_16:
0x210: {  	s3 =	simm.s32 $0x0;
	s2 =	rddreg [dreg:$0x4]  }
0x211: {  	[hbm4b:s2+s3] =	stream.linear.scatter [tilespmem:s29], [sflag:$0x2], $0x5000, $0x38;
	[tilespmem:$0x18780] =	vst v63  }
0x212: {  	_ =	swait.ge [sflag:s19], $0x5000  }
0x213: {  	[sflag:s19] =	ssyncset.done $0x0  }
0x214: {  	s16 =	rddreg [dreg:$0x5];
	[sflag:s19] =	ssyncadd.s32 $0xFFFFB000  }
0x215: {  	[hbm4b:s16+s3] =	stream.linear.scatter [tilespmem:s30], [sflag:$0x2], $0x5000, $0x38;
	[tilespmem:$0x18780] =	vst v63  }
0x216: {  	_ =	swait.ge [sflag:s19], $0x5000  }
0x217: {  	[sflag:s19] =	ssyncset.done $0x0  }
0x218: {  	s18 =	rddreg [dreg:$0x6];
	[sflag:s19] =	ssyncadd.s32 $0xFFFFB000  }
0x219: {  	[hbm4b:s18+s3] =	stream.linear.scatter [tilespmem:s31], [sflag:$0x2], $0x5000, $0x38;
	[tilespmem:$0x18780] =	vst v63  }
0x21a: {  	_ =	swait.ge [sflag:s19], $0x5000  }
0x21b: {  	[sflag:s19] =	ssyncset.done $0x0  }
0x21c: {  	s11 =	simm.s32 $0x200;
	s2 =	simm.s32 $0x0;
	[sflag:s19] =	ssyncadd.s32 $0xFFFFB000  }
.LBB2_17:
0x21d: {  	p0 =	sne.s32 s11, $0x13E00;
	[tilespmem:s2+$0xE380] =	vst v4  }
0x21e: {  	[tilespmem:s2+$0x9380] =	vst v4  }
0x21f: {  	[tilespmem:s2+$0x13380] =	vst v4  }
0x220: {  	[tilespmem:s2+$0x9390] =	vst v4  }
0x221: {  	[tilespmem:s2+$0x13390] =	vst v4  }
0x222: {  	[tilespmem:s2+$0x93A0] =	vst v4  }
0x223: {  	[tilespmem:s2+$0x133A0] =	vst v4  }
0x224: {  	[tilespmem:s2+$0x93B0] =	vst v4  }
0x225: {  	[tilespmem:s2+$0x133B0] =	vst v4  }
0x226: {  	[tilespmem:s2+$0x93C0] =	vst v4  }
0x227: {  	[tilespmem:s2+$0x133C0] =	vst v4  }
0x228: {  	[tilespmem:s2+$0x93D0] =	vst v4  }
.Ltmp15:
0x229: {  	[tilespmem:s2+$0x133D0] =	vst v4;
	(pc) =	sbr.rel @p0 .LBB2_17-.Ltmp15, $4  }
0x22a: {  	[tilespmem:s2+$0x93E0] =	vst v4  }
0x22b: {  	[tilespmem:s2+$0x133E0] =	vst v4  }
0x22c: {  	[tilespmem:s2+$0x93F0] =	vst v4  }
0x22d: {  	[tilespmem:s2+$0x133F0] =	vst v4;
	s2 =	sshra.s32 s11, $0x2;
	s11 =	sadd.s32 $0x200, s11  }
0x22e: {  	[tilespmem:s2+$0xE380] =	vst v4  }
0x22f: {  	[tilespmem:s2+$0x9380] =	vst v4  }
0x230: {  	[tilespmem:s2+$0x13380] =	vst v4  }
0x231: {  	[tilespmem:s2+$0x9390] =	vst v4  }
0x232: {  	[tilespmem:s2+$0x13390] =	vst v4  }
0x233: {  	[tilespmem:s2+$0x93A0] =	vst v4  }
0x234: {  	[tilespmem:s2+$0x133A0] =	vst v4  }
0x235: {  	[tilespmem:s2+$0x93B0] =	vst v4  }
0x236: {  	[tilespmem:s2+$0x133B0] =	vst v4  }
0x237: {  	[tilespmem:s2+$0x93C0] =	vst v4  }
0x238: {  	[tilespmem:s2+$0x133C0] =	vst v4  }
0x239: {  	[tilespmem:s2+$0x93D0] =	vst v4  }
.Ltmp16:
0x23a: {  	[tilespmem:s2+$0x133D0] =	vst v4;
	(pc) =	sbr.rel .LBB2_19-.Ltmp16, $4  }
0x23b: {  	[tilespmem:s2+$0x93E0] =	vst v4  }
0x23c: {  	[tilespmem:s2+$0x133E0] =	vst v4  }
0x23d: {  	[tilespmem:s2+$0x93F0] =	vst v4  }
0x23e: {  	[tilespmem:s2+$0x133F0] =	vst v4;
	s2 =	simm.s32 $0x0  }
.LBB2_25:
0x23f: {  	s2 =	sadd.s32 $0x1, s2  }
0x240: {  	p0 =	sne.s32 s2, $0x32  }
.Ltmp17:
0x241: {  	_ = 	snop;
	(pc) =	sbr.rel @!p0 .LBB2_26-.Ltmp17, $1  }
0x242: {  	_ =	sdelay $0x3  }
.LBB2_19:
0x243: {  	s11 =	smul.u32 $0x1900, s2;
	_ =	sdelay $0x1  }
0x244: {  	s12 =	sshrl.u32 s11, $0x3  }
0x245: {  	s18 =	simm.s32 $0x0;
	s13 =	sadd.s32 s6, s12  }
0x246: {  	[tilespmem:s18], [sflag:$0x2] =	stream.linear.gather [hbm4b:s13+s18], $0x1900, $0x38;
	[tilespmem:$0x18780] =	vst v63  }
0x247: {  	_ =	swait.ge [sflag:s19], $0x1900  }
0x248: {  	[sflag:s19] =	ssyncset.done $0x0  }
.Ltmp18:
0x249: {  	s12 =	sadd.s32 s5, s12;
	[sflag:s19] =	ssyncadd.s32 $0xFFFFE700;
	(pc) =	sbr.rel .LBB2_20-.Ltmp18, $4  }
0x24a: {  	[tilespmem:s20], [sflag:$0x2] =	stream.linear.gather [hbm4b:s12+s18], $0x1900, $0x38;
	[tilespmem:$0x18780] =	vst v63  }
0x24b: {  	_ =	swait.ge [sflag:s19], $0x1900  }
0x24c: {  	[sflag:s19] =	ssyncset.done $0x0  }
0x24d: {  	[sflag:s19] =	ssyncadd.s32 $0xFFFFE700  }
.LBB2_24:
0x24e: {  	s18 =	sadd.s32 $0x1, s18  }
0x24f: {  	p1 =	sne.s32 s18, $0x190  }
.Ltmp19:
0x250: {  	_ = 	snop;
	(pc) =	sbr.rel @!p1 .LBB2_25-.Ltmp19, $3  }
0x251: {  	_ =	sdelay $0x1  }
0x252: {  	p0 =	sgt.s32 s3, $0x3F;
	s12 =	sadd.s32 $0xFFFFFFC0, s3  }
0x253: {  	s3 =	smov.u32 @p0 s12  }
.LBB2_20:
0x254: {  	s12 =	sshll.u32 s18, $0x4  }
0x255: {  	v5 =	vld [tilespmem:s12+$0x0];
	_ =	sdelay $0x4  }
0x256: {  	vm8 =	vge.s32 v5, v1;
	vm9 =	vlt.s32 v5, v2  }
0x257: {  	vm8 =	vmand vm8, vm9  }
0x258: {  	v6 =	vmpcnt.ones.xlane vm8;
	_ =	sdelay $0x1  }
0x259: {  	(v2sf) =	vpush v6, $0x0;
	_ =	sdelay $0xe  }
0x25a: {  	s13 =	spop (v2sf)  }
0x25b: {  	p0 =	slt.s32 s13, $0x1  }
0x25c: {  	[tilespmem:s3+$0x3200] =	vst.msk @!p0 vm8, v5  }
0x25d: {  	v5 =	vld @!p0 [tilespmem:s12+$0x1900];
	_ =	sdelay $0x3  }
0x25e: {  	v6 =	vlaneseq.u32 @!p0;
	s12 =	sadd.s32 @!p0 s11, s12  }
0x25f: {  	[tilespmem:s3+$0x3280] =	vst.msk @!p0 vm8, v5;
	v5 =	vor.u32 @!p0 s12, v6  }
0x260: {  	[tilespmem:s3+$0x3300] =	vst.msk @!p0 vm8, v5;
	s3 =	sadd.s32 s3, s13  }
0x261: {  	p0 =	slt.s32 s3, $0x40  }
.Ltmp20:
0x262: {  	_ = 	snop;
	(pc) =	sbr.rel @p0 .LBB2_24-.Ltmp20, $1  }
0x263: {  	_ =	sdelay $0x3  }
0x264: {  	[tilespmem:s23], [sflag:$0x1] =	stream.indirect.gather [hbm4b:s1+s21], $0x80, s22, s21, $0xb8;
	[tilespmem:$0x18780] =	vst v63  }
0x265: {  	s12 =	simm.s32 $0x3200  }
0x266: {  	[tilespmem:s24], [sflag:$0x1] =	stream.indirect.gather [hbm4b:s7+s21], $0x80, s12, s21, $0xb8;
	[tilespmem:$0x18780] =	vst v63  }
0x267: {  	_ = 	snop  }
0x268: {  	[tilespmem:s26], [sflag:$0x1] =	stream.indirect.gather [hbm4b:s8+s21], $0x80, s25, s21, $0xb8;
	[tilespmem:$0x18780] =	vst v63  }
0x269: {  	_ =	swait.ge [sflag:s28], $0x2000  }
0x26a: {  	[sflag:s28] =	ssyncset.done $0x0  }
0x26b: {  	[sflag:s28] =	ssyncadd.s32 $0xFFFFE000  }
0x26c: {  	_ =	swait.ge [sflag:s28], $0x2000  }
0x26d: {  	[sflag:s28] =	ssyncset.done $0x0  }
0x26e: {  	[sflag:s28] =	ssyncadd.s32 $0xFFFFE000  }
0x26f: {  	_ =	swait.ge [sflag:s28], $0x2000  }
0x270: {  	[sflag:s28] =	ssyncset.done $0x0  }
0x271: {  	s13 =	simm.s32 $0x0;
	[sflag:s28] =	ssyncadd.s32 $0xFFFFE000  }
.LBB2_22:
0x272: {  	s15 =	sshra.s32 s13, $0x2  }
0x273: {  	v6 =	vld [tilespmem:s15+$0x3380]  }
0x274: {  	v5 =	vld [tilespmem:s15+$0x5380];
	_ =	sdelay $0x1  }
0x275: {  	v7 =	vld [tilespmem:s15+$0x7380];
	_ =	sdelay $0x2  }
0x276: {  	v5 =	vadd.f32 v5, v6;
	_ =	sdelay $0x1  }
0x277: {  	v8 =	vld [tilespmem:$0x18380];
	v5 =	vadd.f32 v5, v7;
	_ =	sdelay $0x1  }
0x278: {  	v9 =	vmul.f32 $2.000000030e-01, v5;
	_ =	sdelay $0x1  }
0x279: {  	v5 =	vmax.f32 v5, v9  }
0x27a: {  	v22 =	vld [tilespmem:s12+$0x0];
	v5 =	vmul.f32 v5, v8;
	_ =	sdelay $0x1  }
0x27b: {  	(xrf2) =	vadd.scan.msk.f32 $0xffff, v5;
	_ =	sdelay $0x2  }
0x27c: {  	(v2sf) =	vpush v22, $0x0;
	_ =	sdelay $0x6  }
0x27d: {  	v5, _, _ =	vpop (xrf2)  }
0x27e: {  	v5 =	vmul.f32 $1.442695020e+00, v5;
	_ =	sdelay $0x1  }
0x27f: {  	v5 =	vbroadcast v5, $0xF;
	_ =	sdelay $0x1  }
0x280: {  	(erf) = vpow2.f32 v5;
	_ =	sdelay $0x2  }
0x281: {  	s14 =	spop (v2sf)  }
0x282: {  	s14 =	ssub.s32 s14, s10  }
0x283: {  	s14 =	sshll.u32 s14, $0x7  }
0x284: {  	v24 =	vld [tilespmem:s14+$0x13380]  }
0x285: {  	v23 =	vld [tilespmem:s14+$0x9380];
	_ =	sdelay $0x1  }
0x286: {  	v5 =	vpop (erf)  }
0x287: {  	v6 =	vmul.f32 v5, v6  }
0x288: {  	v7 =	vadd.f32 v24, v7  }
0x289: {  	v6 =	vadd.f32 v6, v23  }
0x28a: {  	[tilespmem:s14+$0x13380] =	vst v7  }
0x28b: {  	[tilespmem:s14+$0x9380] =	vst v6  }
0x28c: {  	v7 =	vld [tilespmem:s15+$0x3390]  }
0x28d: {  	v6 =	vld [tilespmem:s15+$0x5390];
	_ =	sdelay $0x1  }
0x28e: {  	v25 =	vld [tilespmem:s15+$0x7390];
	_ =	sdelay $0x2  }
0x28f: {  	v6 =	vadd.f32 v6, v7;
	_ =	sdelay $0x1  }
0x290: {  	v26 =	vld [tilespmem:$0x18400];
	v6 =	vadd.f32 v6, v25;
	_ =	sdelay $0x1  }
0x291: {  	v10 =	vmul.f32 $2.000000030e-01, v6;
	_ =	sdelay $0x1  }
0x292: {  	v6 =	vmax.f32 v6, v10  }
0x293: {  	v6 =	vmul.f32 v6, v26;
	_ =	sdelay $0x1  }
0x294: {  	(xrf2) =	vadd.scan.msk.f32 $0xffff, v6;
	_ =	sdelay $0x9  }
0x295: {  	v6, _, _ =	vpop (xrf2)  }
0x296: {  	v6 =	vmul.f32 $1.442695020e+00, v6;
	_ =	sdelay $0x1  }
0x297: {  	v6 =	vbroadcast v6, $0xF;
	_ =	sdelay $0x1  }
0x298: {  	(erf) = vpow2.f32 v6;
	_ =	sdelay $0x5  }
0x299: {  	v28 =	vld [tilespmem:s14+$0x13390]  }
0x29a: {  	v27 =	vld [tilespmem:s14+$0x9390];
	_ =	sdelay $0x1  }
0x29b: {  	v6 =	vpop (erf)  }
0x29c: {  	v7 =	vmul.f32 v6, v7  }
0x29d: {  	v8 =	vadd.f32 v28, v25  }
0x29e: {  	v7 =	vadd.f32 v7, v27  }
0x29f: {  	[tilespmem:s14+$0x13390] =	vst v8  }
0x2a0: {  	[tilespmem:s14+$0x9390] =	vst v7  }
0x2a1: {  	v7 =	vld [tilespmem:s15+$0x33A0]  }
0x2a2: {  	v8 =	vld [tilespmem:s15+$0x53A0];
	_ =	sdelay $0x1  }
0x2a3: {  	v29 =	vld [tilespmem:s15+$0x73A0];
	_ =	sdelay $0x2  }
0x2a4: {  	v8 =	vadd.f32 v8, v7;
	_ =	sdelay $0x1  }
0x2a5: {  	v30 =	vld [tilespmem:$0x18480];
	v8 =	vadd.f32 v8, v29;
	_ =	sdelay $0x1  }
0x2a6: {  	v11 =	vmul.f32 $2.000000030e-01, v8;
	_ =	sdelay $0x1  }
0x2a7: {  	v8 =	vmax.f32 v8, v11  }
0x2a8: {  	v8 =	vmul.f32 v8, v30;
	_ =	sdelay $0x1  }
0x2a9: {  	(xrf2) =	vadd.scan.msk.f32 $0xffff, v8;
	_ =	sdelay $0x9  }
0x2aa: {  	v8, _, _ =	vpop (xrf2)  }
0x2ab: {  	v8 =	vmul.f32 $1.442695020e+00, v8;
	_ =	sdelay $0x1  }
0x2ac: {  	v8 =	vbroadcast v8, $0xF;
	_ =	sdelay $0x1  }
0x2ad: {  	(erf) = vpow2.f32 v8;
	_ =	sdelay $0x5  }
0x2ae: {  	v32 =	vld [tilespmem:s14+$0x133A0]  }
0x2af: {  	v31 =	vld [tilespmem:s14+$0x93A0];
	_ =	sdelay $0x1  }
0x2b0: {  	v33 =	vpop (erf)  }
0x2b1: {  	v7 =	vmul.f32 v33, v7  }
0x2b2: {  	v34 =	vadd.f32 v32, v29  }
0x2b3: {  	v7 =	vadd.f32 v7, v31  }
0x2b4: {  	[tilespmem:s14+$0x133A0] =	vst v34  }
0x2b5: {  	[tilespmem:s14+$0x93A0] =	vst v7  }
0x2b6: {  	v7 =	vld [tilespmem:s15+$0x33B0]  }
0x2b7: {  	v8 =	vld [tilespmem:s15+$0x53B0];
	_ =	sdelay $0x1  }
0x2b8: {  	v35 =	vld [tilespmem:s15+$0x73B0];
	_ =	sdelay $0x2  }
0x2b9: {  	v8 =	vadd.f32 v8, v7;
	_ =	sdelay $0x1  }
0x2ba: {  	v36 =	vld [tilespmem:$0x18500];
	v8 =	vadd.f32 v8, v35;
	_ =	sdelay $0x1  }
0x2bb: {  	v12 =	vmul.f32 $2.000000030e-01, v8;
	_ =	sdelay $0x1  }
0x2bc: {  	v8 =	vmax.f32 v8, v12  }
0x2bd: {  	v8 =	vmul.f32 v8, v36;
	_ =	sdelay $0x1  }
0x2be: {  	(xrf2) =	vadd.scan.msk.f32 $0xffff, v8;
	_ =	sdelay $0x9  }
0x2bf: {  	v8, _, _ =	vpop (xrf2)  }
0x2c0: {  	v8 =	vmul.f32 $1.442695020e+00, v8;
	_ =	sdelay $0x1  }
0x2c1: {  	v8 =	vbroadcast v8, $0xF;
	_ =	sdelay $0x1  }
0x2c2: {  	(erf) = vpow2.f32 v8;
	_ =	sdelay $0x5  }
0x2c3: {  	v38 =	vld [tilespmem:s14+$0x133B0]  }
0x2c4: {  	v37 =	vld [tilespmem:s14+$0x93B0];
	_ =	sdelay $0x1  }
0x2c5: {  	v39 =	vpop (erf)  }
0x2c6: {  	v7 =	vmul.f32 v39, v7  }
0x2c7: {  	v40 =	vadd.f32 v38, v35  }
0x2c8: {  	v7 =	vadd.f32 v7, v37  }
0x2c9: {  	[tilespmem:s14+$0x133B0] =	vst v40  }
0x2ca: {  	[tilespmem:s14+$0x93B0] =	vst v7  }
0x2cb: {  	v7 =	vld [tilespmem:s15+$0x33C0]  }
0x2cc: {  	v8 =	vld [tilespmem:s15+$0x53C0];
	_ =	sdelay $0x1  }
0x2cd: {  	v41 =	vld [tilespmem:s15+$0x73C0];
	_ =	sdelay $0x2  }
0x2ce: {  	v8 =	vadd.f32 v8, v7;
	_ =	sdelay $0x1  }
0x2cf: {  	v42 =	vld [tilespmem:$0x18580];
	v8 =	vadd.f32 v8, v41;
	_ =	sdelay $0x1  }
0x2d0: {  	v13 =	vmul.f32 $2.000000030e-01, v8;
	_ =	sdelay $0x1  }
0x2d1: {  	v8 =	vmax.f32 v8, v13  }
0x2d2: {  	v8 =	vmul.f32 v8, v42;
	_ =	sdelay $0x1  }
0x2d3: {  	(xrf2) =	vadd.scan.msk.f32 $0xffff, v8;
	_ =	sdelay $0x9  }
0x2d4: {  	v8, _, _ =	vpop (xrf2)  }
0x2d5: {  	v8 =	vmul.f32 $1.442695020e+00, v8;
	_ =	sdelay $0x1  }
0x2d6: {  	v8 =	vbroadcast v8, $0xF;
	_ =	sdelay $0x1  }
0x2d7: {  	(erf) = vpow2.f32 v8;
	_ =	sdelay $0x5  }
0x2d8: {  	v44 =	vld [tilespmem:s14+$0x133C0]  }
0x2d9: {  	v43 =	vld [tilespmem:s14+$0x93C0];
	_ =	sdelay $0x1  }
0x2da: {  	v45 =	vpop (erf)  }
0x2db: {  	v7 =	vmul.f32 v45, v7  }
0x2dc: {  	v46 =	vadd.f32 v44, v41  }
0x2dd: {  	v7 =	vadd.f32 v7, v43  }
0x2de: {  	[tilespmem:s14+$0x133C0] =	vst v46  }
0x2df: {  	[tilespmem:s14+$0x93C0] =	vst v7  }
0x2e0: {  	v7 =	vld [tilespmem:s15+$0x33D0]  }
0x2e1: {  	v8 =	vld [tilespmem:s15+$0x53D0];
	_ =	sdelay $0x1  }
0x2e2: {  	v47 =	vld [tilespmem:s15+$0x73D0];
	_ =	sdelay $0x2  }
0x2e3: {  	v8 =	vadd.f32 v8, v7;
	_ =	sdelay $0x1  }
0x2e4: {  	v48 =	vld [tilespmem:$0x18600];
	v8 =	vadd.f32 v8, v47;
	_ =	sdelay $0x1  }
0x2e5: {  	v14 =	vmul.f32 $2.000000030e-01, v8;
	_ =	sdelay $0x1  }
0x2e6: {  	v8 =	vmax.f32 v8, v14  }
0x2e7: {  	v8 =	vmul.f32 v8, v48;
	_ =	sdelay $0x1  }
0x2e8: {  	(xrf2) =	vadd.scan.msk.f32 $0xffff, v8;
	_ =	sdelay $0x9  }
0x2e9: {  	v8, _, _ =	vpop (xrf2)  }
0x2ea: {  	v8 =	vmul.f32 $1.442695020e+00, v8;
	_ =	sdelay $0x1  }
0x2eb: {  	v8 =	vbroadcast v8, $0xF;
	_ =	sdelay $0x1  }
0x2ec: {  	(erf) = vpow2.f32 v8;
	_ =	sdelay $0x5  }
0x2ed: {  	v50 =	vld [tilespmem:s14+$0x133D0]  }
0x2ee: {  	v49 =	vld [tilespmem:s14+$0x93D0];
	_ =	sdelay $0x1  }
0x2ef: {  	v51 =	vpop (erf)  }
0x2f0: {  	v7 =	vmul.f32 v51, v7  }
0x2f1: {  	v52 =	vadd.f32 v50, v47  }
0x2f2: {  	v7 =	vadd.f32 v7, v49  }
0x2f3: {  	[tilespmem:s14+$0x133D0] =	vst v52  }
0x2f4: {  	[tilespmem:s14+$0x93D0] =	vst v7  }
0x2f5: {  	v7 =	vld [tilespmem:s15+$0x33E0]  }
0x2f6: {  	v8 =	vld [tilespmem:s15+$0x53E0];
	_ =	sdelay $0x1  }
0x2f7: {  	v53 =	vld [tilespmem:s15+$0x73E0];
	_ =	sdelay $0x2  }
0x2f8: {  	v8 =	vadd.f32 v8, v7;
	_ =	sdelay $0x1  }
0x2f9: {  	v54 =	vld [tilespmem:$0x18680];
	v8 =	vadd.f32 v8, v53;
	_ =	sdelay $0x1  }
0x2fa: {  	v15 =	vmul.f32 $2.000000030e-01, v8;
	_ =	sdelay $0x1  }
0x2fb: {  	v8 =	vmax.f32 v8, v15  }
0x2fc: {  	v8 =	vmul.f32 v8, v54;
	_ =	sdelay $0x1  }
0x2fd: {  	(xrf2) =	vadd.scan.msk.f32 $0xffff, v8;
	_ =	sdelay $0x9  }
0x2fe: {  	v8, _, _ =	vpop (xrf2)  }
0x2ff: {  	v8 =	vmul.f32 $1.442695020e+00, v8;
	_ =	sdelay $0x1  }
0x300: {  	v8 =	vbroadcast v8, $0xF;
	_ =	sdelay $0x1  }
0x301: {  	(erf) = vpow2.f32 v8;
	_ =	sdelay $0x5  }
0x302: {  	v56 =	vld [tilespmem:s14+$0x133E0]  }
0x303: {  	v55 =	vld [tilespmem:s14+$0x93E0];
	_ =	sdelay $0x1  }
0x304: {  	v57 =	vpop (erf)  }
0x305: {  	v7 =	vmul.f32 v57, v7  }
0x306: {  	v58 =	vadd.f32 v56, v53  }
0x307: {  	v7 =	vadd.f32 v7, v55  }
0x308: {  	[tilespmem:s14+$0x133E0] =	vst v58  }
0x309: {  	[tilespmem:s14+$0x93E0] =	vst v7  }
0x30a: {  	v7 =	vld [tilespmem:s15+$0x33F0]  }
0x30b: {  	v8 =	vld [tilespmem:s15+$0x53F0];
	_ =	sdelay $0x1  }
0x30c: {  	v59 =	vld [tilespmem:s15+$0x73F0];
	_ =	sdelay $0x2  }
0x30d: {  	v8 =	vadd.f32 v8, v7;
	_ =	sdelay $0x1  }
0x30e: {  	v60 =	vld [tilespmem:$0x18700];
	v8 =	vadd.f32 v8, v59;
	_ =	sdelay $0x1  }
0x30f: {  	v16 =	vmul.f32 $2.000000030e-01, v8;
	_ =	sdelay $0x1  }
0x310: {  	v8 =	vmax.f32 v8, v16  }
0x311: {  	v8 =	vmul.f32 v8, v60;
	_ =	sdelay $0x1  }
0x312: {  	(xrf2) =	vadd.scan.msk.f32 $0xffff, v8;
	_ =	sdelay $0x9  }
0x313: {  	v8, _, _ =	vpop (xrf2)  }
0x314: {  	v8 =	vmul.f32 $1.442695020e+00, v8;
	_ =	sdelay $0x1  }
0x315: {  	v8 =	vbroadcast v8, $0xF;
	_ =	sdelay $0x1  }
0x316: {  	(erf) = vpow2.f32 v8;
	_ =	sdelay $0x2  }
0x317: {  	v5 =	vnsel vm0, $0x3F800000, v5  }
0x318: {  	v5 =	vsel vm1, v5, v6  }
0x319: {  	v5 =	vsel vm2, v5, v33  }
0x31a: {  	v63 =	vld [tilespmem:s14+$0xE380];
	v5 =	vsel vm3, v5, v39  }
0x31b: {  	v6 =	vld [tilespmem:s14+$0x93F0];
	v5 =	vsel vm4, v5, v45  }
0x31c: {  	v61 =	vld [tilespmem:s14+$0x133F0];
	v5 =	vsel vm5, v5, v51  }
0x31d: {  	v5 =	vsel vm6, v5, v57;
	v62 =	vpop (erf)  }
0x31e: {  	p0 =	sne.s32 s13, $0x7E00;
	v7 =	vmul.f32 v62, v7;
	v5 =	vsel vm7, v5, v62  }
.Ltmp21:
0x31f: {  	v5 =	vadd.f32 v5, v63;
	(pc) =	sbr.rel @p0 .LBB2_22-.Ltmp21, $4  }
0x320: {  	v6 =	vadd.f32 v7, v6  }
0x321: {  	v7 =	vadd.f32 v61, v59;
	[tilespmem:s14+$0xE380] =	vst v5  }
0x322: {  	[tilespmem:s14+$0x93F0] =	vst v6  }
0x323: {  	s12 =	sadd.s32 $0x1, s12;
	s13 =	sadd.s32 $0x200, s13;
	[tilespmem:s14+$0x133F0] =	vst v7  }
0x324: {  	v5 =	vld [tilespmem:$0x3240]  }
0x325: {  	v6 =	vld [tilespmem:$0x32C0]  }
0x326: {  	v7 =	vld [tilespmem:$0x3340]  }
.Ltmp22:
0x327: {  	_ = 	snop;
	(pc) =	sbr.rel .LBB2_24-.Ltmp22, $4  }
0x328: {  	_ = 	snop  }
0x329: {  	[tilespmem:$0x3200] =	vst v5  }
0x32a: {  	[tilespmem:$0x3280] =	vst v6  }
0x32b: {  	[tilespmem:$0x3300] =	vst v7  }
.LBB2_26:
0x32c: {  	p0 =	slt.s32 s3, $0x1  }
.Ltmp23:
0x32d: {  	_ = 	snop;
	(pc) =	sbr.rel @p0 .LBB2_31-.Ltmp23, $1  }
0x32e: {  	_ =	sdelay $0x3  }
0x32f: {  	[tilespmem:s23], [sflag:$0x1] =	stream.indirect.gather [hbm4b:s1+s21], $0x80, s22, s21, $0xb8;
	[tilespmem:$0x18780] =	vst v63  }
0x330: {  	s2 =	simm.s32 $0x3200  }
0x331: {  	[tilespmem:s24], [sflag:$0x1] =	stream.indirect.gather [hbm4b:s7+s21], $0x80, s2, s21, $0xb8;
	[tilespmem:$0x18780] =	vst v63  }
0x332: {  	_ = 	snop  }
0x333: {  	[tilespmem:s26], [sflag:$0x1] =	stream.indirect.gather [hbm4b:s8+s21], $0x80, s25, s21, $0xb8;
	[tilespmem:$0x18780] =	vst v63  }
0x334: {  	_ =	swait.ge [sflag:s28], $0x2000  }
0x335: {  	[sflag:s28] =	ssyncset.done $0x0  }
0x336: {  	[sflag:s28] =	ssyncadd.s32 $0xFFFFE000  }
0x337: {  	_ =	swait.ge [sflag:s28], $0x2000  }
.Ltmp24:
0x338: {  	[sflag:s28] =	ssyncset.done $0x0;
	(pc) =	sbr.rel .LBB2_28-.Ltmp24, $4  }
0x339: {  	[sflag:s28] =	ssyncadd.s32 $0xFFFFE000  }
0x33a: {  	_ =	swait.ge [sflag:s28], $0x2000  }
0x33b: {  	s11 =	simm.s32 $0x0;
	s12 =	simm.s32 $0x53C0;
	[sflag:s28] =	ssyncset.done $0x0  }
0x33c: {  	s13 =	simm.s32 $0x73C0;
	s18 =	simm.s32 $0x33C0;
	[sflag:s28] =	ssyncadd.s32 $0xFFFFE000  }
.LBB2_30:
0x33d: {  	s11 =	sadd.s32 $0x1, s11  }
0x33e: {  	p0 =	sne.s32 s11, $0x40  }
.Ltmp25:
0x33f: {  	_ = 	snop;
	(pc) =	sbr.rel @!p0 .LBB2_31-.Ltmp25, $3  }
0x340: {  	_ =	sdelay $0x1  }
0x341: {  	s2 =	sadd.s32 $0x1, s2  }
0x342: {  	s12 =	sadd.s32 $0x80, s12;
	s13 =	sadd.s32 $0x80, s13;
	s18 =	sadd.s32 $0x80, s18  }
.LBB2_28:
0x343: {  	p0 =	sge.s32 s11, s3  }
.Ltmp26:
0x344: {  	_ = 	snop;
	(pc) =	sbr.rel @p0 .LBB2_30-.Ltmp26, $1  }
0x345: {  	_ =	sdelay $0x3  }
0x346: {  	v6 =	vld [tilespmem:s18+$0xFFFFFFC0]  }
0x347: {  	v5 =	vld [tilespmem:s12+$0xFFFFFFC0];
	_ =	sdelay $0x1  }
0x348: {  	v7 =	vld [tilespmem:s13+$0xFFFFFFC0];
	_ =	sdelay $0x2  }
0x349: {  	v5 =	vadd.f32 v5, v6;
	_ =	sdelay $0x1  }
0x34a: {  	v8 =	vld [tilespmem:$0x18380];
	v5 =	vadd.f32 v5, v7;
	_ =	sdelay $0x1  }
0x34b: {  	v9 =	vmul.f32 $2.000000030e-01, v5;
	_ =	sdelay $0x1  }
0x34c: {  	v5 =	vmax.f32 v5, v9  }
0x34d: {  	v22 =	vld [tilespmem:s2+$0x0];
	v5 =	vmul.f32 v5, v8;
	_ =	sdelay $0x1  }
0x34e: {  	(xrf2) =	vadd.scan.msk.f32 $0xffff, v5;
	_ =	sdelay $0x2  }
0x34f: {  	(v2sf) =	vpush v22, $0x0;
	_ =	sdelay $0x6  }
0x350: {  	v5, _, _ =	vpop (xrf2)  }
0x351: {  	v5 =	vmul.f32 $1.442695020e+00, v5;
	_ =	sdelay $0x1  }
0x352: {  	v5 =	vbroadcast v5, $0xF;
	_ =	sdelay $0x1  }
0x353: {  	(erf) = vpow2.f32 v5;
	_ =	sdelay $0x2  }
0x354: {  	s14 =	spop (v2sf)  }
0x355: {  	s14 =	ssub.s32 s14, s10  }
0x356: {  	s14 =	sshll.u32 s14, $0x7  }
0x357: {  	v24 =	vld [tilespmem:s14+$0x13380]  }
0x358: {  	v23 =	vld [tilespmem:s14+$0x9380];
	_ =	sdelay $0x1  }
0x359: {  	v5 =	vpop (erf)  }
0x35a: {  	v6 =	vmul.f32 v5, v6  }
0x35b: {  	v7 =	vadd.f32 v24, v7  }
0x35c: {  	v6 =	vadd.f32 v6, v23  }
0x35d: {  	[tilespmem:s14+$0x13380] =	vst v7  }
0x35e: {  	[tilespmem:s14+$0x9380] =	vst v6  }
0x35f: {  	v7 =	vld [tilespmem:s18+$0xFFFFFFD0]  }
0x360: {  	v6 =	vld [tilespmem:s12+$0xFFFFFFD0];
	_ =	sdelay $0x1  }
0x361: {  	v25 =	vld [tilespmem:s13+$0xFFFFFFD0];
	_ =	sdelay $0x2  }
0x362: {  	v6 =	vadd.f32 v6, v7;
	_ =	sdelay $0x1  }
0x363: {  	v26 =	vld [tilespmem:$0x18400];
	v6 =	vadd.f32 v6, v25;
	_ =	sdelay $0x1  }
0x364: {  	v10 =	vmul.f32 $2.000000030e-01, v6;
	_ =	sdelay $0x1  }
0x365: {  	v6 =	vmax.f32 v6, v10  }
0x366: {  	v6 =	vmul.f32 v6, v26;
	_ =	sdelay $0x1  }
0x367: {  	(xrf2) =	vadd.scan.msk.f32 $0xffff, v6;
	_ =	sdelay $0x9  }
0x368: {  	v6, _, _ =	vpop (xrf2)  }
0x369: {  	v6 =	vmul.f32 $1.442695020e+00, v6;
	_ =	sdelay $0x1  }
0x36a: {  	v6 =	vbroadcast v6, $0xF;
	_ =	sdelay $0x1  }
0x36b: {  	(erf) = vpow2.f32 v6;
	_ =	sdelay $0x5  }
0x36c: {  	v28 =	vld [tilespmem:s14+$0x13390]  }
0x36d: {  	v27 =	vld [tilespmem:s14+$0x9390];
	_ =	sdelay $0x1  }
0x36e: {  	v6 =	vpop (erf)  }
0x36f: {  	v7 =	vmul.f32 v6, v7  }
0x370: {  	v8 =	vadd.f32 v28, v25  }
0x371: {  	v7 =	vadd.f32 v7, v27  }
0x372: {  	[tilespmem:s14+$0x13390] =	vst v8  }
0x373: {  	[tilespmem:s14+$0x9390] =	vst v7  }
0x374: {  	v7 =	vld [tilespmem:s18+$0xFFFFFFE0]  }
0x375: {  	v8 =	vld [tilespmem:s12+$0xFFFFFFE0];
	_ =	sdelay $0x1  }
0x376: {  	v29 =	vld [tilespmem:s13+$0xFFFFFFE0];
	_ =	sdelay $0x2  }
0x377: {  	v8 =	vadd.f32 v8, v7;
	_ =	sdelay $0x1  }
0x378: {  	v30 =	vld [tilespmem:$0x18480];
	v8 =	vadd.f32 v8, v29;
	_ =	sdelay $0x1  }
0x379: {  	v11 =	vmul.f32 $2.000000030e-01, v8;
	_ =	sdelay $0x1  }
0x37a: {  	v8 =	vmax.f32 v8, v11  }
0x37b: {  	v8 =	vmul.f32 v8, v30;
	_ =	sdelay $0x1  }
0x37c: {  	(xrf2) =	vadd.scan.msk.f32 $0xffff, v8;
	_ =	sdelay $0x9  }
0x37d: {  	v8, _, _ =	vpop (xrf2)  }
0x37e: {  	v8 =	vmul.f32 $1.442695020e+00, v8;
	_ =	sdelay $0x1  }
0x37f: {  	v8 =	vbroadcast v8, $0xF;
	_ =	sdelay $0x1  }
0x380: {  	(erf) = vpow2.f32 v8;
	_ =	sdelay $0x5  }
0x381: {  	v32 =	vld [tilespmem:s14+$0x133A0]  }
0x382: {  	v31 =	vld [tilespmem:s14+$0x93A0];
	_ =	sdelay $0x1  }
0x383: {  	v33 =	vpop (erf)  }
0x384: {  	v7 =	vmul.f32 v33, v7  }
0x385: {  	v34 =	vadd.f32 v32, v29  }
0x386: {  	v7 =	vadd.f32 v7, v31  }
0x387: {  	[tilespmem:s14+$0x133A0] =	vst v34  }
0x388: {  	[tilespmem:s14+$0x93A0] =	vst v7  }
0x389: {  	v7 =	vld [tilespmem:s18+$0xFFFFFFF0]  }
0x38a: {  	v8 =	vld [tilespmem:s12+$0xFFFFFFF0];
	_ =	sdelay $0x1  }
0x38b: {  	v35 =	vld [tilespmem:s13+$0xFFFFFFF0];
	_ =	sdelay $0x2  }
0x38c: {  	v8 =	vadd.f32 v8, v7;
	_ =	sdelay $0x1  }
0x38d: {  	v36 =	vld [tilespmem:$0x18500];
	v8 =	vadd.f32 v8, v35;
	_ =	sdelay $0x1  }
0x38e: {  	v12 =	vmul.f32 $2.000000030e-01, v8;
	_ =	sdelay $0x1  }
0x38f: {  	v8 =	vmax.f32 v8, v12  }
0x390: {  	v8 =	vmul.f32 v8, v36;
	_ =	sdelay $0x1  }
0x391: {  	(xrf2) =	vadd.scan.msk.f32 $0xffff, v8;
	_ =	sdelay $0x9  }
0x392: {  	v8, _, _ =	vpop (xrf2)  }
0x393: {  	v8 =	vmul.f32 $1.442695020e+00, v8;
	_ =	sdelay $0x1  }
0x394: {  	v8 =	vbroadcast v8, $0xF;
	_ =	sdelay $0x1  }
0x395: {  	(erf) = vpow2.f32 v8;
	_ =	sdelay $0x5  }
0x396: {  	v38 =	vld [tilespmem:s14+$0x133B0]  }
0x397: {  	v37 =	vld [tilespmem:s14+$0x93B0];
	_ =	sdelay $0x1  }
0x398: {  	v39 =	vpop (erf)  }
0x399: {  	v7 =	vmul.f32 v39, v7  }
0x39a: {  	v40 =	vadd.f32 v38, v35  }
0x39b: {  	v7 =	vadd.f32 v7, v37  }
0x39c: {  	[tilespmem:s14+$0x133B0] =	vst v40  }
0x39d: {  	[tilespmem:s14+$0x93B0] =	vst v7  }
0x39e: {  	v7 =	vld [tilespmem:s18+$0x0]  }
0x39f: {  	v8 =	vld [tilespmem:s12+$0x0];
	_ =	sdelay $0x1  }
0x3a0: {  	v41 =	vld [tilespmem:s13+$0x0];
	_ =	sdelay $0x2  }
0x3a1: {  	v8 =	vadd.f32 v8, v7;
	_ =	sdelay $0x1  }
0x3a2: {  	v42 =	vld [tilespmem:$0x18580];
	v8 =	vadd.f32 v8, v41;
	_ =	sdelay $0x1  }
0x3a3: {  	v13 =	vmul.f32 $2.000000030e-01, v8;
	_ =	sdelay $0x1  }
0x3a4: {  	v8 =	vmax.f32 v8, v13  }
0x3a5: {  	v8 =	vmul.f32 v8, v42;
	_ =	sdelay $0x1  }
0x3a6: {  	(xrf2) =	vadd.scan.msk.f32 $0xffff, v8;
	_ =	sdelay $0x9  }
0x3a7: {  	v8, _, _ =	vpop (xrf2)  }
0x3a8: {  	v8 =	vmul.f32 $1.442695020e+00, v8;
	_ =	sdelay $0x1  }
0x3a9: {  	v8 =	vbroadcast v8, $0xF;
	_ =	sdelay $0x1  }
0x3aa: {  	(erf) = vpow2.f32 v8;
	_ =	sdelay $0x5  }
0x3ab: {  	v44 =	vld [tilespmem:s14+$0x133C0]  }
0x3ac: {  	v43 =	vld [tilespmem:s14+$0x93C0];
	_ =	sdelay $0x1  }
0x3ad: {  	v45 =	vpop (erf)  }
0x3ae: {  	v7 =	vmul.f32 v45, v7  }
0x3af: {  	v46 =	vadd.f32 v44, v41  }
0x3b0: {  	v7 =	vadd.f32 v7, v43  }
0x3b1: {  	[tilespmem:s14+$0x133C0] =	vst v46  }
0x3b2: {  	[tilespmem:s14+$0x93C0] =	vst v7  }
0x3b3: {  	v7 =	vld [tilespmem:s18+$0x10]  }
0x3b4: {  	v8 =	vld [tilespmem:s12+$0x10];
	_ =	sdelay $0x1  }
0x3b5: {  	v47 =	vld [tilespmem:s13+$0x10];
	_ =	sdelay $0x2  }
0x3b6: {  	v8 =	vadd.f32 v8, v7;
	_ =	sdelay $0x1  }
0x3b7: {  	v48 =	vld [tilespmem:$0x18600];
	v8 =	vadd.f32 v8, v47;
	_ =	sdelay $0x1  }
0x3b8: {  	v14 =	vmul.f32 $2.000000030e-01, v8;
	_ =	sdelay $0x1  }
0x3b9: {  	v8 =	vmax.f32 v8, v14  }
0x3ba: {  	v8 =	vmul.f32 v8, v48;
	_ =	sdelay $0x1  }
0x3bb: {  	(xrf2) =	vadd.scan.msk.f32 $0xffff, v8;
	_ =	sdelay $0x9  }
0x3bc: {  	v8, _, _ =	vpop (xrf2)  }
0x3bd: {  	v8 =	vmul.f32 $1.442695020e+00, v8;
	_ =	sdelay $0x1  }
0x3be: {  	v8 =	vbroadcast v8, $0xF;
	_ =	sdelay $0x1  }
0x3bf: {  	(erf) = vpow2.f32 v8;
	_ =	sdelay $0x5  }
0x3c0: {  	v50 =	vld [tilespmem:s14+$0x133D0]  }
0x3c1: {  	v49 =	vld [tilespmem:s14+$0x93D0];
	_ =	sdelay $0x1  }
0x3c2: {  	v51 =	vpop (erf)  }
0x3c3: {  	v7 =	vmul.f32 v51, v7  }
0x3c4: {  	v52 =	vadd.f32 v50, v47  }
0x3c5: {  	v7 =	vadd.f32 v7, v49  }
0x3c6: {  	[tilespmem:s14+$0x133D0] =	vst v52  }
0x3c7: {  	[tilespmem:s14+$0x93D0] =	vst v7  }
0x3c8: {  	v7 =	vld [tilespmem:s18+$0x20]  }
0x3c9: {  	v8 =	vld [tilespmem:s12+$0x20];
	_ =	sdelay $0x1  }
0x3ca: {  	v53 =	vld [tilespmem:s13+$0x20];
	_ =	sdelay $0x2  }
0x3cb: {  	v8 =	vadd.f32 v8, v7;
	_ =	sdelay $0x1  }
0x3cc: {  	v54 =	vld [tilespmem:$0x18680];
	v8 =	vadd.f32 v8, v53;
	_ =	sdelay $0x1  }
0x3cd: {  	v15 =	vmul.f32 $2.000000030e-01, v8;
	_ =	sdelay $0x1  }
0x3ce: {  	v8 =	vmax.f32 v8, v15  }
0x3cf: {  	v8 =	vmul.f32 v8, v54;
	_ =	sdelay $0x1  }
0x3d0: {  	(xrf2) =	vadd.scan.msk.f32 $0xffff, v8;
	_ =	sdelay $0x9  }
0x3d1: {  	v8, _, _ =	vpop (xrf2)  }
0x3d2: {  	v8 =	vmul.f32 $1.442695020e+00, v8;
	_ =	sdelay $0x1  }
0x3d3: {  	v8 =	vbroadcast v8, $0xF;
	_ =	sdelay $0x1  }
0x3d4: {  	(erf) = vpow2.f32 v8;
	_ =	sdelay $0x5  }
0x3d5: {  	v56 =	vld [tilespmem:s14+$0x133E0]  }
0x3d6: {  	v55 =	vld [tilespmem:s14+$0x93E0];
	_ =	sdelay $0x1  }
0x3d7: {  	v57 =	vpop (erf)  }
0x3d8: {  	v7 =	vmul.f32 v57, v7  }
0x3d9: {  	v58 =	vadd.f32 v56, v53  }
0x3da: {  	v7 =	vadd.f32 v7, v55  }
0x3db: {  	[tilespmem:s14+$0x133E0] =	vst v58  }
0x3dc: {  	[tilespmem:s14+$0x93E0] =	vst v7  }
0x3dd: {  	v7 =	vld [tilespmem:s18+$0x30]  }
0x3de: {  	v8 =	vld [tilespmem:s12+$0x30];
	_ =	sdelay $0x1  }
0x3df: {  	v59 =	vld [tilespmem:s13+$0x30];
	_ =	sdelay $0x2  }
0x3e0: {  	v8 =	vadd.f32 v8, v7;
	_ =	sdelay $0x1  }
0x3e1: {  	v60 =	vld [tilespmem:$0x18700];
	v8 =	vadd.f32 v8, v59;
	_ =	sdelay $0x1  }
0x3e2: {  	v16 =	vmul.f32 $2.000000030e-01, v8;
	_ =	sdelay $0x1  }
0x3e3: {  	v8 =	vmax.f32 v8, v16  }
0x3e4: {  	v8 =	vmul.f32 v8, v60;
	_ =	sdelay $0x1  }
0x3e5: {  	(xrf2) =	vadd.scan.msk.f32 $0xffff, v8;
	_ =	sdelay $0x9  }
0x3e6: {  	v8, _, _ =	vpop (xrf2)  }
0x3e7: {  	v8 =	vmul.f32 $1.442695020e+00, v8;
	_ =	sdelay $0x1  }
0x3e8: {  	v8 =	vbroadcast v8, $0xF;
	_ =	sdelay $0x1  }
0x3e9: {  	(erf) = vpow2.f32 v8;
	_ =	sdelay $0x2  }
0x3ea: {  	v5 =	vnsel vm0, $0x3F800000, v5  }
0x3eb: {  	v5 =	vsel vm1, v5, v6  }
0x3ec: {  	v5 =	vsel vm2, v5, v33  }
0x3ed: {  	v63 =	vld [tilespmem:s14+$0xE380];
	v5 =	vsel vm3, v5, v39  }
0x3ee: {  	v6 =	vld [tilespmem:s14+$0x93F0];
	v5 =	vsel vm4, v5, v45  }
0x3ef: {  	v61 =	vld [tilespmem:s14+$0x133F0];
	v5 =	vsel vm5, v5, v51  }
0x3f0: {  	v5 =	vsel vm6, v5, v57;
	v62 =	vpop (erf)  }
0x3f1: {  	v7 =	vmul.f32 v62, v7;
	v5 =	vsel vm7, v5, v62  }
.Ltmp27:
0x3f2: {  	v5 =	vadd.f32 v5, v63;
	(pc) =	sbr.rel .LBB2_30-.Ltmp27, $4  }
0x3f3: {  	v6 =	vadd.f32 v7, v6  }
0x3f4: {  	v7 =	vadd.f32 v61, v59;
	[tilespmem:s14+$0xE380] =	vst v5  }
0x3f5: {  	[tilespmem:s14+$0x93F0] =	vst v6  }
0x3f6: {  	[tilespmem:s14+$0x133F0] =	vst v7  }
.LBB2_32:
0x3f7: {  	_ =	sfence.sel $0x180000  }
0x3f8: {  	[bflag:$0x0] =	sbarrier.arrive $0xFFFF  }
0x3f9: {  	_ =	strace $0x90000047  }
0x3fa: {  	s0 =	stileid.u32;
	[bflag:$0x2] =	sbarrier.arrive $0xFFFF  }
0x3fb: {  	p0 =	sne.s32 s0, $0x0;
	s0 =	rddreg [dreg:$0x3]  }
0x3fc: {  	s0 =	sadd.s32 @!p0 $0x100000, s0  }
0x3fd: {  	[sflag:s0] =	ssyncadd.tile.s32 @!p0 $0x1;
	_ =	shalt  }
.Lfunc_end2:
_tile_overlayer_lowered:
.L_overlay_start_2:
0x3fe: {  	(tag) =	ssettag $0x2  }
0x3ff: {  	s0 =	rddreg [dreg:$0x0];
	s2 =	stileid.u32  }
0x400: {  	s1 =	rddreg [dreg:$0x1];
	p0 =	sne.s32 s2, $0x0  }
0x401: {  	s3 =	rddreg [dreg:$0x2];
	[bflag:$0x3] =	sbarrier.arrive $0xFFFF;
	s2 =	simm.s32 @!p0 $0x1C02  }
0x402: {  	[timem:s3], [sflag:s2] =	dma.local @!p0 [hbm:s0], s1  }
0x403: {  	s0 =	simm.s32 @!p0 $0x2  }
0x404: {  	_ =	swait.ge @!p0 [sflag:s0], s1  }
0x405: {  	s1 =	ssub.s32 @!p0 $0x0, s1;
	[sflag:s0] =	ssyncset.done @!p0 $0x0  }
0x406: {  	[sflag:s0] =	ssyncadd.s32 @!p0 s1  }
0x407: {  	[bflag:$0x3] =	sbarrier.arrive $0xFFFF  }
0x408: {  	_ =	shalt  }

</sc_bundles>
